<compile_context>
chip_gen: v7x
topology: tpu7x:2x2x1
jax: 0.10.2.dev20260603
libtpu: 0.0.44.dev20260713+nightly
codegen_flags: <defaults>
</compile_context>

<pallas_src>
import functools
import jax
import jax.numpy as jnp
from jax import lax
from jax.experimental import pallas as pl
from jax.experimental.pallas import tpu as pltpu
from jax.experimental.pallas import tpu_sc as plsc

_B = 8
_N = 20000
_NP = 20480
_CH = 2560
_NSTEP = _NP // _CH
_NCLS = 80
_MAXDET = 100
_NEG = -1e9
_OFF = 4.0 * 512.0

_NSC = 4
_CHUNK = _NP // _NSC
_NCK = _CHUNK // 16


def _decode_kernel(p_ref, anc_ref, nms_ref, dec_ref):
    mx = p_ref[4]
    cidf = jnp.zeros_like(mx)
    for c in range(1, _NCLS):
        v = p_ref[4 + c]
        upd = v > mx
        mx = jnp.where(upd, v, mx)
        cidf = jnp.where(upd, jnp.float32(c), cidf)
    conf = 1.0 / (1.0 + jnp.exp(-mx))
    score = jnp.where(conf > jnp.float32(0.05), conf, _NEG)

    acx = jnp.broadcast_to(anc_ref[0], mx.shape)
    acy = jnp.broadcast_to(anc_ref[1], mx.shape)
    aw = jnp.broadcast_to(anc_ref[2], mx.shape)
    ah = jnp.broadcast_to(anc_ref[3], mx.shape)

    cx = (p_ref[0] * jnp.float32(0.1)) * aw + acx
    cy = (p_ref[1] * jnp.float32(0.1)) * ah + acy
    w = jnp.exp(p_ref[2] * jnp.float32(0.2)) * aw
    h = jnp.exp(p_ref[3] * jnp.float32(0.2)) * ah

    off = cidf * _OFF
    x1o = (cx - w * 0.5) + off
    y1o = (cy - h * 0.5) + off
    x2o = (cx + w * 0.5) + off
    y2o = (cy + h * 0.5) + off
    area = jnp.maximum(x2o - x1o, 0.0) * jnp.maximum(y2o - y1o, 0.0)

    nms_ref[0] = score
    nms_ref[1] = x1o
    nms_ref[2] = y1o
    nms_ref[3] = x2o
    nms_ref[4] = y2o
    nms_ref[5] = area
    dec_ref[0] = cx
    dec_ref[1] = cy
    dec_ref[2] = w
    dec_ref[3] = h
    dec_ref[4] = cidf


def _decode_call(p_t, anc):
    return pl.pallas_call(
        _decode_kernel,
        grid=(_NSTEP,),
        in_specs=[
            pl.BlockSpec((4 + _NCLS, _B, _CH), lambda j: (0, 0, j)),
            pl.BlockSpec((4, 1, _CH), lambda j: (0, 0, j)),
        ],
        out_specs=[
            pl.BlockSpec((6, _B, _CH), lambda j: (0, 0, j)),
            pl.BlockSpec((5, _B, _CH), lambda j: (0, 0, j)),
        ],
        out_shape=[
            jax.ShapeDtypeStruct((6, _B, _NP), jnp.float32),
            jax.ShapeDtypeStruct((5, _B, _NP), jnp.float32),
        ],
    )(p_t, anc)


def _sc_nms_body(nms_hbm, oidx_hbm, oscr_hbm,
                 s_v, x1_v, y1_v, x2_v, y2_v, ab_v,
                 rec_v, grp_v, oi_v, os_v, sh):
    cid = lax.axis_index("c")
    sid = lax.axis_index("s")
    batch = cid * 4 + sid // _NSC
    chunk = sid % _NSC
    base = pl.multiple_of(chunk * _CHUNK, _CHUNK)

    pltpu.sync_copy(nms_hbm.at[0, batch, pl.ds(base, _CHUNK)], s_v)
    pltpu.sync_copy(nms_hbm.at[1, batch, pl.ds(base, _CHUNK)], x1_v)
    pltpu.sync_copy(nms_hbm.at[2, batch, pl.ds(base, _CHUNK)], y1_v)
    pltpu.sync_copy(nms_hbm.at[3, batch, pl.ds(base, _CHUNK)], x2_v)
    pltpu.sync_copy(nms_hbm.at[4, batch, pl.ds(base, _CHUNK)], y2_v)
    pltpu.sync_copy(nms_hbm.at[5, batch, pl.ds(base, _CHUNK)], ab_v)

    iota16 = lax.broadcasted_iota(jnp.int32, (16,), 0)
    g0 = (sid // _NSC) * _NSC

    def amx(k, c):
        m16, ki = c
        v = s_v[pl.ds(pl.multiple_of(k * 16, 16), 16)]
        upd = v > m16
        return (jnp.where(upd, v, m16), jnp.where(upd, k, ki))

    carry0 = lax.fori_loop(
        0, _NCK, amx,
        (jnp.full((16,), -3e38, jnp.float32),
         jnp.zeros((16,), jnp.int32)), unroll=8)

    def step(i, carry):
        m16, ki = carry
        mm = m16
        gg = base + ki * 16 + iota16
        for shx in (1, 2, 4, 8):
            pidx = jnp.bitwise_xor(iota16, shx)
            pm = mm.at[pidx].get(mode="promise_in_bounds")
            pg = gg.at[pidx].get(mode="promise_in_bounds")
            upd = (pm > mm) | ((pm == mm) & (pg < gg))
            mm = jnp.where(upd, pm, mm)
            gg = jnp.where(upd, pg, gg)
        bidx = gg[0]

        loc = bidx - base
        lane = lax.rem(loc, 16)
        koff = pl.multiple_of(loc - lane, 16)
        lanev = iota16 * 0 + lane
        c1 = x1_v[pl.ds(koff, 16)].at[lanev].get(mode="promise_in_bounds")
        c2 = y1_v[pl.ds(koff, 16)].at[lanev].get(mode="promise_in_bounds")
        c3 = x2_v[pl.ds(koff, 16)].at[lanev].get(mode="promise_in_bounds")
        c4 = y2_v[pl.ds(koff, 16)].at[lanev].get(mode="promise_in_bounds")

        rec = jnp.where(iota16 == 0, mm,
              jnp.where(iota16 == 1, gg.astype(jnp.float32),
              jnp.where(iota16 == 2, c1,
              jnp.where(iota16 == 3, c2,
              jnp.where(iota16 == 4, c3,
              jnp.where(iota16 == 5, c4, jnp.float32(0.0)))))))
        rec_v[pl.ds(0, 16)] = rec
        pltpu.sync_copy(rec_v, sh.at[sid])
        plsc.subcore_barrier()

        pltpu.sync_copy(sh.at[pl.ds(g0, _NSC)], grp_v)
        r0 = grp_v[0, pl.ds(0, 16)]
        bs, bif = r0[0], r0[1]
        bx1, by1, bx2, by2 = r0[2], r0[3], r0[4], r0[5]
        for r in range(1, _NSC):
            rr = grp_v[r, pl.ds(0, 16)]
            rs, ri = rr[0], rr[1]
            bet = (rs > bs) | ((rs == bs) & (ri < bif))
            bs = jnp.where(bet, rs, bs)
            bif = jnp.where(bet, ri, bif)
            bx1 = jnp.where(bet, rr[2], bx1)
            by1 = jnp.where(bet, rr[3], by1)
            bx2 = jnp.where(bet, rr[4], bx2)
            by2 = jnp.where(bet, rr[5], by2)
        bii = bif.astype(jnp.int32)

        @pl.when(chunk == 0)
        def _record():
            for r in range(_MAXDET // 16 + 1):
                dsr = pl.ds(r * 16, 16)
                hit = (r * 16 + iota16) == i
                oi_v[dsr] = jnp.where(hit, bii, oi_v[dsr])
                os_v[dsr] = jnp.where(hit, bs, os_v[dsr])

        garea = (jnp.maximum(bx2 - bx1, 0.0) *
                 jnp.maximum(by2 - by1, 0.0) + jnp.float32(1e-8))

        def supk(k, c):
            nm16, nki = c
            dsk = pl.ds(pl.multiple_of(k * 16, 16), 16)
            x1 = x1_v[dsk]
            y1 = y1_v[dsk]
            x2 = x2_v[dsk]
            y2 = y2_v[dsk]
            inter = (jnp.maximum(jnp.minimum(x2, bx2) - jnp.maximum(x1, bx1), 0.0)
                     * jnp.maximum(jnp.minimum(y2, by2) - jnp.maximum(y1, by1), 0.0))
            rhs = ab_v[dsk] + garea
            gi = base + k * 16 + iota16
            sup = (3.0 * inter > rhs) | (gi == bii)
            ns = jnp.where(sup, jnp.float32(_NEG), s_v[dsk])
            s_v[dsk] = ns
            upd = ns > nm16
            return (jnp.where(upd, ns, nm16), jnp.where(upd, k, nki))

        ncarry = lax.fori_loop(
            0, _NCK, supk,
            (jnp.full((16,), -3e38, jnp.float32),
             jnp.zeros((16,), jnp.int32)), unroll=8)
        plsc.subcore_barrier()
        return ncarry

    lax.fori_loop(0, _MAXDET, step, carry0)

    @pl.when(chunk == 0)
    def _writeout():
        pltpu.sync_copy(oi_v, oidx_hbm.at[batch])
        pltpu.sync_copy(os_v, oscr_hbm.at[batch])


def _sc_nms_call(nms_in):
    mesh = plsc.VectorSubcoreMesh(core_axis_name="c", subcore_axis_name="s")
    f = pl.kernel(
        _sc_nms_body,
        out_type=[
            jax.ShapeDtypeStruct((_B, 128), jnp.int32),
            jax.ShapeDtypeStruct((_B, 128), jnp.float32),
        ],
        mesh=mesh,
        scratch_types=[
            pltpu.VMEM((_CHUNK,), jnp.float32),
            pltpu.VMEM((_CHUNK,), jnp.float32),
            pltpu.VMEM((_CHUNK,), jnp.float32),
            pltpu.VMEM((_CHUNK,), jnp.float32),
            pltpu.VMEM((_CHUNK,), jnp.float32),
            pltpu.VMEM((_CHUNK,), jnp.float32),
            pltpu.VMEM((128,), jnp.float32),
            pltpu.VMEM((_NSC, 128), jnp.float32),
            pltpu.VMEM((128,), jnp.int32),
            pltpu.VMEM((128,), jnp.float32),
            pltpu.VMEM_SHARED((16, 128), jnp.float32),
        ],
    )
    return f(nms_in)


def kernel(images, predictions, anchor_boxes):
    del images
    p = jnp.pad(predictions, ((0, 0), (0, _NP - _N), (0, 0)),
                constant_values=-1e9)
    p_t = jnp.transpose(p, (2, 0, 1))
    anc = jnp.pad(anchor_boxes, ((0, _NP - _N), (0, 0)))
    anc_t = jnp.transpose(anc, (1, 0)).reshape(4, 1, _NP)

    nms_in, dec = _decode_call(p_t, anc_t)
    bi, mv = _sc_nms_call(nms_in)

    idx = bi[:, :_MAXDET]
    conf = mv[:, :_MAXDET]
    valid = conf > jnp.float32(-1e8)
    cols = [jnp.take_along_axis(dec[k], idx, axis=1) for k in range(5)]
    out = jnp.stack(cols + [conf], axis=-1)
    return jnp.where(valid[..., None], out, jnp.float32(-1.0))

# --- scband reference (transcript-rebuilt; emitter-appended) ---
"""Pipeline reference for scband-object-detection-prediction-decoder-66099546685869 (READ-ONLY COPY).

The authoritative reference and input builder live on the scoring server;
editing this copy changes nothing except your own understanding.
"""

import jax, jax.numpy as jnp
import numpy as np

B = 8
N = 20000
NUM_CLASSES = 80
IMG = 512
IOU_THRESHOLD = 0.5
CONF_THRESHOLD = 0.05
MAX_DETECTIONS = 100
BOX_VARIANCE = jnp.array([0.1, 0.1, 0.2, 0.2], dtype=jnp.float32)


def setup_inputs(seed: int = 0) -> dict:
    key = jax.random.key(seed)
    k1, k2, k3, k4 = jax.random.split(key, 4)
    images = jax.random.uniform(k1, (B, IMG, IMG, 3), dtype=jnp.float32)
    predictions = jax.random.normal(k2, (B, N, 4 + NUM_CLASSES), dtype=jnp.float32)
    cxy = jax.random.uniform(k3, (N, 2), minval=0.0, maxval=float(IMG), dtype=jnp.float32)
    wh = jax.random.uniform(k4, (N, 2), minval=8.0, maxval=128.0, dtype=jnp.float32)
    anchor_boxes = jnp.concatenate([cxy, wh], axis=-1)
    return {"images": images, "predictions": predictions, "anchor_boxes": anchor_boxes}


def _decode_box_predictions(anchor_boxes, box_predictions):
    # boxes = box_predictions * box_variance, then shift/scale by anchors (cxcywh)
    boxes = box_predictions * BOX_VARIANCE
    xy = boxes[:, :, :2] * anchor_boxes[:, :, 2:] + anchor_boxes[:, :, :2]
    wh = jnp.exp(boxes[:, :, 2:]) * anchor_boxes[:, :, 2:]
    return jnp.concatenate([xy, wh], axis=-1)


def _xywh_to_corners(b):
    cx, cy, w, h = b[..., 0], b[..., 1], b[..., 2], b[..., 3]
    return jnp.stack([cx - w / 2.0, cy - h / 2.0, cx + w / 2.0, cy + h / 2.0], axis=-1)


def _iou_one_vs_all(box, boxes):
    x1 = jnp.maximum(box[0], boxes[:, 0])
    y1 = jnp.maximum(box[1], boxes[:, 1])
    x2 = jnp.minimum(box[2], boxes[:, 2])
    y2 = jnp.minimum(box[3], boxes[:, 3])
    inter = jnp.maximum(x2 - x1, 0.0) * jnp.maximum(y2 - y1, 0.0)
    area_a = jnp.maximum(box[2] - box[0], 0.0) * jnp.maximum(box[3] - box[1], 0.0)
    area_b = jnp.maximum(boxes[:, 2] - boxes[:, 0], 0.0) * jnp.maximum(boxes[:, 3] - boxes[:, 1], 0.0)
    return inter / (area_a + area_b - inter + 1e-8)


def _nms_single(boxes_xywh, corners, classes, confidence):
    # class-aware NMS via per-class coordinate offset trick
    offset = classes * (4.0 * IMG)
    oc = corners + offset[:, None]
    scores0 = jnp.where(confidence > CONF_THRESHOLD, confidence, -1e9)
    n = scores0.shape[0]

    def step(s, _):
        best = jnp.argmax(s)
        v = s[best] > -1e8
        ious = _iou_one_vs_all(oc[best], oc)
        sup = (ious > IOU_THRESHOLD) | (jnp.arange(n) == best)
        s_new = jnp.where(sup, -1e9, s)
        return s_new, (best.astype(jnp.int32), v)

    _, (idxs, valid) = jax.lax.scan(step, scores0, jnp.arange(MAX_DETECTIONS))
    sel = jnp.concatenate([boxes_xywh[idxs], classes[idxs][:, None], confidence[idxs][:, None]], axis=-1)
    return jnp.where(valid[:, None], sel, -1.0)


def reference(images, predictions, anchor_boxes):
    box_predictions = predictions[:, :, :4]
    cls_predictions = jax.nn.sigmoid(predictions[:, :, 4:])
    classes = jnp.argmax(cls_predictions, axis=-1).astype(box_predictions.dtype)
    confidence = jnp.max(cls_predictions, axis=-1)
    boxes = _decode_box_predictions(anchor_boxes[None, ...], box_predictions)
    corners = _xywh_to_corners(boxes)
    return jax.vmap(_nms_single)(boxes, corners, classes, confidence)

if __name__ == "__main__":
    import jax
    _d = setup_inputs()
    print(jax.jit(kernel)(*tuple(_d.values())))

</pallas_src>

<mosaic_0001>
#map = affine_map<(d0, d1) -> (0, 0, 0)>
#map1 = affine_map<(d0, d1) -> (0, 0)>
module attributes {stable_mosaic.version = 14 : i64} {
  func.func @_sc_nms_body(%arg0: i32, %arg1: i32, %arg2: memref<6x8x20480xf32, #tpu.memory_space<hbm>>, %arg3: memref<8x128xi32, #tpu.memory_space<hbm>>, %arg4: memref<8x128xf32, #tpu.memory_space<hbm>>, %arg5: memref<5120xf32, #tpu.memory_space<vmem>>, %arg6: memref<5120xf32, #tpu.memory_space<vmem>>, %arg7: memref<5120xf32, #tpu.memory_space<vmem>>, %arg8: memref<5120xf32, #tpu.memory_space<vmem>>, %arg9: memref<5120xf32, #tpu.memory_space<vmem>>, %arg10: memref<5120xf32, #tpu.memory_space<vmem>>, %arg11: memref<128xf32, #tpu.memory_space<vmem>>, %arg12: memref<4x128xf32, #tpu.memory_space<vmem>>, %arg13: memref<128xi32, #tpu.memory_space<vmem>>, %arg14: memref<128xf32, #tpu.memory_space<vmem>>, %arg15: memref<16x128xf32, #tpu.memory_space<vmem_shared>>) attributes {dimension_semantics = [#tpu.dimension_semantics<core_parallel>, #tpu.dimension_semantics<subcore_parallel>], iteration_bounds = array<i64: 2, 16>, scalar_prefetch = 0 : i64, scratch_operands = 11 : i64, tpu.core_type = #tpu.core_type<sc_vector_subcore>, window_params = [{transform_indices = #map}, {transform_indices = #map1}, {transform_indices = #map1}]} {
    %mul3A = arith.constant 4 : i32
    %mul3A_0 = arith.muli %arg0, %mul3A : i32
    %jit3A = arith.constant 4 : i32
    %div3A = arith.divsi %arg1, %jit3A : i32
    %sign3A = arith.constant 0 : i32
    %sign3A_1 = arith.cmpi sgt, %arg1, %sign3A : i32
    %sign3A_2 = arith.extui %sign3A_1 : i1 to i32
    %sign3A_3 = arith.constant 0 : i32
    %sign3A_4 = arith.cmpi slt, %arg1, %sign3A_3 : i32
    %sign3A_5 = arith.extui %sign3A_4 : i1 to i32
    %sign3A_6 = arith.subi %sign3A_2, %sign3A_5 : i32
    %sign3A_7 = arith.constant 0 : i32
    %sign3A_8 = arith.cmpi sgt, %jit3A, %sign3A_7 : i32
    %sign3A_9 = arith.extui %sign3A_8 : i1 to i32
    %sign3A_10 = arith.constant 0 : i32
    %sign3A_11 = arith.cmpi slt, %jit3A, %sign3A_10 : i32
    %sign3A_12 = arith.extui %sign3A_11 : i1 to i32
    %sign3A_13 = arith.subi %sign3A_9, %sign3A_12 : i32
    %ne3A = arith.cmpi ne, %sign3A_6, %sign3A_13 : i32
    %rem3A = arith.remsi %arg1, %jit3A : i32
    %ne3A_14 = arith.constant 0 : i32
    %ne3A_15 = arith.cmpi ne, %rem3A, %ne3A_14 : i32
    %and3A = arith.andi %ne3A, %ne3A_15 : i1
    %sub3A = arith.constant 1 : i32
    %sub3A_16 = arith.subi %div3A, %sub3A : i32
    %select_n3A = arith.select %and3A, %sub3A_16, %div3A : i32
    %add3A = arith.addi %mul3A_0, %select_n3A : i32
    %jit3A_17 = arith.constant 4 : i32
    %eq3A = arith.constant 0 : i32
    %eq3A_18 = arith.cmpi eq, %jit3A_17, %eq3A : i32
    %jit3A_19 = arith.constant 1 : i32
    %select_n3A_20 = arith.select %eq3A_18, %jit3A_19, %jit3A_17 : i32
    %rem3A_21 = arith.remsi %arg1, %select_n3A_20 : i32
    %ne3A_22 = arith.constant 0 : i32
    %ne3A_23 = arith.cmpi ne, %rem3A_21, %ne3A_22 : i32
    %lt3A = arith.constant 0 : i32
    %lt3A_24 = arith.cmpi slt, %rem3A_21, %lt3A : i32
    %lt3A_25 = arith.constant 0 : i32
    %lt3A_26 = arith.cmpi slt, %select_n3A_20, %lt3A_25 : i32
    %ne3A_27 = arith.xori %lt3A_24, %lt3A_26 : i1
    %and3A_28 = arith.andi %ne3A_27, %ne3A_23 : i1
    %add3A_29 = arith.addi %rem3A_21, %select_n3A_20 : i32
    %select_n3A_30 = arith.select %and3A_28, %add3A_29, %rem3A_21 : i32
    %mul3A_31 = arith.constant 5120 : i32
    %mul3A_32 = arith.muli %select_n3A_30, %mul3A_31 : i32
    %multiple_of3A = tpu.assume_multiple %mul3A_32, 5120 : i32
    %run_scoped3A = arith.constant 0 : i32
    "tpu.region"() ({
      %run_scoped3A_81 = tpu.sem_alloc : memref<!tpu.dma_semaphore, #tpu.memory_space<semaphore_mem>>
      %dma_start3A = tpu.memref_slice %arg2[%run_scoped3A, %add3A, %multiple_of3A] : memref<6x8x20480xf32, #tpu.memory_space<hbm>> -> memref<1x1x5120xf32, #tpu.memory_space<hbm>>
      %dma_start3A_82 = tpu.memref_squeeze %dma_start3A : memref<1x1x5120xf32, #tpu.memory_space<hbm>> -> memref<5120xf32, #tpu.memory_space<hbm>>
      %dma_start3A_83 = tpu.memref_slice %arg2[%run_scoped3A, %add3A, %multiple_of3A] : memref<6x8x20480xf32, #tpu.memory_space<hbm>> -> memref<1x1x5120xf32, #tpu.memory_space<hbm>>
      %dma_start3A_84 = tpu.memref_squeeze %dma_start3A_83 : memref<1x1x5120xf32, #tpu.memory_space<hbm>> -> memref<5120xf32, #tpu.memory_space<hbm>>
      tpu.enqueue_dma source(%dma_start3A_84 : memref<5120xf32, #tpu.memory_space<hbm>>) target(%arg5 : memref<5120xf32, #tpu.memory_space<vmem>>) target_semaphore(%run_scoped3A_81 : memref<!tpu.dma_semaphore, #tpu.memory_space<semaphore_mem>>)
      %dma_wait3A = tpu.memref_slice %arg2[%run_scoped3A, %add3A, %multiple_of3A] : memref<6x8x20480xf32, #tpu.memory_space<hbm>> -> memref<1x1x5120xf32, #tpu.memory_space<hbm>>
      %dma_wait3A_85 = tpu.memref_squeeze %dma_wait3A : memref<1x1x5120xf32, #tpu.memory_space<hbm>> -> memref<5120xf32, #tpu.memory_space<hbm>>
      %dma_wait3A_86 = tpu.memref_slice %arg2[%run_scoped3A, %add3A, %multiple_of3A] : memref<6x8x20480xf32, #tpu.memory_space<hbm>> -> memref<1x1x5120xf32, #tpu.memory_space<hbm>>
      %dma_wait3A_87 = tpu.memref_squeeze %dma_wait3A_86 : memref<1x1x5120xf32, #tpu.memory_space<hbm>> -> memref<5120xf32, #tpu.memory_space<hbm>>
      tpu.wait_dma2 semaphore(%run_scoped3A_81 : memref<!tpu.dma_semaphore, #tpu.memory_space<semaphore_mem>>) src(%dma_wait3A_87 : memref<5120xf32, #tpu.memory_space<hbm>>) dst(%arg5 : memref<5120xf32, #tpu.memory_space<vmem>>)
      tpu.yield
    }) : () -> ()
    %run_scoped3A_33 = arith.constant 1 : i32
    "tpu.region"() ({
      %run_scoped3A_81 = tpu.sem_alloc : memref<!tpu.dma_semaphore, #tpu.memory_space<semaphore_mem>>
      %dma_start3A = tpu.memref_slice %arg2[%run_scoped3A_33, %add3A, %multiple_of3A] : memref<6x8x20480xf32, #tpu.memory_space<hbm>> -> memref<1x1x5120xf32, #tpu.memory_space<hbm>>
      %dma_start3A_82 = tpu.memref_squeeze %dma_start3A : memref<1x1x5120xf32, #tpu.memory_space<hbm>> -> memref<5120xf32, #tpu.memory_space<hbm>>
      %dma_start3A_83 = tpu.memref_slice %arg2[%run_scoped3A_33, %add3A, %multiple_of3A] : memref<6x8x20480xf32, #tpu.memory_space<hbm>> -> memref<1x1x5120xf32, #tpu.memory_space<hbm>>
      %dma_start3A_84 = tpu.memref_squeeze %dma_start3A_83 : memref<1x1x5120xf32, #tpu.memory_space<hbm>> -> memref<5120xf32, #tpu.memory_space<hbm>>
      tpu.enqueue_dma source(%dma_start3A_84 : memref<5120xf32, #tpu.memory_space<hbm>>) target(%arg6 : memref<5120xf32, #tpu.memory_space<vmem>>) target_semaphore(%run_scoped3A_81 : memref<!tpu.dma_semaphore, #tpu.memory_space<semaphore_mem>>)
      %dma_wait3A = tpu.memref_slice %arg2[%run_scoped3A_33, %add3A, %multiple_of3A] : memref<6x8x20480xf32, #tpu.memory_space<hbm>> -> memref<1x1x5120xf32, #tpu.memory_space<hbm>>
      %dma_wait3A_85 = tpu.memref_squeeze %dma_wait3A : memref<1x1x5120xf32, #tpu.memory_space<hbm>> -> memref<5120xf32, #tpu.memory_space<hbm>>
      %dma_wait3A_86 = tpu.memref_slice %arg2[%run_scoped3A_33, %add3A, %multiple_of3A] : memref<6x8x20480xf32, #tpu.memory_space<hbm>> -> memref<1x1x5120xf32, #tpu.memory_space<hbm>>
      %dma_wait3A_87 = tpu.memref_squeeze %dma_wait3A_86 : memref<1x1x5120xf32, #tpu.memory_space<hbm>> -> memref<5120xf32, #tpu.memory_space<hbm>>
      tpu.wait_dma2 semaphore(%run_scoped3A_81 : memref<!tpu.dma_semaphore, #tpu.memory_space<semaphore_mem>>) src(%dma_wait3A_87 : memref<5120xf32, #tpu.memory_space<hbm>>) dst(%arg6 : memref<5120xf32, #tpu.memory_space<vmem>>)
      tpu.yield
    }) : () -> ()
    %run_scoped3A_34 = arith.constant 2 : i32
    "tpu.region"() ({
      %run_scoped3A_81 = tpu.sem_alloc : memref<!tpu.dma_semaphore, #tpu.memory_space<semaphore_mem>>
      %dma_start3A = tpu.memref_slice %arg2[%run_scoped3A_34, %add3A, %multiple_of3A] : memref<6x8x20480xf32, #tpu.memory_space<hbm>> -> memref<1x1x5120xf32, #tpu.memory_space<hbm>>
      %dma_start3A_82 = tpu.memref_squeeze %dma_start3A : memref<1x1x5120xf32, #tpu.memory_space<hbm>> -> memref<5120xf32, #tpu.memory_space<hbm>>
      %dma_start3A_83 = tpu.memref_slice %arg2[%run_scoped3A_34, %add3A, %multiple_of3A] : memref<6x8x20480xf32, #tpu.memory_space<hbm>> -> memref<1x1x5120xf32, #tpu.memory_space<hbm>>
      %dma_start3A_84 = tpu.memref_squeeze %dma_start3A_83 : memref<1x1x5120xf32, #tpu.memory_space<hbm>> -> memref<5120xf32, #tpu.memory_space<hbm>>
      tpu.enqueue_dma source(%dma_start3A_84 : memref<5120xf32, #tpu.memory_space<hbm>>) target(%arg7 : memref<5120xf32, #tpu.memory_space<vmem>>) target_semaphore(%run_scoped3A_81 : memref<!tpu.dma_semaphore, #tpu.memory_space<semaphore_mem>>)
      %dma_wait3A = tpu.memref_slice %arg2[%run_scoped3A_34, %add3A, %multiple_of3A] : memref<6x8x20480xf32, #tpu.memory_space<hbm>> -> memref<1x1x5120xf32, #tpu.memory_space<hbm>>
      %dma_wait3A_85 = tpu.memref_squeeze %dma_wait3A : memref<1x1x5120xf32, #tpu.memory_space<hbm>> -> memref<5120xf32, #tpu.memory_space<hbm>>
      %dma_wait3A_86 = tpu.memref_slice %arg2[%run_scoped3A_34, %add3A, %multiple_of3A] : memref<6x8x20480xf32, #tpu.memory_space<hbm>> -> memref<1x1x5120xf32, #tpu.memory_space<hbm>>
      %dma_wait3A_87 = tpu.memref_squeeze %dma_wait3A_86 : memref<1x1x5120xf32, #tpu.memory_space<hbm>> -> memref<5120xf32, #tpu.memory_space<hbm>>
      tpu.wait_dma2 semaphore(%run_scoped3A_81 : memref<!tpu.dma_semaphore, #tpu.memory_space<semaphore_mem>>) src(%dma_wait3A_87 : memref<5120xf32, #tpu.memory_space<hbm>>) dst(%arg7 : memref<5120xf32, #tpu.memory_space<vmem>>)
      tpu.yield
    }) : () -> ()
    %run_scoped3A_35 = arith.constant 3 : i32
    "tpu.region"() ({
      %run_scoped3A_81 = tpu.sem_alloc : memref<!tpu.dma_semaphore, #tpu.memory_space<semaphore_mem>>
      %dma_start3A = tpu.memref_slice %arg2[%run_scoped3A_35, %add3A, %multiple_of3A] : memref<6x8x20480xf32, #tpu.memory_space<hbm>> -> memref<1x1x5120xf32, #tpu.memory_space<hbm>>
      %dma_start3A_82 = tpu.memref_squeeze %dma_start3A : memref<1x1x5120xf32, #tpu.memory_space<hbm>> -> memref<5120xf32, #tpu.memory_space<hbm>>
      %dma_start3A_83 = tpu.memref_slice %arg2[%run_scoped3A_35, %add3A, %multiple_of3A] : memref<6x8x20480xf32, #tpu.memory_space<hbm>> -> memref<1x1x5120xf32, #tpu.memory_space<hbm>>
      %dma_start3A_84 = tpu.memref_squeeze %dma_start3A_83 : memref<1x1x5120xf32, #tpu.memory_space<hbm>> -> memref<5120xf32, #tpu.memory_space<hbm>>
      tpu.enqueue_dma source(%dma_start3A_84 : memref<5120xf32, #tpu.memory_space<hbm>>) target(%arg8 : memref<5120xf32, #tpu.memory_space<vmem>>) target_semaphore(%run_scoped3A_81 : memref<!tpu.dma_semaphore, #tpu.memory_space<semaphore_mem>>)
      %dma_wait3A = tpu.memref_slice %arg2[%run_scoped3A_35, %add3A, %multiple_of3A] : memref<6x8x20480xf32, #tpu.memory_space<hbm>> -> memref<1x1x5120xf32, #tpu.memory_space<hbm>>
      %dma_wait3A_85 = tpu.memref_squeeze %dma_wait3A : memref<1x1x5120xf32, #tpu.memory_space<hbm>> -> memref<5120xf32, #tpu.memory_space<hbm>>
      %dma_wait3A_86 = tpu.memref_slice %arg2[%run_scoped3A_35, %add3A, %multiple_of3A] : memref<6x8x20480xf32, #tpu.memory_space<hbm>> -> memref<1x1x5120xf32, #tpu.memory_space<hbm>>
      %dma_wait3A_87 = tpu.memref_squeeze %dma_wait3A_86 : memref<1x1x5120xf32, #tpu.memory_space<hbm>> -> memref<5120xf32, #tpu.memory_space<hbm>>
      tpu.wait_dma2 semaphore(%run_scoped3A_81 : memref<!tpu.dma_semaphore, #tpu.memory_space<semaphore_mem>>) src(%dma_wait3A_87 : memref<5120xf32, #tpu.memory_space<hbm>>) dst(%arg8 : memref<5120xf32, #tpu.memory_space<vmem>>)
      tpu.yield
    }) : () -> ()
    %run_scoped3A_36 = arith.constant 4 : i32
    "tpu.region"() ({
      %run_scoped3A_81 = tpu.sem_alloc : memref<!tpu.dma_semaphore, #tpu.memory_space<semaphore_mem>>
      %dma_start3A = tpu.memref_slice %arg2[%run_scoped3A_36, %add3A, %multiple_of3A] : memref<6x8x20480xf32, #tpu.memory_space<hbm>> -> memref<1x1x5120xf32, #tpu.memory_space<hbm>>
      %dma_start3A_82 = tpu.memref_squeeze %dma_start3A : memref<1x1x5120xf32, #tpu.memory_space<hbm>> -> memref<5120xf32, #tpu.memory_space<hbm>>
      %dma_start3A_83 = tpu.memref_slice %arg2[%run_scoped3A_36, %add3A, %multiple_of3A] : memref<6x8x20480xf32, #tpu.memory_space<hbm>> -> memref<1x1x5120xf32, #tpu.memory_space<hbm>>
      %dma_start3A_84 = tpu.memref_squeeze %dma_start3A_83 : memref<1x1x5120xf32, #tpu.memory_space<hbm>> -> memref<5120xf32, #tpu.memory_space<hbm>>
      tpu.enqueue_dma source(%dma_start3A_84 : memref<5120xf32, #tpu.memory_space<hbm>>) target(%arg9 : memref<5120xf32, #tpu.memory_space<vmem>>) target_semaphore(%run_scoped3A_81 : memref<!tpu.dma_semaphore, #tpu.memory_space<semaphore_mem>>)
      %dma_wait3A = tpu.memref_slice %arg2[%run_scoped3A_36, %add3A, %multiple_of3A] : memref<6x8x20480xf32, #tpu.memory_space<hbm>> -> memref<1x1x5120xf32, #tpu.memory_space<hbm>>
      %dma_wait3A_85 = tpu.memref_squeeze %dma_wait3A : memref<1x1x5120xf32, #tpu.memory_space<hbm>> -> memref<5120xf32, #tpu.memory_space<hbm>>
      %dma_wait3A_86 = tpu.memref_slice %arg2[%run_scoped3A_36, %add3A, %multiple_of3A] : memref<6x8x20480xf32, #tpu.memory_space<hbm>> -> memref<1x1x5120xf32, #tpu.memory_space<hbm>>
      %dma_wait3A_87 = tpu.memref_squeeze %dma_wait3A_86 : memref<1x1x5120xf32, #tpu.memory_space<hbm>> -> memref<5120xf32, #tpu.memory_space<hbm>>
      tpu.wait_dma2 semaphore(%run_scoped3A_81 : memref<!tpu.dma_semaphore, #tpu.memory_space<semaphore_mem>>) src(%dma_wait3A_87 : memref<5120xf32, #tpu.memory_space<hbm>>) dst(%arg9 : memref<5120xf32, #tpu.memory_space<vmem>>)
      tpu.yield
    }) : () -> ()
    %run_scoped3A_37 = arith.constant 5 : i32
    "tpu.region"() ({
      %run_scoped3A_81 = tpu.sem_alloc : memref<!tpu.dma_semaphore, #tpu.memory_space<semaphore_mem>>
      %dma_start3A = tpu.memref_slice %arg2[%run_scoped3A_37, %add3A, %multiple_of3A] : memref<6x8x20480xf32, #tpu.memory_space<hbm>> -> memref<1x1x5120xf32, #tpu.memory_space<hbm>>
      %dma_start3A_82 = tpu.memref_squeeze %dma_start3A : memref<1x1x5120xf32, #tpu.memory_space<hbm>> -> memref<5120xf32, #tpu.memory_space<hbm>>
      %dma_start3A_83 = tpu.memref_slice %arg2[%run_scoped3A_37, %add3A, %multiple_of3A] : memref<6x8x20480xf32, #tpu.memory_space<hbm>> -> memref<1x1x5120xf32, #tpu.memory_space<hbm>>
      %dma_start3A_84 = tpu.memref_squeeze %dma_start3A_83 : memref<1x1x5120xf32, #tpu.memory_space<hbm>> -> memref<5120xf32, #tpu.memory_space<hbm>>
      tpu.enqueue_dma source(%dma_start3A_84 : memref<5120xf32, #tpu.memory_space<hbm>>) target(%arg10 : memref<5120xf32, #tpu.memory_space<vmem>>) target_semaphore(%run_scoped3A_81 : memref<!tpu.dma_semaphore, #tpu.memory_space<semaphore_mem>>)
      %dma_wait3A = tpu.memref_slice %arg2[%run_scoped3A_37, %add3A, %multiple_of3A] : memref<6x8x20480xf32, #tpu.memory_space<hbm>> -> memref<1x1x5120xf32, #tpu.memory_space<hbm>>
      %dma_wait3A_85 = tpu.memref_squeeze %dma_wait3A : memref<1x1x5120xf32, #tpu.memory_space<hbm>> -> memref<5120xf32, #tpu.memory_space<hbm>>
      %dma_wait3A_86 = tpu.memref_slice %arg2[%run_scoped3A_37, %add3A, %multiple_of3A] : memref<6x8x20480xf32, #tpu.memory_space<hbm>> -> memref<1x1x5120xf32, #tpu.memory_space<hbm>>
      %dma_wait3A_87 = tpu.memref_squeeze %dma_wait3A_86 : memref<1x1x5120xf32, #tpu.memory_space<hbm>> -> memref<5120xf32, #tpu.memory_space<hbm>>
      tpu.wait_dma2 semaphore(%run_scoped3A_81 : memref<!tpu.dma_semaphore, #tpu.memory_space<semaphore_mem>>) src(%dma_wait3A_87 : memref<5120xf32, #tpu.memory_space<hbm>>) dst(%arg10 : memref<5120xf32, #tpu.memory_space<vmem>>)
      tpu.yield
    }) : () -> ()
    %iota3A = tpu.iota {dimensions = array<i32: 0>} : vector<16xi32>
    %jit3A_38 = arith.constant 4 : i32
    %div3A_39 = arith.divsi %arg1, %jit3A_38 : i32
    %sign3A_40 = arith.constant 0 : i32
    %sign3A_41 = arith.cmpi sgt, %arg1, %sign3A_40 : i32
    %sign3A_42 = arith.extui %sign3A_41 : i1 to i32
    %sign3A_43 = arith.constant 0 : i32
    %sign3A_44 = arith.cmpi slt, %arg1, %sign3A_43 : i32
    %sign3A_45 = arith.extui %sign3A_44 : i1 to i32
    %sign3A_46 = arith.subi %sign3A_42, %sign3A_45 : i32
    %sign3A_47 = arith.constant 0 : i32
    %sign3A_48 = arith.cmpi sgt, %jit3A_38, %sign3A_47 : i32
    %sign3A_49 = arith.extui %sign3A_48 : i1 to i32
    %sign3A_50 = arith.constant 0 : i32
    %sign3A_51 = arith.cmpi slt, %jit3A_38, %sign3A_50 : i32
    %sign3A_52 = arith.extui %sign3A_51 : i1 to i32
    %sign3A_53 = arith.subi %sign3A_49, %sign3A_52 : i32
    %ne3A_54 = arith.cmpi ne, %sign3A_46, %sign3A_53 : i32
    %rem3A_55 = arith.remsi %arg1, %jit3A_38 : i32
    %ne3A_56 = arith.constant 0 : i32
    %ne3A_57 = arith.cmpi ne, %rem3A_55, %ne3A_56 : i32
    %and3A_58 = arith.andi %ne3A_54, %ne3A_57 : i1
    %sub3A_59 = arith.constant 1 : i32
    %sub3A_60 = arith.subi %div3A_39, %sub3A_59 : i32
    %select_n3A_61 = arith.select %and3A_58, %sub3A_60, %div3A_39 : i32
    %mul3A_62 = arith.constant 4 : i32
    %mul3A_63 = arith.muli %select_n3A_61, %mul3A_62 : i32
    %broadcast_in_dim3A = arith.constant -3.000000e+38 : f32
    %broadcast_in_dim3A_64 = vector.broadcast %broadcast_in_dim3A : f32 to vector<16xf32>
    %broadcast_in_dim3A_65 = arith.constant 0 : i32
    %broadcast_in_dim3A_66 = vector.broadcast %broadcast_in_dim3A_65 : i32 to vector<16xi32>
    %scan3A = arith.constant 0 : i32
    %scan3A_67 = arith.constant 320 : i32
    %scan3A_68 = arith.addi %scan3A, %scan3A_67 : i32
    %scan3A_69 = arith.constant 8 : i32
    %scan3A_70:2 = scf.for %scan3A_81 = %scan3A to %scan3A_68 step %scan3A_69 iter_args(%scan3A_82 = %broadcast_in_dim3A_64, %scan3A_83 = %broadcast_in_dim3A_66) -> (vector<16xf32>, vector<16xi32>)  : i32 {
      %mul3A_84 = arith.constant 16 : i32
      %mul3A_85 = arith.muli %scan3A_81, %mul3A_84 : i32
      %multiple_of3A_86 = tpu.assume_multiple %mul3A_85, 16 : i32
      %get3A = arith.index_cast %multiple_of3A_86 : i32 to index
      %get3A_87 = tpu.vector_load %arg5[%get3A] {strides = array<i32>} : memref<5120xf32, #tpu.memory_space<vmem>>, vector<16xf32>,
      %get3A_88 = vector.shape_cast %get3A_87 : vector<16xf32> to vector<16xf32>
      %gt3A = arith.cmpf ogt, %get3A_88, %scan3A_82 : vector<16xf32>
      %select_n3A_89 = arith.select %gt3A, %get3A_88, %scan3A_82 : vector<16xi1>, vector<16xf32>
      %broadcast_in_dim3A_90 = vector.broadcast %scan3A_81 : i32 to vector<16xi32>
      %select_n3A_91 = arith.select %gt3A, %broadcast_in_dim3A_90, %scan3A_83 : vector<16xi1>, vector<16xi32>
      %scan3A_92 = arith.constant 1 : i32
      %scan3A_93 = arith.addi %scan3A_81, %scan3A_92 : i32
      %mul3A_94 = arith.constant 16 : i32
      %mul3A_95 = arith.muli %scan3A_93, %mul3A_94 : i32
      %multiple_of3A_96 = tpu.assume_multiple %mul3A_95, 16 : i32
      %get3A_97 = arith.index_cast %multiple_of3A_96 : i32 to index
      %get3A_98 = tpu.vector_load %arg5[%get3A_97] {strides = array<i32>} : memref<5120xf32, #tpu.memory_space<vmem>>, vector<16xf32>,
      %get3A_99 = vector.shape_cast %get3A_98 : vector<16xf32> to vector<16xf32>
      %gt3A_100 = arith.cmpf ogt, %get3A_99, %select_n3A_89 : vector<16xf32>
      %select_n3A_101 = arith.select %gt3A_100, %get3A_99, %select_n3A_89 : vector<16xi1>, vector<16xf32>
      %broadcast_in_dim3A_102 = vector.broadcast %scan3A_93 : i32 to vector<16xi32>
      %select_n3A_103 = arith.select %gt3A_100, %broadcast_in_dim3A_102, %select_n3A_91 : vector<16xi1>, vector<16xi32>
      %scan3A_104 = arith.constant 2 : i32
      %scan3A_105 = arith.addi %scan3A_81, %scan3A_104 : i32
      %mul3A_106 = arith.constant 16 : i32
      %mul3A_107 = arith.muli %scan3A_105, %mul3A_106 : i32
      %multiple_of3A_108 = tpu.assume_multiple %mul3A_107, 16 : i32
      %get3A_109 = arith.index_cast %multiple_of3A_108 : i32 to index
      %get3A_110 = tpu.vector_load %arg5[%get3A_109] {strides = array<i32>} : memref<5120xf32, #tpu.memory_space<vmem>>, vector<16xf32>,
      %get3A_111 = vector.shape_cast %get3A_110 : vector<16xf32> to vector<16xf32>
      %gt3A_112 = arith.cmpf ogt, %get3A_111, %select_n3A_101 : vector<16xf32>
      %select_n3A_113 = arith.select %gt3A_112, %get3A_111, %select_n3A_101 : vector<16xi1>, vector<16xf32>
      %broadcast_in_dim3A_114 = vector.broadcast %scan3A_105 : i32 to vector<16xi32>
      %select_n3A_115 = arith.select %gt3A_112, %broadcast_in_dim3A_114, %select_n3A_103 : vector<16xi1>, vector<16xi32>
      %scan3A_116 = arith.constant 3 : i32
      %scan3A_117 = arith.addi %scan3A_81, %scan3A_116 : i32
      %mul3A_118 = arith.constant 16 : i32
      %mul3A_119 = arith.muli %scan3A_117, %mul3A_118 : i32
      %multiple_of3A_120 = tpu.assume_multiple %mul3A_119, 16 : i32
      %get3A_121 = arith.index_cast %multiple_of3A_120 : i32 to index
      %get3A_122 = tpu.vector_load %arg5[%get3A_121] {strides = array<i32>} : memref<5120xf32, #tpu.memory_space<vmem>>, vector<16xf32>,
      %get3A_123 = vector.shape_cast %get3A_122 : vector<16xf32> to vector<16xf32>
      %gt3A_124 = arith.cmpf ogt, %get3A_123, %select_n3A_113 : vector<16xf32>
      %select_n3A_125 = arith.select %gt3A_124, %get3A_123, %select_n3A_113 : vector<16xi1>, vector<16xf32>
      %broadcast_in_dim3A_126 = vector.broadcast %scan3A_117 : i32 to vector<16xi32>
      %select_n3A_127 = arith.select %gt3A_124, %broadcast_in_dim3A_126, %select_n3A_115 : vector<16xi1>, vector<16xi32>
      %scan3A_128 = arith.constant 4 : i32
      %scan3A_129 = arith.addi %scan3A_81, %scan3A_128 : i32
      %mul3A_130 = arith.constant 16 : i32
      %mul3A_131 = arith.muli %scan3A_129, %mul3A_130 : i32
      %multiple_of3A_132 = tpu.assume_multiple %mul3A_131, 16 : i32
      %get3A_133 = arith.index_cast %multiple_of3A_132 : i32 to index
      %get3A_134 = tpu.vector_load %arg5[%get3A_133] {strides = array<i32>} : memref<5120xf32, #tpu.memory_space<vmem>>, vector<16xf32>,
      %get3A_135 = vector.shape_cast %get3A_134 : vector<16xf32> to vector<16xf32>
      %gt3A_136 = arith.cmpf ogt, %get3A_135, %select_n3A_125 : vector<16xf32>
      %select_n3A_137 = arith.select %gt3A_136, %get3A_135, %select_n3A_125 : vector<16xi1>, vector<16xf32>
      %broadcast_in_dim3A_138 = vector.broadcast %scan3A_129 : i32 to vector<16xi32>
      %select_n3A_139 = arith.select %gt3A_136, %broadcast_in_dim3A_138, %select_n3A_127 : vector<16xi1>, vector<16xi32>
      %scan3A_140 = arith.constant 5 : i32
      %scan3A_141 = arith.addi %scan3A_81, %scan3A_140 : i32
      %mul3A_142 = arith.constant 16 : i32
      %mul3A_143 = arith.muli %scan3A_141, %mul3A_142 : i32
      %multiple_of3A_144 = tpu.assume_multiple %mul3A_143, 16 : i32
      %get3A_145 = arith.index_cast %multiple_of3A_144 : i32 to index
      %get3A_146 = tpu.vector_load %arg5[%get3A_145] {strides = array<i32>} : memref<5120xf32, #tpu.memory_space<vmem>>, vector<16xf32>,
      %get3A_147 = vector.shape_cast %get3A_146 : vector<16xf32> to vector<16xf32>
      %gt3A_148 = arith.cmpf ogt, %get3A_147, %select_n3A_137 : vector<16xf32>
      %select_n3A_149 = arith.select %gt3A_148, %get3A_147, %select_n3A_137 : vector<16xi1>, vector<16xf32>
      %broadcast_in_dim3A_150 = vector.broadcast %scan3A_141 : i32 to vector<16xi32>
      %select_n3A_151 = arith.select %gt3A_148, %broadcast_in_dim3A_150, %select_n3A_139 : vector<16xi1>, vector<16xi32>
      %scan3A_152 = arith.constant 6 : i32
      %scan3A_153 = arith.addi %scan3A_81, %scan3A_152 : i32
      %mul3A_154 = arith.constant 16 : i32
      %mul3A_155 = arith.muli %scan3A_153, %mul3A_154 : i32
      %multiple_of3A_156 = tpu.assume_multiple %mul3A_155, 16 : i32
      %get3A_157 = arith.index_cast %multiple_of3A_156 : i32 to index
      %get3A_158 = tpu.vector_load %arg5[%get3A_157] {strides = array<i32>} : memref<5120xf32, #tpu.memory_space<vmem>>, vector<16xf32>,
      %get3A_159 = vector.shape_cast %get3A_158 : vector<16xf32> to vector<16xf32>
      %gt3A_160 = arith.cmpf ogt, %get3A_159, %select_n3A_149 : vector<16xf32>
      %select_n3A_161 = arith.select %gt3A_160, %get3A_159, %select_n3A_149 : vector<16xi1>, vector<16xf32>
      %broadcast_in_dim3A_162 = vector.broadcast %scan3A_153 : i32 to vector<16xi32>
      %select_n3A_163 = arith.select %gt3A_160, %broadcast_in_dim3A_162, %select_n3A_151 : vector<16xi1>, vector<16xi32>
      %scan3A_164 = arith.constant 7 : i32
      %scan3A_165 = arith.addi %scan3A_81, %scan3A_164 : i32
      %mul3A_166 = arith.constant 16 : i32
      %mul3A_167 = arith.muli %scan3A_165, %mul3A_166 : i32
      %multiple_of3A_168 = tpu.assume_multiple %mul3A_167, 16 : i32
      %get3A_169 = arith.index_cast %multiple_of3A_168 : i32 to index
      %get3A_170 = tpu.vector_load %arg5[%get3A_169] {strides = array<i32>} : memref<5120xf32, #tpu.memory_space<vmem>>, vector<16xf32>,
      %get3A_171 = vector.shape_cast %get3A_170 : vector<16xf32> to vector<16xf32>
      %gt3A_172 = arith.cmpf ogt, %get3A_171, %select_n3A_161 : vector<16xf32>
      %select_n3A_173 = arith.select %gt3A_172, %get3A_171, %select_n3A_161 : vector<16xi1>, vector<16xf32>
      %broadcast_in_dim3A_174 = vector.broadcast %scan3A_165 : i32 to vector<16xi32>
      %select_n3A_175 = arith.select %gt3A_172, %broadcast_in_dim3A_174, %select_n3A_163 : vector<16xi1>, vector<16xi32>
      scf.yield %select_n3A_173, %select_n3A_175 : vector<16xf32>, vector<16xi32>
    }
    %scan3A_71 = arith.constant 320 : i32
    %scan3A_72 = arith.constant 0 : i32
    %scan3A_73 = arith.constant 100 : i32
    %scan3A_74 = arith.addi %scan3A_72, %scan3A_73 : i32
    %scan3A_75 = arith.constant 1 : i32
    %scan3A_76:2 = scf.for %scan3A_81 = %scan3A_72 to %scan3A_74 step %scan3A_75 iter_args(%scan3A_82 = %scan3A_70#0, %scan3A_83 = %scan3A_70#1) -> (vector<16xf32>, vector<16xi32>)  : i32 {
      %mul3A_84 = arith.constant 16 : i32
      %mul3A_85 = vector.broadcast %mul3A_84 : i32 to vector<16xi32>
      %mul3A_86 = arith.muli %scan3A_83, %mul3A_85 : vector<16xi32>
      %add3A_87 = vector.broadcast %multiple_of3A : i32 to vector<16xi32>
      %add3A_88 = arith.addi %add3A_87, %mul3A_86 : vector<16xi32>
      %add3A_89 = arith.addi %add3A_88, %iota3A : vector<16xi32>
      %xor3A = arith.constant 1 : i32
      %xor3A_90 = vector.broadcast %xor3A : i32 to vector<16xi32>
      %xor3A_91 = arith.xori %iota3A, %xor3A_90 : vector<16xi32>
      %lt3A_92 = arith.constant 0 : i32
      %lt3A_93 = vector.broadcast %lt3A_92 : i32 to vector<16xi32>
      %lt3A_94 = arith.cmpi slt, %xor3A_91, %lt3A_93 : vector<16xi32>
      %add3A_95 = arith.constant 16 : i32
      %add3A_96 = vector.broadcast %add3A_95 : i32 to vector<16xi32>
      %add3A_97 = arith.addi %xor3A_91, %add3A_96 : vector<16xi32>
      %select_n3A_98 = arith.select %lt3A_94, %add3A_97, %xor3A_91 : vector<16xi1>, vector<16xi32>
      %broadcast_in_dim3A_99 = vector.shape_cast %select_n3A_98 : vector<16xi32> to vector<16x1xi32>
      %gather3A = vector.shape_cast %broadcast_in_dim3A_99 : vector<16x1xi32> to vector<16xi32>
      %gather3A_100 = tpu.dynamic_gather %scan3A_82[%gather3A] in [0] : vector<16xf32>, vector<16xi32> -> vector<16xf32>
      %lt3A_101 = arith.constant 0 : i32
      %lt3A_102 = vector.broadcast %lt3A_101 : i32 to vector<16xi32>
      %lt3A_103 = arith.cmpi slt, %xor3A_91, %lt3A_102 : vector<16xi32>
      %add3A_104 = arith.constant 16 : i32
      %add3A_105 = vector.broadcast %add3A_104 : i32 to vector<16xi32>
      %add3A_106 = arith.addi %xor3A_91, %add3A_105 : vector<16xi32>
      %select_n3A_107 = arith.select %lt3A_103, %add3A_106, %xor3A_91 : vector<16xi1>, vector<16xi32>
      %broadcast_in_dim3A_108 = vector.shape_cast %select_n3A_107 : vector<16xi32> to vector<16x1xi32>
      %gather3A_109 = vector.shape_cast %broadcast_in_dim3A_108 : vector<16x1xi32> to vector<16xi32>
      %gather3A_110 = tpu.dynamic_gather %add3A_89[%gather3A_109] in [0] : vector<16xi32>, vector<16xi32> -> vector<16xi32>
      %gt3A = arith.cmpf ogt, %gather3A_100, %scan3A_82 : vector<16xf32>
      %eq3A_111 = arith.cmpf oeq, %gather3A_100, %scan3A_82 : vector<16xf32>
      %lt3A_112 = arith.cmpi slt, %gather3A_110, %add3A_89 : vector<16xi32>
      %and3A_113 = arith.andi %eq3A_111, %lt3A_112 : vector<16xi1>
      %or3A = arith.ori %gt3A, %and3A_113 : vector<16xi1>
      %select_n3A_114 = arith.select %or3A, %gather3A_100, %scan3A_82 : vector<16xi1>, vector<16xf32>
      %select_n3A_115 = arith.select %or3A, %gather3A_110, %add3A_89 : vector<16xi1>, vector<16xi32>
      %xor3A_116 = arith.constant 2 : i32
      %xor3A_117 = vector.broadcast %xor3A_116 : i32 to vector<16xi32>
      %xor3A_118 = arith.xori %iota3A, %xor3A_117 : vector<16xi32>
      %lt3A_119 = arith.constant 0 : i32
      %lt3A_120 = vector.broadcast %lt3A_119 : i32 to vector<16xi32>
      %lt3A_121 = arith.cmpi slt, %xor3A_118, %lt3A_120 : vector<16xi32>
      %add3A_122 = arith.constant 16 : i32
      %add3A_123 = vector.broadcast %add3A_122 : i32 to vector<16xi32>
      %add3A_124 = arith.addi %xor3A_118, %add3A_123 : vector<16xi32>
      %select_n3A_125 = arith.select %lt3A_121, %add3A_124, %xor3A_118 : vector<16xi1>, vector<16xi32>
      %broadcast_in_dim3A_126 = vector.shape_cast %select_n3A_125 : vector<16xi32> to vector<16x1xi32>
      %gather3A_127 = vector.shape_cast %broadcast_in_dim3A_126 : vector<16x1xi32> to vector<16xi32>
      %gather3A_128 = tpu.dynamic_gather %select_n3A_114[%gather3A_127] in [0] : vector<16xf32>, vector<16xi32> -> vector<16xf32>
      %lt3A_129 = arith.constant 0 : i32
      %lt3A_130 = vector.broadcast %lt3A_129 : i32 to vector<16xi32>
      %lt3A_131 = arith.cmpi slt, %xor3A_118, %lt3A_130 : vector<16xi32>
      %add3A_132 = arith.constant 16 : i32
      %add3A_133 = vector.broadcast %add3A_132 : i32 to vector<16xi32>
      %add3A_134 = arith.addi %xor3A_118, %add3A_133 : vector<16xi32>
      %select_n3A_135 = arith.select %lt3A_131, %add3A_134, %xor3A_118 : vector<16xi1>, vector<16xi32>
      %broadcast_in_dim3A_136 = vector.shape_cast %select_n3A_135 : vector<16xi32> to vector<16x1xi32>
      %gather3A_137 = vector.shape_cast %broadcast_in_dim3A_136 : vector<16x1xi32> to vector<16xi32>
      %gather3A_138 = tpu.dynamic_gather %select_n3A_115[%gather3A_137] in [0] : vector<16xi32>, vector<16xi32> -> vector<16xi32>
      %gt3A_139 = arith.cmpf ogt, %gather3A_128, %select_n3A_114 : vector<16xf32>
      %eq3A_140 = arith.cmpf oeq, %gather3A_128, %select_n3A_114 : vector<16xf32>
      %lt3A_141 = arith.cmpi slt, %gather3A_138, %select_n3A_115 : vector<16xi32>
      %and3A_142 = arith.andi %eq3A_140, %lt3A_141 : vector<16xi1>
      %or3A_143 = arith.ori %gt3A_139, %and3A_142 : vector<16xi1>
      %select_n3A_144 = arith.select %or3A_143, %gather3A_128, %select_n3A_114 : vector<16xi1>, vector<16xf32>
      %select_n3A_145 = arith.select %or3A_143, %gather3A_138, %select_n3A_115 : vector<16xi1>, vector<16xi32>
      %xor3A_146 = arith.constant 4 : i32
      %xor3A_147 = vector.broadcast %xor3A_146 : i32 to vector<16xi32>
      %xor3A_148 = arith.xori %iota3A, %xor3A_147 : vector<16xi32>
      %lt3A_149 = arith.constant 0 : i32
      %lt3A_150 = vector.broadcast %lt3A_149 : i32 to vector<16xi32>
      %lt3A_151 = arith.cmpi slt, %xor3A_148, %lt3A_150 : vector<16xi32>
      %add3A_152 = arith.constant 16 : i32
      %add3A_153 = vector.broadcast %add3A_152 : i32 to vector<16xi32>
      %add3A_154 = arith.addi %xor3A_148, %add3A_153 : vector<16xi32>
      %select_n3A_155 = arith.select %lt3A_151, %add3A_154, %xor3A_148 : vector<16xi1>, vector<16xi32>
      %broadcast_in_dim3A_156 = vector.shape_cast %select_n3A_155 : vector<16xi32> to vector<16x1xi32>
      %gather3A_157 = vector.shape_cast %broadcast_in_dim3A_156 : vector<16x1xi32> to vector<16xi32>
      %gather3A_158 = tpu.dynamic_gather %select_n3A_144[%gather3A_157] in [0] : vector<16xf32>, vector<16xi32> -> vector<16xf32>
      %lt3A_159 = arith.constant 0 : i32
      %lt3A_160 = vector.broadcast %lt3A_159 : i32 to vector<16xi32>
      %lt3A_161 = arith.cmpi slt, %xor3A_148, %lt3A_160 : vector<16xi32>
      %add3A_162 = arith.constant 16 : i32
      %add3A_163 = vector.broadcast %add3A_162 : i32 to vector<16xi32>
      %add3A_164 = arith.addi %xor3A_148, %add3A_163 : vector<16xi32>
      %select_n3A_165 = arith.select %lt3A_161, %add3A_164, %xor3A_148 : vector<16xi1>, vector<16xi32>
      %broadcast_in_dim3A_166 = vector.shape_cast %select_n3A_165 : vector<16xi32> to vector<16x1xi32>
      %gather3A_167 = vector.shape_cast %broadcast_in_dim3A_166 : vector<16x1xi32> to vector<16xi32>
      %gather3A_168 = tpu.dynamic_gather %select_n3A_145[%gather3A_167] in [0] : vector<16xi32>, vector<16xi32> -> vector<16xi32>
      %gt3A_169 = arith.cmpf ogt, %gather3A_158, %select_n3A_144 : vector<16xf32>
      %eq3A_170 = arith.cmpf oeq, %gather3A_158, %select_n3A_144 : vector<16xf32>
      %lt3A_171 = arith.cmpi slt, %gather3A_168, %select_n3A_145 : vector<16xi32>
      %and3A_172 = arith.andi %eq3A_170, %lt3A_171 : vector<16xi1>
      %or3A_173 = arith.ori %gt3A_169, %and3A_172 : vector<16xi1>
      %select_n3A_174 = arith.select %or3A_173, %gather3A_158, %select_n3A_144 : vector<16xi1>, vector<16xf32>
      %select_n3A_175 = arith.select %or3A_173, %gather3A_168, %select_n3A_145 : vector<16xi1>, vector<16xi32>
      %xor3A_176 = arith.constant 8 : i32
      %xor3A_177 = vector.broadcast %xor3A_176 : i32 to vector<16xi32>
      %xor3A_178 = arith.xori %iota3A, %xor3A_177 : vector<16xi32>
      %lt3A_179 = arith.constant 0 : i32
      %lt3A_180 = vector.broadcast %lt3A_179 : i32 to vector<16xi32>
      %lt3A_181 = arith.cmpi slt, %xor3A_178, %lt3A_180 : vector<16xi32>
      %add3A_182 = arith.constant 16 : i32
      %add3A_183 = vector.broadcast %add3A_182 : i32 to vector<16xi32>
      %add3A_184 = arith.addi %xor3A_178, %add3A_183 : vector<16xi32>
      %select_n3A_185 = arith.select %lt3A_181, %add3A_184, %xor3A_178 : vector<16xi1>, vector<16xi32>
      %broadcast_in_dim3A_186 = vector.shape_cast %select_n3A_185 : vector<16xi32> to vector<16x1xi32>
      %gather3A_187 = vector.shape_cast %broadcast_in_dim3A_186 : vector<16x1xi32> to vector<16xi32>
      %gather3A_188 = tpu.dynamic_gather %select_n3A_174[%gather3A_187] in [0] : vector<16xf32>, vector<16xi32> -> vector<16xf32>
      %lt3A_189 = arith.constant 0 : i32
      %lt3A_190 = vector.broadcast %lt3A_189 : i32 to vector<16xi32>
      %lt3A_191 = arith.cmpi slt, %xor3A_178, %lt3A_190 : vector<16xi32>
      %add3A_192 = arith.constant 16 : i32
      %add3A_193 = vector.broadcast %add3A_192 : i32 to vector<16xi32>
      %add3A_194 = arith.addi %xor3A_178, %add3A_193 : vector<16xi32>
      %select_n3A_195 = arith.select %lt3A_191, %add3A_194, %xor3A_178 : vector<16xi1>, vector<16xi32>
      %broadcast_in_dim3A_196 = vector.shape_cast %select_n3A_195 : vector<16xi32> to vector<16x1xi32>
      %gather3A_197 = vector.shape_cast %broadcast_in_dim3A_196 : vector<16x1xi32> to vector<16xi32>
      %gather3A_198 = tpu.dynamic_gather %select_n3A_175[%gather3A_197] in [0] : vector<16xi32>, vector<16xi32> -> vector<16xi32>
      %gt3A_199 = arith.cmpf ogt, %gather3A_188, %select_n3A_174 : vector<16xf32>
      %eq3A_200 = arith.cmpf oeq, %gather3A_188, %select_n3A_174 : vector<16xf32>
      %lt3A_201 = arith.cmpi slt, %gather3A_198, %select_n3A_175 : vector<16xi32>
      %and3A_202 = arith.andi %eq3A_200, %lt3A_201 : vector<16xi1>
      %or3A_203 = arith.ori %gt3A_199, %and3A_202 : vector<16xi1>
      %select_n3A_204 = arith.select %or3A_203, %gather3A_188, %select_n3A_174 : vector<16xi1>, vector<16xf32>
      %select_n3A_205 = arith.select %or3A_203, %gather3A_198, %select_n3A_175 : vector<16xi1>, vector<16xi32>
      %slice3A = vector.extract_strided_slice %select_n3A_205 {offsets = [0], sizes = [1], strides = [1]} : vector<16xi32> to vector<1xi32>
      %squeeze3A = vector.extract %slice3A[0] : i32 from vector<1xi32>
      %sub3A_206 = arith.subi %squeeze3A, %multiple_of3A : i32
      %rem3A_207 = arith.constant 16 : i32
      %rem3A_208 = arith.remsi %sub3A_206, %rem3A_207 : i32
      %sub3A_209 = arith.subi %sub3A_206, %rem3A_208 : i32
      %multiple_of3A_210 = tpu.assume_multiple %sub3A_209, 16 : i32
      %mul3A_211 = arith.constant 0 : i32
      %mul3A_212 = vector.broadcast %mul3A_211 : i32 to vector<16xi32>
      %mul3A_213 = arith.muli %iota3A, %mul3A_212 : vector<16xi32>
      %add3A_214 = vector.broadcast %rem3A_208 : i32 to vector<16xi32>
      %add3A_215 = arith.addi %mul3A_213, %add3A_214 : vector<16xi32>
      %get3A = arith.index_cast %multiple_of3A_210 : i32 to index
      %get3A_216 = tpu.vector_load %arg6[%get3A] {strides = array<i32>} : memref<5120xf32, #tpu.memory_space<vmem>>, vector<16xf32>,
      %get3A_217 = vector.shape_cast %get3A_216 : vector<16xf32> to vector<16xf32>
      %lt3A_218 = arith.constant 0 : i32
      %lt3A_219 = vector.broadcast %lt3A_218 : i32 to vector<16xi32>
      %lt3A_220 = arith.cmpi slt, %add3A_215, %lt3A_219 : vector<16xi32>
      %add3A_221 = arith.constant 16 : i32
      %add3A_222 = vector.broadcast %add3A_221 : i32 to vector<16xi32>
      %add3A_223 = arith.addi %add3A_215, %add3A_222 : vector<16xi32>
      %select_n3A_224 = arith.select %lt3A_220, %add3A_223, %add3A_215 : vector<16xi1>, vector<16xi32>
      %broadcast_in_dim3A_225 = vector.shape_cast %select_n3A_224 : vector<16xi32> to vector<16x1xi32>
      %gather3A_226 = vector.shape_cast %broadcast_in_dim3A_225 : vector<16x1xi32> to vector<16xi32>
      %gather3A_227 = tpu.dynamic_gather %get3A_217[%gather3A_226] in [0] : vector<16xf32>, vector<16xi32> -> vector<16xf32>
      %get3A_228 = arith.index_cast %multiple_of3A_210 : i32 to index
      %get3A_229 = tpu.vector_load %arg7[%get3A_228] {strides = array<i32>} : memref<5120xf32, #tpu.memory_space<vmem>>, vector<16xf32>,
      %get3A_230 = vector.shape_cast %get3A_229 : vector<16xf32> to vector<16xf32>
      %lt3A_231 = arith.constant 0 : i32
      %lt3A_232 = vector.broadcast %lt3A_231 : i32 to vector<16xi32>
      %lt3A_233 = arith.cmpi slt, %add3A_215, %lt3A_232 : vector<16xi32>
      %add3A_234 = arith.constant 16 : i32
      %add3A_235 = vector.broadcast %add3A_234 : i32 to vector<16xi32>
      %add3A_236 = arith.addi %add3A_215, %add3A_235 : vector<16xi32>
      %select_n3A_237 = arith.select %lt3A_233, %add3A_236, %add3A_215 : vector<16xi1>, vector<16xi32>
      %broadcast_in_dim3A_238 = vector.shape_cast %select_n3A_237 : vector<16xi32> to vector<16x1xi32>
      %gather3A_239 = vector.shape_cast %broadcast_in_dim3A_238 : vector<16x1xi32> to vector<16xi32>
      %gather3A_240 = tpu.dynamic_gather %get3A_230[%gather3A_239] in [0] : vector<16xf32>, vector<16xi32> -> vector<16xf32>
      %get3A_241 = arith.index_cast %multiple_of3A_210 : i32 to index
      %get3A_242 = tpu.vector_load %arg8[%get3A_241] {strides = array<i32>} : memref<5120xf32, #tpu.memory_space<vmem>>, vector<16xf32>,
      %get3A_243 = vector.shape_cast %get3A_242 : vector<16xf32> to vector<16xf32>
      %lt3A_244 = arith.constant 0 : i32
      %lt3A_245 = vector.broadcast %lt3A_244 : i32 to vector<16xi32>
      %lt3A_246 = arith.cmpi slt, %add3A_215, %lt3A_245 : vector<16xi32>
      %add3A_247 = arith.constant 16 : i32
      %add3A_248 = vector.broadcast %add3A_247 : i32 to vector<16xi32>
      %add3A_249 = arith.addi %add3A_215, %add3A_248 : vector<16xi32>
      %select_n3A_250 = arith.select %lt3A_246, %add3A_249, %add3A_215 : vector<16xi1>, vector<16xi32>
      %broadcast_in_dim3A_251 = vector.shape_cast %select_n3A_250 : vector<16xi32> to vector<16x1xi32>
      %gather3A_252 = vector.shape_cast %broadcast_in_dim3A_251 : vector<16x1xi32> to vector<16xi32>
      %gather3A_253 = tpu.dynamic_gather %get3A_243[%gather3A_252] in [0] : vector<16xf32>, vector<16xi32> -> vector<16xf32>
      %get3A_254 = arith.index_cast %multiple_of3A_210 : i32 to index
      %get3A_255 = tpu.vector_load %arg9[%get3A_254] {strides = array<i32>} : memref<5120xf32, #tpu.memory_space<vmem>>, vector<16xf32>,
      %get3A_256 = vector.shape_cast %get3A_255 : vector<16xf32> to vector<16xf32>
      %lt3A_257 = arith.constant 0 : i32
      %lt3A_258 = vector.broadcast %lt3A_257 : i32 to vector<16xi32>
      %lt3A_259 = arith.cmpi slt, %add3A_215, %lt3A_258 : vector<16xi32>
      %add3A_260 = arith.constant 16 : i32
      %add3A_261 = vector.broadcast %add3A_260 : i32 to vector<16xi32>
      %add3A_262 = arith.addi %add3A_215, %add3A_261 : vector<16xi32>
      %select_n3A_263 = arith.select %lt3A_259, %add3A_262, %add3A_215 : vector<16xi1>, vector<16xi32>
      %broadcast_in_dim3A_264 = vector.shape_cast %select_n3A_263 : vector<16xi32> to vector<16x1xi32>
      %gather3A_265 = vector.shape_cast %broadcast_in_dim3A_264 : vector<16x1xi32> to vector<16xi32>
      %gather3A_266 = tpu.dynamic_gather %get3A_256[%gather3A_265] in [0] : vector<16xf32>, vector<16xi32> -> vector<16xf32>
      %eq3A_267 = arith.constant 0 : i32
      %eq3A_268 = vector.broadcast %eq3A_267 : i32 to vector<16xi32>
      %eq3A_269 = arith.cmpi eq, %iota3A, %eq3A_268 : vector<16xi32>
      %eq3A_270 = arith.constant 1 : i32
      %eq3A_271 = vector.broadcast %eq3A_270 : i32 to vector<16xi32>
      %eq3A_272 = arith.cmpi eq, %iota3A, %eq3A_271 : vector<16xi32>
      %convert_element_type3A_273 = arith.sitofp %select_n3A_205 : vector<16xi32> to vector<16xf32>
      %eq3A_274 = arith.constant 2 : i32
      %eq3A_275 = vector.broadcast %eq3A_274 : i32 to vector<16xi32>
      %eq3A_276 = arith.cmpi eq, %iota3A, %eq3A_275 : vector<16xi32>
      %eq3A_277 = arith.constant 3 : i32
      %eq3A_278 = vector.broadcast %eq3A_277 : i32 to vector<16xi32>
      %eq3A_279 = arith.cmpi eq, %iota3A, %eq3A_278 : vector<16xi32>
      %eq3A_280 = arith.constant 4 : i32
      %eq3A_281 = vector.broadcast %eq3A_280 : i32 to vector<16xi32>
      %eq3A_282 = arith.cmpi eq, %iota3A, %eq3A_281 : vector<16xi32>
      %eq3A_283 = arith.constant 5 : i32
      %eq3A_284 = vector.broadcast %eq3A_283 : i32 to vector<16xi32>
      %eq3A_285 = arith.cmpi eq, %iota3A, %eq3A_284 : vector<16xi32>
      %jit3A_286 = arith.constant 0.000000e+00 : f32
      %broadcast_in_dim3A_287 = vector.broadcast %jit3A_286 : f32 to vector<16xf32>
      %select_n3A_288 = arith.select %eq3A_285, %gather3A_266, %broadcast_in_dim3A_287 : vector<16xi1>, vector<16xf32>
      %select_n3A_289 = arith.select %eq3A_282, %gather3A_253, %select_n3A_288 : vector<16xi1>, vector<16xf32>
      %select_n3A_290 = arith.select %eq3A_279, %gather3A_240, %select_n3A_289 : vector<16xi1>, vector<16xf32>
      %select_n3A_291 = arith.select %eq3A_276, %gather3A_227, %select_n3A_290 : vector<16xi1>, vector<16xf32>
      %select_n3A_292 = arith.select %eq3A_272, %convert_element_type3A_273, %select_n3A_291 : vector<16xi1>, vector<16xf32>
      %select_n3A_293 = arith.select %eq3A_269, %select_n3A_204, %select_n3A_292 : vector<16xi1>, vector<16xf32>
      %swap3A = arith.constant 0 : index
      %swap3A_294 = tpu.vector_load %arg11[%swap3A] {strides = array<i32>} : memref<128xf32, #tpu.memory_space<vmem>>, vector<16xf32>,
      %swap3A_295 = vector.shape_cast %swap3A_294 : vector<16xf32> to vector<16xf32>
      %swap3A_296 = vector.shape_cast %select_n3A_293 : vector<16xf32> to vector<16xf32>
      tpu.vector_store %arg11[%swap3A], %swap3A_296 {strides = array<i32>} : memref<128xf32, #tpu.memory_space<vmem>>, vector<16xf32>,
      "tpu.region"() ({
        %run_scoped3A_423 = tpu.sem_alloc : memref<!tpu.dma_semaphore, #tpu.memory_space<semaphore_mem>>
        %dma_start3A = arith.constant 0 : i32
        %dma_start3A_424 = tpu.memref_slice %arg15[%arg1, %dma_start3A] : memref<16x128xf32, #tpu.memory_space<vmem_shared>> -> memref<1x128xf32, #tpu.memory_space<vmem_shared>>
        %dma_start3A_425 = tpu.memref_squeeze %dma_start3A_424 : memref<1x128xf32, #tpu.memory_space<vmem_shared>> -> memref<128xf32, #tpu.memory_space<vmem_shared>>
        %dma_start3A_426 = arith.constant 0 : i32
        %dma_start3A_427 = tpu.memref_slice %arg15[%arg1, %dma_start3A_426] : memref<16x128xf32, #tpu.memory_space<vmem_shared>> -> memref<1x128xf32, #tpu.memory_space<vmem_shared>>
        %dma_start3A_428 = tpu.memref_squeeze %dma_start3A_427 : memref<1x128xf32, #tpu.memory_space<vmem_shared>> -> memref<128xf32, #tpu.memory_space<vmem_shared>>
        tpu.enqueue_dma source(%arg11 : memref<128xf32, #tpu.memory_space<vmem>>) target(%dma_start3A_428 : memref<128xf32, #tpu.memory_space<vmem_shared>>) target_semaphore(%run_scoped3A_423 : memref<!tpu.dma_semaphore, #tpu.memory_space<semaphore_mem>>)
        %dma_wait3A = arith.constant 0 : i32
        %dma_wait3A_429 = tpu.memref_slice %arg15[%arg1, %dma_wait3A] : memref<16x128xf32, #tpu.memory_space<vmem_shared>> -> memref<1x128xf32, #tpu.memory_space<vmem_shared>>
        %dma_wait3A_430 = tpu.memref_squeeze %dma_wait3A_429 : memref<1x128xf32, #tpu.memory_space<vmem_shared>> -> memref<128xf32, #tpu.memory_space<vmem_shared>>
        %dma_wait3A_431 = arith.constant 0 : i32
        %dma_wait3A_432 = tpu.memref_slice %arg15[%arg1, %dma_wait3A_431] : memref<16x128xf32, #tpu.memory_space<vmem_shared>> -> memref<1x128xf32, #tpu.memory_space<vmem_shared>>
        %dma_wait3A_433 = tpu.memref_squeeze %dma_wait3A_432 : memref<1x128xf32, #tpu.memory_space<vmem_shared>> -> memref<128xf32, #tpu.memory_space<vmem_shared>>
        tpu.wait_dma2 semaphore(%run_scoped3A_423 : memref<!tpu.dma_semaphore, #tpu.memory_space<semaphore_mem>>) src(%arg11 : memref<128xf32, #tpu.memory_space<vmem>>) dst(%dma_wait3A_433 : memref<128xf32, #tpu.memory_space<vmem_shared>>)
        tpu.yield
      }) : () -> ()
      %barrier3A = arith.constant 0 : index
      tpu.barrier barrier_id(%barrier3A)
      "tpu.region"() ({
        %run_scoped3A_423 = tpu.sem_alloc : memref<!tpu.dma_semaphore, #tpu.memory_space<semaphore_mem>>
        %dma_start3A = arith.constant 0 : i32
        %dma_start3A_424 = tpu.memref_slice %arg15[%mul3A_63, %dma_start3A] : memref<16x128xf32, #tpu.memory_space<vmem_shared>> -> memref<4x128xf32, #tpu.memory_space<vmem_shared>>
        %dma_start3A_425 = arith.constant 0 : i32
        %dma_start3A_426 = tpu.memref_slice %arg15[%mul3A_63, %dma_start3A_425] : memref<16x128xf32, #tpu.memory_space<vmem_shared>> -> memref<4x128xf32, #tpu.memory_space<vmem_shared>>
        tpu.enqueue_dma source(%dma_start3A_426 : memref<4x128xf32, #tpu.memory_space<vmem_shared>>) target(%arg12 : memref<4x128xf32, #tpu.memory_space<vmem>>) target_semaphore(%run_scoped3A_423 : memref<!tpu.dma_semaphore, #tpu.memory_space<semaphore_mem>>)
        %dma_wait3A = arith.constant 0 : i32
        %dma_wait3A_427 = tpu.memref_slice %arg15[%mul3A_63, %dma_wait3A] : memref<16x128xf32, #tpu.memory_space<vmem_shared>> -> memref<4x128xf32, #tpu.memory_space<vmem_shared>>
        %dma_wait3A_428 = arith.constant 0 : i32
        %dma_wait3A_429 = tpu.memref_slice %arg15[%mul3A_63, %dma_wait3A_428] : memref<16x128xf32, #tpu.memory_space<vmem_shared>> -> memref<4x128xf32, #tpu.memory_space<vmem_shared>>
        tpu.wait_dma2 semaphore(%run_scoped3A_423 : memref<!tpu.dma_semaphore, #tpu.memory_space<semaphore_mem>>) src(%dma_wait3A_429 : memref<4x128xf32, #tpu.memory_space<vmem_shared>>) dst(%arg12 : memref<4x128xf32, #tpu.memory_space<vmem>>)
        tpu.yield
      }) : () -> ()
      %get3A_297 = arith.constant 0 : i32
      %get3A_298 = arith.index_cast %get3A_297 : i32 to index
      %get3A_299 = arith.constant 0 : index
      %get3A_300 = tpu.vector_load %arg12[%get3A_298, %get3A_299] {strides = array<i32>} : memref<4x128xf32, #tpu.memory_space<vmem>>, vector<1x16xf32>,
      %get3A_301 = vector.shape_cast %get3A_300 : vector<1x16xf32> to vector<16xf32>
      %slice3A_302 = vector.extract_strided_slice %get3A_301 {offsets = [0], sizes = [1], strides = [1]} : vector<16xf32> to vector<1xf32>
      %squeeze3A_303 = vector.extract %slice3A_302[0] : f32 from vector<1xf32>
      %slice3A_304 = vector.extract_strided_slice %get3A_301 {offsets = [1], sizes = [1], strides = [1]} : vector<16xf32> to vector<1xf32>
      %squeeze3A_305 = vector.extract %slice3A_304[0] : f32 from vector<1xf32>
      %slice3A_306 = vector.extract_strided_slice %get3A_301 {offsets = [2], sizes = [1], strides = [1]} : vector<16xf32> to vector<1xf32>
      %squeeze3A_307 = vector.extract %slice3A_306[0] : f32 from vector<1xf32>
      %slice3A_308 = vector.extract_strided_slice %get3A_301 {offsets = [3], sizes = [1], strides = [1]} : vector<16xf32> to vector<1xf32>
      %squeeze3A_309 = vector.extract %slice3A_308[0] : f32 from vector<1xf32>
      %slice3A_310 = vector.extract_strided_slice %get3A_301 {offsets = [4], sizes = [1], strides = [1]} : vector<16xf32> to vector<1xf32>
      %squeeze3A_311 = vector.extract %slice3A_310[0] : f32 from vector<1xf32>
      %slice3A_312 = vector.extract_strided_slice %get3A_301 {offsets = [5], sizes = [1], strides = [1]} : vector<16xf32> to vector<1xf32>
      %squeeze3A_313 = vector.extract %slice3A_312[0] : f32 from vector<1xf32>
      %get3A_314 = arith.constant 1 : i32
      %get3A_315 = arith.index_cast %get3A_314 : i32 to index
      %get3A_316 = arith.constant 0 : index
      %get3A_317 = tpu.vector_load %arg12[%get3A_315, %get3A_316] {strides = array<i32>} : memref<4x128xf32, #tpu.memory_space<vmem>>, vector<1x16xf32>,
      %get3A_318 = vector.shape_cast %get3A_317 : vector<1x16xf32> to vector<16xf32>
      %slice3A_319 = vector.extract_strided_slice %get3A_318 {offsets = [0], sizes = [1], strides = [1]} : vector<16xf32> to vector<1xf32>
      %squeeze3A_320 = vector.extract %slice3A_319[0] : f32 from vector<1xf32>
      %slice3A_321 = vector.extract_strided_slice %get3A_318 {offsets = [1], sizes = [1], strides = [1]} : vector<16xf32> to vector<1xf32>
      %squeeze3A_322 = vector.extract %slice3A_321[0] : f32 from vector<1xf32>
      %gt3A_323 = arith.cmpf ogt, %squeeze3A_320, %squeeze3A_303 : f32
      %eq3A_324 = arith.cmpf oeq, %squeeze3A_320, %squeeze3A_303 : f32
      %lt3A_325 = arith.cmpf olt, %squeeze3A_322, %squeeze3A_305 : f32
      %and3A_326 = arith.andi %eq3A_324, %lt3A_325 : i1
      %or3A_327 = arith.ori %gt3A_323, %and3A_326 : i1
      %select_n3A_328 = arith.select %or3A_327, %squeeze3A_320, %squeeze3A_303 : f32
      %select_n3A_329 = arith.select %or3A_327, %squeeze3A_322, %squeeze3A_305 : f32
      %slice3A_330 = vector.extract_strided_slice %get3A_318 {offsets = [2], sizes = [1], strides = [1]} : vector<16xf32> to vector<1xf32>
      %squeeze3A_331 = vector.extract %slice3A_330[0] : f32 from vector<1xf32>
      %select_n3A_332 = arith.select %or3A_327, %squeeze3A_331, %squeeze3A_307 : f32
      %slice3A_333 = vector.extract_strided_slice %get3A_318 {offsets = [3], sizes = [1], strides = [1]} : vector<16xf32> to vector<1xf32>
      %squeeze3A_334 = vector.extract %slice3A_333[0] : f32 from vector<1xf32>
      %select_n3A_335 = arith.select %or3A_327, %squeeze3A_334, %squeeze3A_309 : f32
      %slice3A_336 = vector.extract_strided_slice %get3A_318 {offsets = [4], sizes = [1], strides = [1]} : vector<16xf32> to vector<1xf32>
      %squeeze3A_337 = vector.extract %slice3A_336[0] : f32 from vector<1xf32>
      %select_n3A_338 = arith.select %or3A_327, %squeeze3A_337, %squeeze3A_311 : f32
      %slice3A_339 = vector.extract_strided_slice %get3A_318 {offsets = [5], sizes = [1], strides = [1]} : vector<16xf32> to vector<1xf32>
      %squeeze3A_340 = vector.extract %slice3A_339[0] : f32 from vector<1xf32>
      %select_n3A_341 = arith.select %or3A_327, %squeeze3A_340, %squeeze3A_313 : f32
      %get3A_342 = arith.constant 2 : i32
      %get3A_343 = arith.index_cast %get3A_342 : i32 to index
      %get3A_344 = arith.constant 0 : index
      %get3A_345 = tpu.vector_load %arg12[%get3A_343, %get3A_344] {strides = array<i32>} : memref<4x128xf32, #tpu.memory_space<vmem>>, vector<1x16xf32>,
      %get3A_346 = vector.shape_cast %get3A_345 : vector<1x16xf32> to vector<16xf32>
      %slice3A_347 = vector.extract_strided_slice %get3A_346 {offsets = [0], sizes = [1], strides = [1]} : vector<16xf32> to vector<1xf32>
      %squeeze3A_348 = vector.extract %slice3A_347[0] : f32 from vector<1xf32>
      %slice3A_349 = vector.extract_strided_slice %get3A_346 {offsets = [1], sizes = [1], strides = [1]} : vector<16xf32> to vector<1xf32>
      %squeeze3A_350 = vector.extract %slice3A_349[0] : f32 from vector<1xf32>
      %gt3A_351 = arith.cmpf ogt, %squeeze3A_348, %select_n3A_328 : f32
      %eq3A_352 = arith.cmpf oeq, %squeeze3A_348, %select_n3A_328 : f32
      %lt3A_353 = arith.cmpf olt, %squeeze3A_350, %select_n3A_329 : f32
      %and3A_354 = arith.andi %eq3A_352, %lt3A_353 : i1
      %or3A_355 = arith.ori %gt3A_351, %and3A_354 : i1
      %select_n3A_356 = arith.select %or3A_355, %squeeze3A_348, %select_n3A_328 : f32
      %select_n3A_357 = arith.select %or3A_355, %squeeze3A_350, %select_n3A_329 : f32
      %slice3A_358 = vector.extract_strided_slice %get3A_346 {offsets = [2], sizes = [1], strides = [1]} : vector<16xf32> to vector<1xf32>
      %squeeze3A_359 = vector.extract %slice3A_358[0] : f32 from vector<1xf32>
      %select_n3A_360 = arith.select %or3A_355, %squeeze3A_359, %select_n3A_332 : f32
      %slice3A_361 = vector.extract_strided_slice %get3A_346 {offsets = [3], sizes = [1], strides = [1]} : vector<16xf32> to vector<1xf32>
      %squeeze3A_362 = vector.extract %slice3A_361[0] : f32 from vector<1xf32>
      %select_n3A_363 = arith.select %or3A_355, %squeeze3A_362, %select_n3A_335 : f32
      %slice3A_364 = vector.extract_strided_slice %get3A_346 {offsets = [4], sizes = [1], strides = [1]} : vector<16xf32> to vector<1xf32>
      %squeeze3A_365 = vector.extract %slice3A_364[0] : f32 from vector<1xf32>
      %select_n3A_366 = arith.select %or3A_355, %squeeze3A_365, %select_n3A_338 : f32
      %slice3A_367 = vector.extract_strided_slice %get3A_346 {offsets = [5], sizes = [1], strides = [1]} : vector<16xf32> to vector<1xf32>
      %squeeze3A_368 = vector.extract %slice3A_367[0] : f32 from vector<1xf32>
      %select_n3A_369 = arith.select %or3A_355, %squeeze3A_368, %select_n3A_341 : f32
      %get3A_370 = arith.constant 3 : i32
      %get3A_371 = arith.index_cast %get3A_370 : i32 to index
      %get3A_372 = arith.constant 0 : index
      %get3A_373 = tpu.vector_load %arg12[%get3A_371, %get3A_372] {strides = array<i32>} : memref<4x128xf32, #tpu.memory_space<vmem>>, vector<1x16xf32>,
      %get3A_374 = vector.shape_cast %get3A_373 : vector<1x16xf32> to vector<16xf32>
      %slice3A_375 = vector.extract_strided_slice %get3A_374 {offsets = [0], sizes = [1], strides = [1]} : vector<16xf32> to vector<1xf32>
      %squeeze3A_376 = vector.extract %slice3A_375[0] : f32 from vector<1xf32>
      %slice3A_377 = vector.extract_strided_slice %get3A_374 {offsets = [1], sizes = [1], strides = [1]} : vector<16xf32> to vector<1xf32>
      %squeeze3A_378 = vector.extract %slice3A_377[0] : f32 from vector<1xf32>
      %gt3A_379 = arith.cmpf ogt, %squeeze3A_376, %select_n3A_356 : f32
      %eq3A_380 = arith.cmpf oeq, %squeeze3A_376, %select_n3A_356 : f32
      %lt3A_381 = arith.cmpf olt, %squeeze3A_378, %select_n3A_357 : f32
      %and3A_382 = arith.andi %eq3A_380, %lt3A_381 : i1
      %or3A_383 = arith.ori %gt3A_379, %and3A_382 : i1
      %select_n3A_384 = arith.select %or3A_383, %squeeze3A_376, %select_n3A_356 : f32
      %select_n3A_385 = arith.select %or3A_383, %squeeze3A_378, %select_n3A_357 : f32
      %slice3A_386 = vector.extract_strided_slice %get3A_374 {offsets = [2], sizes = [1], strides = [1]} : vector<16xf32> to vector<1xf32>
      %squeeze3A_387 = vector.extract %slice3A_386[0] : f32 from vector<1xf32>
      %select_n3A_388 = arith.select %or3A_383, %squeeze3A_387, %select_n3A_360 : f32
      %slice3A_389 = vector.extract_strided_slice %get3A_374 {offsets = [3], sizes = [1], strides = [1]} : vector<16xf32> to vector<1xf32>
      %squeeze3A_390 = vector.extract %slice3A_389[0] : f32 from vector<1xf32>
      %select_n3A_391 = arith.select %or3A_383, %squeeze3A_390, %select_n3A_363 : f32
      %slice3A_392 = vector.extract_strided_slice %get3A_374 {offsets = [4], sizes = [1], strides = [1]} : vector<16xf32> to vector<1xf32>
      %squeeze3A_393 = vector.extract %slice3A_392[0] : f32 from vector<1xf32>
      %select_n3A_394 = arith.select %or3A_383, %squeeze3A_393, %select_n3A_366 : f32
      %slice3A_395 = vector.extract_strided_slice %get3A_374 {offsets = [5], sizes = [1], strides = [1]} : vector<16xf32> to vector<1xf32>
      %squeeze3A_396 = vector.extract %slice3A_395[0] : f32 from vector<1xf32>
      %select_n3A_397 = arith.select %or3A_383, %squeeze3A_396, %select_n3A_369 : f32
      %convert_element_type3A_398 = arith.fptosi %select_n3A_385 : f32 to i32
      %eq3A_399 = arith.constant 0 : i32
      %eq3A_400 = arith.cmpi eq, %select_n3A_30, %eq3A_399 : i32
      %convert_element_type3A_401 = arith.extui %eq3A_400 : i1 to i32
      %cond3A_402 = arith.constant 0 : i32
      %cond3A_403 = arith.cmpi ne, %convert_element_type3A_401, %cond3A_402 : i32
      scf.if %cond3A_403 {
        %add3A_423 = arith.constant 0 : i32
        %add3A_424 = vector.broadcast %add3A_423 : i32 to vector<16xi32>
        %add3A_425 = arith.addi %add3A_424, %iota3A : vector<16xi32>
        %eq3A_426 = vector.broadcast %scan3A_81 : i32 to vector<16xi32>
        %eq3A_427 = arith.cmpi eq, %add3A_425, %eq3A_426 : vector<16xi32>
        %get3A_428 = arith.constant 0 : index
        %get3A_429 = tpu.vector_load %arg13[%get3A_428] {strides = array<i32>} : memref<128xi32, #tpu.memory_space<vmem>>, vector<16xi32>,
        %get3A_430 = vector.shape_cast %get3A_429 : vector<16xi32> to vector<16xi32>
        %broadcast_in_dim3A_431 = vector.broadcast %convert_element_type3A_398 : i32 to vector<16xi32>
        %select_n3A_432 = arith.select %eq3A_427, %broadcast_in_dim3A_431, %get3A_430 : vector<16xi1>, vector<16xi32>
        %swap3A_433 = arith.constant 0 : index
        %swap3A_434 = tpu.vector_load %arg13[%swap3A_433] {strides = array<i32>} : memref<128xi32, #tpu.memory_space<vmem>>, vector<16xi32>,
        %swap3A_435 = vector.shape_cast %swap3A_434 : vector<16xi32> to vector<16xi32>
        %swap3A_436 = vector.shape_cast %select_n3A_432 : vector<16xi32> to vector<16xi32>
        tpu.vector_store %arg13[%swap3A_433], %swap3A_436 {strides = array<i32>} : memref<128xi32, #tpu.memory_space<vmem>>, vector<16xi32>,
        %get3A_437 = arith.constant 0 : index
        %get3A_438 = tpu.vector_load %arg14[%get3A_437] {strides = array<i32>} : memref<128xf32, #tpu.memory_space<vmem>>, vector<16xf32>,
        %get3A_439 = vector.shape_cast %get3A_438 : vector<16xf32> to vector<16xf32>
        %broadcast_in_dim3A_440 = vector.broadcast %select_n3A_384 : f32 to vector<16xf32>
        %select_n3A_441 = arith.select %eq3A_427, %broadcast_in_dim3A_440, %get3A_439 : vector<16xi1>, vector<16xf32>
        %swap3A_442 = arith.constant 0 : index
        %swap3A_443 = tpu.vector_load %arg14[%swap3A_442] {strides = array<i32>} : memref<128xf32, #tpu.memory_space<vmem>>, vector<16xf32>,
        %swap3A_444 = vector.shape_cast %swap3A_443 : vector<16xf32> to vector<16xf32>
        %swap3A_445 = vector.shape_cast %select_n3A_441 : vector<16xf32> to vector<16xf32>
        tpu.vector_store %arg14[%swap3A_442], %swap3A_445 {strides = array<i32>} : memref<128xf32, #tpu.memory_space<vmem>>, vector<16xf32>,
        %add3A_446 = arith.constant 16 : i32
        %add3A_447 = vector.broadcast %add3A_446 : i32 to vector<16xi32>
        %add3A_448 = arith.addi %add3A_447, %iota3A : vector<16xi32>
        %eq3A_449 = vector.broadcast %scan3A_81 : i32 to vector<16xi32>
        %eq3A_450 = arith.cmpi eq, %add3A_448, %eq3A_449 : vector<16xi32>
        %get3A_451 = arith.constant 16 : index
        %get3A_452 = tpu.vector_load %arg13[%get3A_451] {strides = array<i32>} : memref<128xi32, #tpu.memory_space<vmem>>, vector<16xi32>,
        %get3A_453 = vector.shape_cast %get3A_452 : vector<16xi32> to vector<16xi32>
        %broadcast_in_dim3A_454 = vector.broadcast %convert_element_type3A_398 : i32 to vector<16xi32>
        %select_n3A_455 = arith.select %eq3A_450, %broadcast_in_dim3A_454, %get3A_453 : vector<16xi1>, vector<16xi32>
        %swap3A_456 = arith.constant 16 : index
        %swap3A_457 = tpu.vector_load %arg13[%swap3A_456] {strides = array<i32>} : memref<128xi32, #tpu.memory_space<vmem>>, vector<16xi32>,
        %swap3A_458 = vector.shape_cast %swap3A_457 : vector<16xi32> to vector<16xi32>
        %swap3A_459 = vector.shape_cast %select_n3A_455 : vector<16xi32> to vector<16xi32>
        tpu.vector_store %arg13[%swap3A_456], %swap3A_459 {strides = array<i32>} : memref<128xi32, #tpu.memory_space<vmem>>, vector<16xi32>,
        %get3A_460 = arith.constant 16 : index
        %get3A_461 = tpu.vector_load %arg14[%get3A_460] {strides = array<i32>} : memref<128xf32, #tpu.memory_space<vmem>>, vector<16xf32>,
        %get3A_462 = vector.shape_cast %get3A_461 : vector<16xf32> to vector<16xf32>
        %broadcast_in_dim3A_463 = vector.broadcast %select_n3A_384 : f32 to vector<16xf32>
        %select_n3A_464 = arith.select %eq3A_450, %broadcast_in_dim3A_463, %get3A_462 : vector<16xi1>, vector<16xf32>
        %swap3A_465 = arith.constant 16 : index
        %swap3A_466 = tpu.vector_load %arg14[%swap3A_465] {strides = array<i32>} : memref<128xf32, #tpu.memory_space<vmem>>, vector<16xf32>,
        %swap3A_467 = vector.shape_cast %swap3A_466 : vector<16xf32> to vector<16xf32>
        %swap3A_468 = vector.shape_cast %select_n3A_464 : vector<16xf32> to vector<16xf32>
        tpu.vector_store %arg14[%swap3A_465], %swap3A_468 {strides = array<i32>} : memref<128xf32, #tpu.memory_space<vmem>>, vector<16xf32>,
        %add3A_469 = arith.constant 32 : i32
        %add3A_470 = vector.broadcast %add3A_469 : i32 to vector<16xi32>
        %add3A_471 = arith.addi %add3A_470, %iota3A : vector<16xi32>
        %eq3A_472 = vector.broadcast %scan3A_81 : i32 to vector<16xi32>
        %eq3A_473 = arith.cmpi eq, %add3A_471, %eq3A_472 : vector<16xi32>
        %get3A_474 = arith.constant 32 : index
        %get3A_475 = tpu.vector_load %arg13[%get3A_474] {strides = array<i32>} : memref<128xi32, #tpu.memory_space<vmem>>, vector<16xi32>,
        %get3A_476 = vector.shape_cast %get3A_475 : vector<16xi32> to vector<16xi32>
        %broadcast_in_dim3A_477 = vector.broadcast %convert_element_type3A_398 : i32 to vector<16xi32>
        %select_n3A_478 = arith.select %eq3A_473, %broadcast_in_dim3A_477, %get3A_476 : vector<16xi1>, vector<16xi32>
        %swap3A_479 = arith.constant 32 : index
        %swap3A_480 = tpu.vector_load %arg13[%swap3A_479] {strides = array<i32>} : memref<128xi32, #tpu.memory_space<vmem>>, vector<16xi32>,
        %swap3A_481 = vector.shape_cast %swap3A_480 : vector<16xi32> to vector<16xi32>
        %swap3A_482 = vector.shape_cast %select_n3A_478 : vector<16xi32> to vector<16xi32>
        tpu.vector_store %arg13[%swap3A_479], %swap3A_482 {strides = array<i32>} : memref<128xi32, #tpu.memory_space<vmem>>, vector<16xi32>,
        %get3A_483 = arith.constant 32 : index
        %get3A_484 = tpu.vector_load %arg14[%get3A_483] {strides = array<i32>} : memref<128xf32, #tpu.memory_space<vmem>>, vector<16xf32>,
        %get3A_485 = vector.shape_cast %get3A_484 : vector<16xf32> to vector<16xf32>
        %broadcast_in_dim3A_486 = vector.broadcast %select_n3A_384 : f32 to vector<16xf32>
        %select_n3A_487 = arith.select %eq3A_473, %broadcast_in_dim3A_486, %get3A_485 : vector<16xi1>, vector<16xf32>
        %swap3A_488 = arith.constant 32 : index
        %swap3A_489 = tpu.vector_load %arg14[%swap3A_488] {strides = array<i32>} : memref<128xf32, #tpu.memory_space<vmem>>, vector<16xf32>,
        %swap3A_490 = vector.shape_cast %swap3A_489 : vector<16xf32> to vector<16xf32>
        %swap3A_491 = vector.shape_cast %select_n3A_487 : vector<16xf32> to vector<16xf32>
        tpu.vector_store %arg14[%swap3A_488], %swap3A_491 {strides = array<i32>} : memref<128xf32, #tpu.memory_space<vmem>>, vector<16xf32>,
        %add3A_492 = arith.constant 48 : i32
        %add3A_493 = vector.broadcast %add3A_492 : i32 to vector<16xi32>
        %add3A_494 = arith.addi %add3A_493, %iota3A : vector<16xi32>
        %eq3A_495 = vector.broadcast %scan3A_81 : i32 to vector<16xi32>
        %eq3A_496 = arith.cmpi eq, %add3A_494, %eq3A_495 : vector<16xi32>
        %get3A_497 = arith.constant 48 : index
        %get3A_498 = tpu.vector_load %arg13[%get3A_497] {strides = array<i32>} : memref<128xi32, #tpu.memory_space<vmem>>, vector<16xi32>,
        %get3A_499 = vector.shape_cast %get3A_498 : vector<16xi32> to vector<16xi32>
        %broadcast_in_dim3A_500 = vector.broadcast %convert_element_type3A_398 : i32 to vector<16xi32>
        %select_n3A_501 = arith.select %eq3A_496, %broadcast_in_dim3A_500, %get3A_499 : vector<16xi1>, vector<16xi32>
        %swap3A_502 = arith.constant 48 : index
        %swap3A_503 = tpu.vector_load %arg13[%swap3A_502] {strides = array<i32>} : memref<128xi32, #tpu.memory_space<vmem>>, vector<16xi32>,
        %swap3A_504 = vector.shape_cast %swap3A_503 : vector<16xi32> to vector<16xi32>
        %swap3A_505 = vector.shape_cast %select_n3A_501 : vector<16xi32> to vector<16xi32>
        tpu.vector_store %arg13[%swap3A_502], %swap3A_505 {strides = array<i32>} : memref<128xi32, #tpu.memory_space<vmem>>, vector<16xi32>,
        %get3A_506 = arith.constant 48 : index
        %get3A_507 = tpu.vector_load %arg14[%get3A_506] {strides = array<i32>} : memref<128xf32, #tpu.memory_space<vmem>>, vector<16xf32>,
        %get3A_508 = vector.shape_cast %get3A_507 : vector<16xf32> to vector<16xf32>
        %broadcast_in_dim3A_509 = vector.broadcast %select_n3A_384 : f32 to vector<16xf32>
        %select_n3A_510 = arith.select %eq3A_496, %broadcast_in_dim3A_509, %get3A_508 : vector<16xi1>, vector<16xf32>
        %swap3A_511 = arith.constant 48 : index
        %swap3A_512 = tpu.vector_load %arg14[%swap3A_511] {strides = array<i32>} : memref<128xf32, #tpu.memory_space<vmem>>, vector<16xf32>,
        %swap3A_513 = vector.shape_cast %swap3A_512 : vector<16xf32> to vector<16xf32>
        %swap3A_514 = vector.shape_cast %select_n3A_510 : vector<16xf32> to vector<16xf32>
        tpu.vector_store %arg14[%swap3A_511], %swap3A_514 {strides = array<i32>} : memref<128xf32, #tpu.memory_space<vmem>>, vector<16xf32>,
        %add3A_515 = arith.constant 64 : i32
        %add3A_516 = vector.broadcast %add3A_515 : i32 to vector<16xi32>
        %add3A_517 = arith.addi %add3A_516, %iota3A : vector<16xi32>
        %eq3A_518 = vector.broadcast %scan3A_81 : i32 to vector<16xi32>
        %eq3A_519 = arith.cmpi eq, %add3A_517, %eq3A_518 : vector<16xi32>
        %get3A_520 = arith.constant 64 : index
        %get3A_521 = tpu.vector_load %arg13[%get3A_520] {strides = array<i32>} : memref<128xi32, #tpu.memory_space<vmem>>, vector<16xi32>,
        %get3A_522 = vector.shape_cast %get3A_521 : vector<16xi32> to vector<16xi32>
        %broadcast_in_dim3A_523 = vector.broadcast %convert_element_type3A_398 : i32 to vector<16xi32>
        %select_n3A_524 = arith.select %eq3A_519, %broadcast_in_dim3A_523, %get3A_522 : vector<16xi1>, vector<16xi32>
        %swap3A_525 = arith.constant 64 : index
        %swap3A_526 = tpu.vector_load %arg13[%swap3A_525] {strides = array<i32>} : memref<128xi32, #tpu.memory_space<vmem>>, vector<16xi32>,
        %swap3A_527 = vector.shape_cast %swap3A_526 : vector<16xi32> to vector<16xi32>
        %swap3A_528 = vector.shape_cast %select_n3A_524 : vector<16xi32> to vector<16xi32>
        tpu.vector_store %arg13[%swap3A_525], %swap3A_528 {strides = array<i32>} : memref<128xi32, #tpu.memory_space<vmem>>, vector<16xi32>,
        %get3A_529 = arith.constant 64 : index
        %get3A_530 = tpu.vector_load %arg14[%get3A_529] {strides = array<i32>} : memref<128xf32, #tpu.memory_space<vmem>>, vector<16xf32>,
        %get3A_531 = vector.shape_cast %get3A_530 : vector<16xf32> to vector<16xf32>
        %broadcast_in_dim3A_532 = vector.broadcast %select_n3A_384 : f32 to vector<16xf32>
        %select_n3A_533 = arith.select %eq3A_519, %broadcast_in_dim3A_532, %get3A_531 : vector<16xi1>, vector<16xf32>
        %swap3A_534 = arith.constant 64 : index
        %swap3A_535 = tpu.vector_load %arg14[%swap3A_534] {strides = array<i32>} : memref<128xf32, #tpu.memory_space<vmem>>, vector<16xf32>,
        %swap3A_536 = vector.shape_cast %swap3A_535 : vector<16xf32> to vector<16xf32>
        %swap3A_537 = vector.shape_cast %select_n3A_533 : vector<16xf32> to vector<16xf32>
        tpu.vector_store %arg14[%swap3A_534], %swap3A_537 {strides = array<i32>} : memref<128xf32, #tpu.memory_space<vmem>>, vector<16xf32>,
        %add3A_538 = arith.constant 80 : i32
        %add3A_539 = vector.broadcast %add3A_538 : i32 to vector<16xi32>
        %add3A_540 = arith.addi %add3A_539, %iota3A : vector<16xi32>
        %eq3A_541 = vector.broadcast %scan3A_81 : i32 to vector<16xi32>
        %eq3A_542 = arith.cmpi eq, %add3A_540, %eq3A_541 : vector<16xi32>
        %get3A_543 = arith.constant 80 : index
        %get3A_544 = tpu.vector_load %arg13[%get3A_543] {strides = array<i32>} : memref<128xi32, #tpu.memory_space<vmem>>, vector<16xi32>,
        %get3A_545 = vector.shape_cast %get3A_544 : vector<16xi32> to vector<16xi32>
        %broadcast_in_dim3A_546 = vector.broadcast %convert_element_type3A_398 : i32 to vector<16xi32>
        %select_n3A_547 = arith.select %eq3A_542, %broadcast_in_dim3A_546, %get3A_545 : vector<16xi1>, vector<16xi32>
        %swap3A_548 = arith.constant 80 : index
        %swap3A_549 = tpu.vector_load %arg13[%swap3A_548] {strides = array<i32>} : memref<128xi32, #tpu.memory_space<vmem>>, vector<16xi32>,
        %swap3A_550 = vector.shape_cast %swap3A_549 : vector<16xi32> to vector<16xi32>
        %swap3A_551 = vector.shape_cast %select_n3A_547 : vector<16xi32> to vector<16xi32>
        tpu.vector_store %arg13[%swap3A_548], %swap3A_551 {strides = array<i32>} : memref<128xi32, #tpu.memory_space<vmem>>, vector<16xi32>,
        %get3A_552 = arith.constant 80 : index
        %get3A_553 = tpu.vector_load %arg14[%get3A_552] {strides = array<i32>} : memref<128xf32, #tpu.memory_space<vmem>>, vector<16xf32>,
        %get3A_554 = vector.shape_cast %get3A_553 : vector<16xf32> to vector<16xf32>
        %broadcast_in_dim3A_555 = vector.broadcast %select_n3A_384 : f32 to vector<16xf32>
        %select_n3A_556 = arith.select %eq3A_542, %broadcast_in_dim3A_555, %get3A_554 : vector<16xi1>, vector<16xf32>
        %swap3A_557 = arith.constant 80 : index
        %swap3A_558 = tpu.vector_load %arg14[%swap3A_557] {strides = array<i32>} : memref<128xf32, #tpu.memory_space<vmem>>, vector<16xf32>,
        %swap3A_559 = vector.shape_cast %swap3A_558 : vector<16xf32> to vector<16xf32>
        %swap3A_560 = vector.shape_cast %select_n3A_556 : vector<16xf32> to vector<16xf32>
        tpu.vector_store %arg14[%swap3A_557], %swap3A_560 {strides = array<i32>} : memref<128xf32, #tpu.memory_space<vmem>>, vector<16xf32>,
        %add3A_561 = arith.constant 96 : i32
        %add3A_562 = vector.broadcast %add3A_561 : i32 to vector<16xi32>
        %add3A_563 = arith.addi %add3A_562, %iota3A : vector<16xi32>
        %eq3A_564 = vector.broadcast %scan3A_81 : i32 to vector<16xi32>
        %eq3A_565 = arith.cmpi eq, %add3A_563, %eq3A_564 : vector<16xi32>
        %get3A_566 = arith.constant 96 : index
        %get3A_567 = tpu.vector_load %arg13[%get3A_566] {strides = array<i32>} : memref<128xi32, #tpu.memory_space<vmem>>, vector<16xi32>,
        %get3A_568 = vector.shape_cast %get3A_567 : vector<16xi32> to vector<16xi32>
        %broadcast_in_dim3A_569 = vector.broadcast %convert_element_type3A_398 : i32 to vector<16xi32>
        %select_n3A_570 = arith.select %eq3A_565, %broadcast_in_dim3A_569, %get3A_568 : vector<16xi1>, vector<16xi32>
        %swap3A_571 = arith.constant 96 : index
        %swap3A_572 = tpu.vector_load %arg13[%swap3A_571] {strides = array<i32>} : memref<128xi32, #tpu.memory_space<vmem>>, vector<16xi32>,
        %swap3A_573 = vector.shape_cast %swap3A_572 : vector<16xi32> to vector<16xi32>
        %swap3A_574 = vector.shape_cast %select_n3A_570 : vector<16xi32> to vector<16xi32>
        tpu.vector_store %arg13[%swap3A_571], %swap3A_574 {strides = array<i32>} : memref<128xi32, #tpu.memory_space<vmem>>, vector<16xi32>,
        %get3A_575 = arith.constant 96 : index
        %get3A_576 = tpu.vector_load %arg14[%get3A_575] {strides = array<i32>} : memref<128xf32, #tpu.memory_space<vmem>>, vector<16xf32>,
        %get3A_577 = vector.shape_cast %get3A_576 : vector<16xf32> to vector<16xf32>
        %broadcast_in_dim3A_578 = vector.broadcast %select_n3A_384 : f32 to vector<16xf32>
        %select_n3A_579 = arith.select %eq3A_565, %broadcast_in_dim3A_578, %get3A_577 : vector<16xi1>, vector<16xf32>
        %swap3A_580 = arith.constant 96 : index
        %swap3A_581 = tpu.vector_load %arg14[%swap3A_580] {strides = array<i32>} : memref<128xf32, #tpu.memory_space<vmem>>, vector<16xf32>,
        %swap3A_582 = vector.shape_cast %swap3A_581 : vector<16xf32> to vector<16xf32>
        %swap3A_583 = vector.shape_cast %select_n3A_579 : vector<16xf32> to vector<16xf32>
        tpu.vector_store %arg14[%swap3A_580], %swap3A_583 {strides = array<i32>} : memref<128xf32, #tpu.memory_space<vmem>>, vector<16xf32>,
      } else {
      }
      %sub3A_404 = arith.subf %select_n3A_394, %select_n3A_388 : f32
      %max3A = arith.constant 0.000000e+00 : f32
      %max3A_405 = arith.maximumf %sub3A_404, %max3A : f32
      %sub3A_406 = arith.subf %select_n3A_397, %select_n3A_391 : f32
      %max3A_407 = arith.constant 0.000000e+00 : f32
      %max3A_408 = arith.maximumf %sub3A_406, %max3A_407 : f32
      %mul3A_409 = arith.mulf %max3A_405, %max3A_408 : f32
      %add3A_410 = arith.constant 9.99999993E-9 : f32
      %add3A_411 = arith.addf %mul3A_409, %add3A_410 : f32
      %broadcast_in_dim3A_412 = arith.constant -3.000000e+38 : f32
      %broadcast_in_dim3A_413 = vector.broadcast %broadcast_in_dim3A_412 : f32 to vector<16xf32>
      %broadcast_in_dim3A_414 = arith.constant 0 : i32
      %broadcast_in_dim3A_415 = vector.broadcast %broadcast_in_dim3A_414 : i32 to vector<16xi32>
      %scan3A_416 = arith.constant 0 : i32
      %scan3A_417 = arith.constant 320 : i32
      %scan3A_418 = arith.addi %scan3A_416, %scan3A_417 : i32
      %scan3A_419 = arith.constant 8 : i32
      %scan3A_420:2 = scf.for %scan3A_423 = %scan3A_416 to %scan3A_418 step %scan3A_419 iter_args(%scan3A_424 = %broadcast_in_dim3A_413, %scan3A_425 = %broadcast_in_dim3A_415) -> (vector<16xf32>, vector<16xi32>)  : i32 {
        %mul3A_426 = arith.constant 16 : i32
        %mul3A_427 = arith.muli %scan3A_423, %mul3A_426 : i32
        %multiple_of3A_428 = tpu.assume_multiple %mul3A_427, 16 : i32
        %get3A_429 = arith.index_cast %multiple_of3A_428 : i32 to index
        %get3A_430 = tpu.vector_load %arg6[%get3A_429] {strides = array<i32>} : memref<5120xf32, #tpu.memory_space<vmem>>, vector<16xf32>,
        %get3A_431 = vector.shape_cast %get3A_430 : vector<16xf32> to vector<16xf32>
        %get3A_432 = arith.index_cast %multiple_of3A_428 : i32 to index
        %get3A_433 = tpu.vector_load %arg7[%get3A_432] {strides = array<i32>} : memref<5120xf32, #tpu.memory_space<vmem>>, vector<16xf32>,
        %get3A_434 = vector.shape_cast %get3A_433 : vector<16xf32> to vector<16xf32>
        %get3A_435 = arith.index_cast %multiple_of3A_428 : i32 to index
        %get3A_436 = tpu.vector_load %arg8[%get3A_435] {strides = array<i32>} : memref<5120xf32, #tpu.memory_space<vmem>>, vector<16xf32>,
        %get3A_437 = vector.shape_cast %get3A_436 : vector<16xf32> to vector<16xf32>
        %get3A_438 = arith.index_cast %multiple_of3A_428 : i32 to index
        %get3A_439 = tpu.vector_load %arg9[%get3A_438] {strides = array<i32>} : memref<5120xf32, #tpu.memory_space<vmem>>, vector<16xf32>,
        %get3A_440 = vector.shape_cast %get3A_439 : vector<16xf32> to vector<16xf32>
        %min3A = vector.broadcast %select_n3A_394 : f32 to vector<16xf32>
        %min3A_441 = arith.minimumf %get3A_437, %min3A : vector<16xf32>
        %max3A_442 = vector.broadcast %select_n3A_388 : f32 to vector<16xf32>
        %max3A_443 = arith.maximumf %get3A_431, %max3A_442 : vector<16xf32>
        %sub3A_444 = arith.subf %min3A_441, %max3A_443 : vector<16xf32>
        %max3A_445 = arith.constant 0.000000e+00 : f32
        %max3A_446 = vector.broadcast %max3A_445 : f32 to vector<16xf32>
        %max3A_447 = arith.maximumf %sub3A_444, %max3A_446 : vector<16xf32>
        %min3A_448 = vector.broadcast %select_n3A_397 : f32 to vector<16xf32>
        %min3A_449 = arith.minimumf %get3A_440, %min3A_448 : vector<16xf32>
        %max3A_450 = vector.broadcast %select_n3A_391 : f32 to vector<16xf32>
        %max3A_451 = arith.maximumf %get3A_434, %max3A_450 : vector<16xf32>
        %sub3A_452 = arith.subf %min3A_449, %max3A_451 : vector<16xf32>
        %max3A_453 = arith.constant 0.000000e+00 : f32
        %max3A_454 = vector.broadcast %max3A_453 : f32 to vector<16xf32>
        %max3A_455 = arith.maximumf %sub3A_452, %max3A_454 : vector<16xf32>
        %mul3A_456 = arith.mulf %max3A_447, %max3A_455 : vector<16xf32>
        %get3A_457 = arith.index_cast %multiple_of3A_428 : i32 to index
        %get3A_458 = tpu.vector_load %arg10[%get3A_457] {strides = array<i32>} : memref<5120xf32, #tpu.memory_space<vmem>>, vector<16xf32>,
        %get3A_459 = vector.shape_cast %get3A_458 : vector<16xf32> to vector<16xf32>
        %add3A_460 = vector.broadcast %add3A_411 : f32 to vector<16xf32>
        %add3A_461 = arith.addf %get3A_459, %add3A_460 : vector<16xf32>
        %mul3A_462 = arith.constant 16 : i32
        %mul3A_463 = arith.muli %scan3A_423, %mul3A_462 : i32
        %add3A_464 = arith.addi %multiple_of3A, %mul3A_463 : i32
        %add3A_465 = vector.broadcast %add3A_464 : i32 to vector<16xi32>
        %add3A_466 = arith.addi %add3A_465, %iota3A : vector<16xi32>
        %mul3A_467 = arith.constant 3.000000e+00 : f32
        %mul3A_468 = vector.broadcast %mul3A_467 : f32 to vector<16xf32>
        %mul3A_469 = arith.mulf %mul3A_468, %mul3A_456 : vector<16xf32>
        %gt3A_470 = arith.cmpf ogt, %mul3A_469, %add3A_461 : vector<16xf32>
        %eq3A_471 = vector.broadcast %convert_element_type3A_398 : i32 to vector<16xi32>
        %eq3A_472 = arith.cmpi eq, %add3A_466, %eq3A_471 : vector<16xi32>
        %or3A_473 = arith.ori %gt3A_470, %eq3A_472 : vector<16xi1>
        %get3A_474 = arith.index_cast %multiple_of3A_428 : i32 to index
        %get3A_475 = tpu.vector_load %arg5[%get3A_474] {strides = array<i32>} : memref<5120xf32, #tpu.memory_space<vmem>>, vector<16xf32>,
        %get3A_476 = vector.shape_cast %get3A_475 : vector<16xf32> to vector<16xf32>
        %jit3A_477 = arith.constant -1.000000e+09 : f32
        %broadcast_in_dim3A_478 = vector.broadcast %jit3A_477 : f32 to vector<16xf32>
        %select_n3A_479 = arith.select %or3A_473, %broadcast_in_dim3A_478, %get3A_476 : vector<16xi1>, vector<16xf32>
        %swap3A_480 = arith.index_cast %multiple_of3A_428 : i32 to index
        %swap3A_481 = tpu.vector_load %arg5[%swap3A_480] {strides = array<i32>} : memref<5120xf32, #tpu.memory_space<vmem>>, vector<16xf32>,
        %swap3A_482 = vector.shape_cast %swap3A_481 : vector<16xf32> to vector<16xf32>
        %swap3A_483 = vector.shape_cast %select_n3A_479 : vector<16xf32> to vector<16xf32>
        tpu.vector_store %arg5[%swap3A_480], %swap3A_483 {strides = array<i32>} : memref<5120xf32, #tpu.memory_space<vmem>>, vector<16xf32>,
        %gt3A_484 = arith.cmpf ogt, %select_n3A_479, %scan3A_424 : vector<16xf32>
        %select_n3A_485 = arith.select %gt3A_484, %select_n3A_479, %scan3A_424 : vector<16xi1>, vector<16xf32>
        %broadcast_in_dim3A_486 = vector.broadcast %scan3A_423 : i32 to vector<16xi32>
        %select_n3A_487 = arith.select %gt3A_484, %broadcast_in_dim3A_486, %scan3A_425 : vector<16xi1>, vector<16xi32>
        %scan3A_488 = arith.constant 1 : i32
        %scan3A_489 = arith.addi %scan3A_423, %scan3A_488 : i32
        %mul3A_490 = arith.constant 16 : i32
        %mul3A_491 = arith.muli %scan3A_489, %mul3A_490 : i32
        %multiple_of3A_492 = tpu.assume_multiple %mul3A_491, 16 : i32
        %get3A_493 = arith.index_cast %multiple_of3A_492 : i32 to index
        %get3A_494 = tpu.vector_load %arg6[%get3A_493] {strides = array<i32>} : memref<5120xf32, #tpu.memory_space<vmem>>, vector<16xf32>,
        %get3A_495 = vector.shape_cast %get3A_494 : vector<16xf32> to vector<16xf32>
        %get3A_496 = arith.index_cast %multiple_of3A_492 : i32 to index
        %get3A_497 = tpu.vector_load %arg7[%get3A_496] {strides = array<i32>} : memref<5120xf32, #tpu.memory_space<vmem>>, vector<16xf32>,
        %get3A_498 = vector.shape_cast %get3A_497 : vector<16xf32> to vector<16xf32>
        %get3A_499 = arith.index_cast %multiple_of3A_492 : i32 to index
        %get3A_500 = tpu.vector_load %arg8[%get3A_499] {strides = array<i32>} : memref<5120xf32, #tpu.memory_space<vmem>>, vector<16xf32>,
        %get3A_501 = vector.shape_cast %get3A_500 : vector<16xf32> to vector<16xf32>
        %get3A_502 = arith.index_cast %multiple_of3A_492 : i32 to index
        %get3A_503 = tpu.vector_load %arg9[%get3A_502] {strides = array<i32>} : memref<5120xf32, #tpu.memory_space<vmem>>, vector<16xf32>,
        %get3A_504 = vector.shape_cast %get3A_503 : vector<16xf32> to vector<16xf32>
        %min3A_505 = vector.broadcast %select_n3A_394 : f32 to vector<16xf32>
        %min3A_506 = arith.minimumf %get3A_501, %min3A_505 : vector<16xf32>
        %max3A_507 = vector.broadcast %select_n3A_388 : f32 to vector<16xf32>
        %max3A_508 = arith.maximumf %get3A_495, %max3A_507 : vector<16xf32>
        %sub3A_509 = arith.subf %min3A_506, %max3A_508 : vector<16xf32>
        %max3A_510 = arith.constant 0.000000e+00 : f32
        %max3A_511 = vector.broadcast %max3A_510 : f32 to vector<16xf32>
        %max3A_512 = arith.maximumf %sub3A_509, %max3A_511 : vector<16xf32>
        %min3A_513 = vector.broadcast %select_n3A_397 : f32 to vector<16xf32>
        %min3A_514 = arith.minimumf %get3A_504, %min3A_513 : vector<16xf32>
        %max3A_515 = vector.broadcast %select_n3A_391 : f32 to vector<16xf32>
        %max3A_516 = arith.maximumf %get3A_498, %max3A_515 : vector<16xf32>
        %sub3A_517 = arith.subf %min3A_514, %max3A_516 : vector<16xf32>
        %max3A_518 = arith.constant 0.000000e+00 : f32
        %max3A_519 = vector.broadcast %max3A_518 : f32 to vector<16xf32>
        %max3A_520 = arith.maximumf %sub3A_517, %max3A_519 : vector<16xf32>
        %mul3A_521 = arith.mulf %max3A_512, %max3A_520 : vector<16xf32>
        %get3A_522 = arith.index_cast %multiple_of3A_492 : i32 to index
        %get3A_523 = tpu.vector_load %arg10[%get3A_522] {strides = array<i32>} : memref<5120xf32, #tpu.memory_space<vmem>>, vector<16xf32>,
        %get3A_524 = vector.shape_cast %get3A_523 : vector<16xf32> to vector<16xf32>
        %add3A_525 = vector.broadcast %add3A_411 : f32 to vector<16xf32>
        %add3A_526 = arith.addf %get3A_524, %add3A_525 : vector<16xf32>
        %mul3A_527 = arith.constant 16 : i32
        %mul3A_528 = arith.muli %scan3A_489, %mul3A_527 : i32
        %add3A_529 = arith.addi %multiple_of3A, %mul3A_528 : i32
        %add3A_530 = vector.broadcast %add3A_529 : i32 to vector<16xi32>
        %add3A_531 = arith.addi %add3A_530, %iota3A : vector<16xi32>
        %mul3A_532 = arith.constant 3.000000e+00 : f32
        %mul3A_533 = vector.broadcast %mul3A_532 : f32 to vector<16xf32>
        %mul3A_534 = arith.mulf %mul3A_533, %mul3A_521 : vector<16xf32>
        %gt3A_535 = arith.cmpf ogt, %mul3A_534, %add3A_526 : vector<16xf32>
        %eq3A_536 = vector.broadcast %convert_element_type3A_398 : i32 to vector<16xi32>
        %eq3A_537 = arith.cmpi eq, %add3A_531, %eq3A_536 : vector<16xi32>
        %or3A_538 = arith.ori %gt3A_535, %eq3A_537 : vector<16xi1>
        %get3A_539 = arith.index_cast %multiple_of3A_492 : i32 to index
        %get3A_540 = tpu.vector_load %arg5[%get3A_539] {strides = array<i32>} : memref<5120xf32, #tpu.memory_space<vmem>>, vector<16xf32>,
        %get3A_541 = vector.shape_cast %get3A_540 : vector<16xf32> to vector<16xf32>
        %jit3A_542 = arith.constant -1.000000e+09 : f32
        %broadcast_in_dim3A_543 = vector.broadcast %jit3A_542 : f32 to vector<16xf32>
        %select_n3A_544 = arith.select %or3A_538, %broadcast_in_dim3A_543, %get3A_541 : vector<16xi1>, vector<16xf32>
        %swap3A_545 = arith.index_cast %multiple_of3A_492 : i32 to index
        %swap3A_546 = tpu.vector_load %arg5[%swap3A_545] {strides = array<i32>} : memref<5120xf32, #tpu.memory_space<vmem>>, vector<16xf32>,
        %swap3A_547 = vector.shape_cast %swap3A_546 : vector<16xf32> to vector<16xf32>
        %swap3A_548 = vector.shape_cast %select_n3A_544 : vector<16xf32> to vector<16xf32>
        tpu.vector_store %arg5[%swap3A_545], %swap3A_548 {strides = array<i32>} : memref<5120xf32, #tpu.memory_space<vmem>>, vector<16xf32>,
        %gt3A_549 = arith.cmpf ogt, %select_n3A_544, %select_n3A_485 : vector<16xf32>
        %select_n3A_550 = arith.select %gt3A_549, %select_n3A_544, %select_n3A_485 : vector<16xi1>, vector<16xf32>
        %broadcast_in_dim3A_551 = vector.broadcast %scan3A_489 : i32 to vector<16xi32>
        %select_n3A_552 = arith.select %gt3A_549, %broadcast_in_dim3A_551, %select_n3A_487 : vector<16xi1>, vector<16xi32>
        %scan3A_553 = arith.constant 2 : i32
        %scan3A_554 = arith.addi %scan3A_423, %scan3A_553 : i32
        %mul3A_555 = arith.constant 16 : i32
        %mul3A_556 = arith.muli %scan3A_554, %mul3A_555 : i32
        %multiple_of3A_557 = tpu.assume_multiple %mul3A_556, 16 : i32
        %get3A_558 = arith.index_cast %multiple_of3A_557 : i32 to index
        %get3A_559 = tpu.vector_load %arg6[%get3A_558] {strides = array<i32>} : memref<5120xf32, #tpu.memory_space<vmem>>, vector<16xf32>,
        %get3A_560 = vector.shape_cast %get3A_559 : vector<16xf32> to vector<16xf32>
        %get3A_561 = arith.index_cast %multiple_of3A_557 : i32 to index
        %get3A_562 = tpu.vector_load %arg7[%get3A_561] {strides = array<i32>} : memref<5120xf32, #tpu.memory_space<vmem>>, vector<16xf32>,
        %get3A_563 = vector.shape_cast %get3A_562 : vector<16xf32> to vector<16xf32>
        %get3A_564 = arith.index_cast %multiple_of3A_557 : i32 to index
        %get3A_565 = tpu.vector_load %arg8[%get3A_564] {strides = array<i32>} : memref<5120xf32, #tpu.memory_space<vmem>>, vector<16xf32>,
        %get3A_566 = vector.shape_cast %get3A_565 : vector<16xf32> to vector<16xf32>
        %get3A_567 = arith.index_cast %multiple_of3A_557 : i32 to index
        %get3A_568 = tpu.vector_load %arg9[%get3A_567] {strides = array<i32>} : memref<5120xf32, #tpu.memory_space<vmem>>, vector<16xf32>,
        %get3A_569 = vector.shape_cast %get3A_568 : vector<16xf32> to vector<16xf32>
        %min3A_570 = vector.broadcast %select_n3A_394 : f32 to vector<16xf32>
        %min3A_571 = arith.minimumf %get3A_566, %min3A_570 : vector<16xf32>
        %max3A_572 = vector.broadcast %select_n3A_388 : f32 to vector<16xf32>
        %max3A_573 = arith.maximumf %get3A_560, %max3A_572 : vector<16xf32>
        %sub3A_574 = arith.subf %min3A_571, %max3A_573 : vector<16xf32>
        %max3A_575 = arith.constant 0.000000e+00 : f32
        %max3A_576 = vector.broadcast %max3A_575 : f32 to vector<16xf32>
        %max3A_577 = arith.maximumf %sub3A_574, %max3A_576 : vector<16xf32>
        %min3A_578 = vector.broadcast %select_n3A_397 : f32 to vector<16xf32>
        %min3A_579 = arith.minimumf %get3A_569, %min3A_578 : vector<16xf32>
        %max3A_580 = vector.broadcast %select_n3A_391 : f32 to vector<16xf32>
        %max3A_581 = arith.maximumf %get3A_563, %max3A_580 : vector<16xf32>
        %sub3A_582 = arith.subf %min3A_579, %max3A_581 : vector<16xf32>
        %max3A_583 = arith.constant 0.000000e+00 : f32
        %max3A_584 = vector.broadcast %max3A_583 : f32 to vector<16xf32>
        %max3A_585 = arith.maximumf %sub3A_582, %max3A_584 : vector<16xf32>
        %mul3A_586 = arith.mulf %max3A_577, %max3A_585 : vector<16xf32>
        %get3A_587 = arith.index_cast %multiple_of3A_557 : i32 to index
        %get3A_588 = tpu.vector_load %arg10[%get3A_587] {strides = array<i32>} : memref<5120xf32, #tpu.memory_space<vmem>>, vector<16xf32>,
        %get3A_589 = vector.shape_cast %get3A_588 : vector<16xf32> to vector<16xf32>
        %add3A_590 = vector.broadcast %add3A_411 : f32 to vector<16xf32>
        %add3A_591 = arith.addf %get3A_589, %add3A_590 : vector<16xf32>
        %mul3A_592 = arith.constant 16 : i32
        %mul3A_593 = arith.muli %scan3A_554, %mul3A_592 : i32
        %add3A_594 = arith.addi %multiple_of3A, %mul3A_593 : i32
        %add3A_595 = vector.broadcast %add3A_594 : i32 to vector<16xi32>
        %add3A_596 = arith.addi %add3A_595, %iota3A : vector<16xi32>
        %mul3A_597 = arith.constant 3.000000e+00 : f32
        %mul3A_598 = vector.broadcast %mul3A_597 : f32 to vector<16xf32>
        %mul3A_599 = arith.mulf %mul3A_598, %mul3A_586 : vector<16xf32>
        %gt3A_600 = arith.cmpf ogt, %mul3A_599, %add3A_591 : vector<16xf32>
        %eq3A_601 = vector.broadcast %convert_element_type3A_398 : i32 to vector<16xi32>
        %eq3A_602 = arith.cmpi eq, %add3A_596, %eq3A_601 : vector<16xi32>
        %or3A_603 = arith.ori %gt3A_600, %eq3A_602 : vector<16xi1>
        %get3A_604 = arith.index_cast %multiple_of3A_557 : i32 to index
        %get3A_605 = tpu.vector_load %arg5[%get3A_604] {strides = array<i32>} : memref<5120xf32, #tpu.memory_space<vmem>>, vector<16xf32>,
        %get3A_606 = vector.shape_cast %get3A_605 : vector<16xf32> to vector<16xf32>
        %jit3A_607 = arith.constant -1.000000e+09 : f32
        %broadcast_in_dim3A_608 = vector.broadcast %jit3A_607 : f32 to vector<16xf32>
        %select_n3A_609 = arith.select %or3A_603, %broadcast_in_dim3A_608, %get3A_606 : vector<16xi1>, vector<16xf32>
        %swap3A_610 = arith.index_cast %multiple_of3A_557 : i32 to index
        %swap3A_611 = tpu.vector_load %arg5[%swap3A_610] {strides = array<i32>} : memref<5120xf32, #tpu.memory_space<vmem>>, vector<16xf32>,
        %swap3A_612 = vector.shape_cast %swap3A_611 : vector<16xf32> to vector<16xf32>
        %swap3A_613 = vector.shape_cast %select_n3A_609 : vector<16xf32> to vector<16xf32>
        tpu.vector_store %arg5[%swap3A_610], %swap3A_613 {strides = array<i32>} : memref<5120xf32, #tpu.memory_space<vmem>>, vector<16xf32>,
        %gt3A_614 = arith.cmpf ogt, %select_n3A_609, %select_n3A_550 : vector<16xf32>
        %select_n3A_615 = arith.select %gt3A_614, %select_n3A_609, %select_n3A_550 : vector<16xi1>, vector<16xf32>
        %broadcast_in_dim3A_616 = vector.broadcast %scan3A_554 : i32 to vector<16xi32>
        %select_n3A_617 = arith.select %gt3A_614, %broadcast_in_dim3A_616, %select_n3A_552 : vector<16xi1>, vector<16xi32>
        %scan3A_618 = arith.constant 3 : i32
        %scan3A_619 = arith.addi %scan3A_423, %scan3A_618 : i32
        %mul3A_620 = arith.constant 16 : i32
        %mul3A_621 = arith.muli %scan3A_619, %mul3A_620 : i32
        %multiple_of3A_622 = tpu.assume_multiple %mul3A_621, 16 : i32
        %get3A_623 = arith.index_cast %multiple_of3A_622 : i32 to index
        %get3A_624 = tpu.vector_load %arg6[%get3A_623] {strides = array<i32>} : memref<5120xf32, #tpu.memory_space<vmem>>, vector<16xf32>,
        %get3A_625 = vector.shape_cast %get3A_624 : vector<16xf32> to vector<16xf32>
        %get3A_626 = arith.index_cast %multiple_of3A_622 : i32 to index
        %get3A_627 = tpu.vector_load %arg7[%get3A_626] {strides = array<i32>} : memref<5120xf32, #tpu.memory_space<vmem>>, vector<16xf32>,
        %get3A_628 = vector.shape_cast %get3A_627 : vector<16xf32> to vector<16xf32>
        %get3A_629 = arith.index_cast %multiple_of3A_622 : i32 to index
        %get3A_630 = tpu.vector_load %arg8[%get3A_629] {strides = array<i32>} : memref<5120xf32, #tpu.memory_space<vmem>>, vector<16xf32>,
        %get3A_631 = vector.shape_cast %get3A_630 : vector<16xf32> to vector<16xf32>
        %get3A_632 = arith.index_cast %multiple_of3A_622 : i32 to index
        %get3A_633 = tpu.vector_load %arg9[%get3A_632] {strides = array<i32>} : memref<5120xf32, #tpu.memory_space<vmem>>, vector<16xf32>,
        %get3A_634 = vector.shape_cast %get3A_633 : vector<16xf32> to vector<16xf32>
        %min3A_635 = vector.broadcast %select_n3A_394 : f32 to vector<16xf32>
        %min3A_636 = arith.minimumf %get3A_631, %min3A_635 : vector<16xf32>
        %max3A_637 = vector.broadcast %select_n3A_388 : f32 to vector<16xf32>
        %max3A_638 = arith.maximumf %get3A_625, %max3A_637 : vector<16xf32>
        %sub3A_639 = arith.subf %min3A_636, %max3A_638 : vector<16xf32>
        %max3A_640 = arith.constant 0.000000e+00 : f32
        %max3A_641 = vector.broadcast %max3A_640 : f32 to vector<16xf32>
        %max3A_642 = arith.maximumf %sub3A_639, %max3A_641 : vector<16xf32>
        %min3A_643 = vector.broadcast %select_n3A_397 : f32 to vector<16xf32>
        %min3A_644 = arith.minimumf %get3A_634, %min3A_643 : vector<16xf32>
        %max3A_645 = vector.broadcast %select_n3A_391 : f32 to vector<16xf32>
        %max3A_646 = arith.maximumf %get3A_628, %max3A_645 : vector<16xf32>
        %sub3A_647 = arith.subf %min3A_644, %max3A_646 : vector<16xf32>
        %max3A_648 = arith.constant 0.000000e+00 : f32
        %max3A_649 = vector.broadcast %max3A_648 : f32 to vector<16xf32>
        %max3A_650 = arith.maximumf %sub3A_647, %max3A_649 : vector<16xf32>
        %mul3A_651 = arith.mulf %max3A_642, %max3A_650 : vector<16xf32>
        %get3A_652 = arith.index_cast %multiple_of3A_622 : i32 to index
        %get3A_653 = tpu.vector_load %arg10[%get3A_652] {strides = array<i32>} : memref<5120xf32, #tpu.memory_space<vmem>>, vector<16xf32>,
        %get3A_654 = vector.shape_cast %get3A_653 : vector<16xf32> to vector<16xf32>
        %add3A_655 = vector.broadcast %add3A_411 : f32 to vector<16xf32>
        %add3A_656 = arith.addf %get3A_654, %add3A_655 : vector<16xf32>
        %mul3A_657 = arith.constant 16 : i32
        %mul3A_658 = arith.muli %scan3A_619, %mul3A_657 : i32
        %add3A_659 = arith.addi %multiple_of3A, %mul3A_658 : i32
        %add3A_660 = vector.broadcast %add3A_659 : i32 to vector<16xi32>
        %add3A_661 = arith.addi %add3A_660, %iota3A : vector<16xi32>
        %mul3A_662 = arith.constant 3.000000e+00 : f32
        %mul3A_663 = vector.broadcast %mul3A_662 : f32 to vector<16xf32>
        %mul3A_664 = arith.mulf %mul3A_663, %mul3A_651 : vector<16xf32>
        %gt3A_665 = arith.cmpf ogt, %mul3A_664, %add3A_656 : vector<16xf32>
        %eq3A_666 = vector.broadcast %convert_element_type3A_398 : i32 to vector<16xi32>
        %eq3A_667 = arith.cmpi eq, %add3A_661, %eq3A_666 : vector<16xi32>
        %or3A_668 = arith.ori %gt3A_665, %eq3A_667 : vector<16xi1>
        %get3A_669 = arith.index_cast %multiple_of3A_622 : i32 to index
        %get3A_670 = tpu.vector_load %arg5[%get3A_669] {strides = array<i32>} : memref<5120xf32, #tpu.memory_space<vmem>>, vector<16xf32>,
        %get3A_671 = vector.shape_cast %get3A_670 : vector<16xf32> to vector<16xf32>
        %jit3A_672 = arith.constant -1.000000e+09 : f32
        %broadcast_in_dim3A_673 = vector.broadcast %jit3A_672 : f32 to vector<16xf32>
        %select_n3A_674 = arith.select %or3A_668, %broadcast_in_dim3A_673, %get3A_671 : vector<16xi1>, vector<16xf32>
        %swap3A_675 = arith.index_cast %multiple_of3A_622 : i32 to index
        %swap3A_676 = tpu.vector_load %arg5[%swap3A_675] {strides = array<i32>} : memref<5120xf32, #tpu.memory_space<vmem>>, vector<16xf32>,
        %swap3A_677 = vector.shape_cast %swap3A_676 : vector<16xf32> to vector<16xf32>
        %swap3A_678 = vector.shape_cast %select_n3A_674 : vector<16xf32> to vector<16xf32>
        tpu.vector_store %arg5[%swap3A_675], %swap3A_678 {strides = array<i32>} : memref<5120xf32, #tpu.memory_space<vmem>>, vector<16xf32>,
        %gt3A_679 = arith.cmpf ogt, %select_n3A_674, %select_n3A_615 : vector<16xf32>
        %select_n3A_680 = arith.select %gt3A_679, %select_n3A_674, %select_n3A_615 : vector<16xi1>, vector<16xf32>
        %broadcast_in_dim3A_681 = vector.broadcast %scan3A_619 : i32 to vector<16xi32>
        %select_n3A_682 = arith.select %gt3A_679, %broadcast_in_dim3A_681, %select_n3A_617 : vector<16xi1>, vector<16xi32>
        %scan3A_683 = arith.constant 4 : i32
        %scan3A_684 = arith.addi %scan3A_423, %scan3A_683 : i32
        %mul3A_685 = arith.constant 16 : i32
        %mul3A_686 = arith.muli %scan3A_684, %mul3A_685 : i32
        %multiple_of3A_687 = tpu.assume_multiple %mul3A_686, 16 : i32
        %get3A_688 = arith.index_cast %multiple_of3A_687 : i32 to index
        %get3A_689 = tpu.vector_load %arg6[%get3A_688] {strides = array<i32>} : memref<5120xf32, #tpu.memory_space<vmem>>, vector<16xf32>,
        %get3A_690 = vector.shape_cast %get3A_689 : vector<16xf32> to vector<16xf32>
        %get3A_691 = arith.index_cast %multiple_of3A_687 : i32 to index
        %get3A_692 = tpu.vector_load %arg7[%get3A_691] {strides = array<i32>} : memref<5120xf32, #tpu.memory_space<vmem>>, vector<16xf32>,
        %get3A_693 = vector.shape_cast %get3A_692 : vector<16xf32> to vector<16xf32>
        %get3A_694 = arith.index_cast %multiple_of3A_687 : i32 to index
        %get3A_695 = tpu.vector_load %arg8[%get3A_694] {strides = array<i32>} : memref<5120xf32, #tpu.memory_space<vmem>>, vector<16xf32>,
        %get3A_696 = vector.shape_cast %get3A_695 : vector<16xf32> to vector<16xf32>
        %get3A_697 = arith.index_cast %multiple_of3A_687 : i32 to index
        %get3A_698 = tpu.vector_load %arg9[%get3A_697] {strides = array<i32>} : memref<5120xf32, #tpu.memory_space<vmem>>, vector<16xf32>,
        %get3A_699 = vector.shape_cast %get3A_698 : vector<16xf32> to vector<16xf32>
        %min3A_700 = vector.broadcast %select_n3A_394 : f32 to vector<16xf32>
        %min3A_701 = arith.minimumf %get3A_696, %min3A_700 : vector<16xf32>
        %max3A_702 = vector.broadcast %select_n3A_388 : f32 to vector<16xf32>
        %max3A_703 = arith.maximumf %get3A_690, %max3A_702 : vector<16xf32>
        %sub3A_704 = arith.subf %min3A_701, %max3A_703 : vector<16xf32>
        %max3A_705 = arith.constant 0.000000e+00 : f32
        %max3A_706 = vector.broadcast %max3A_705 : f32 to vector<16xf32>
        %max3A_707 = arith.maximumf %sub3A_704, %max3A_706 : vector<16xf32>
        %min3A_708 = vector.broadcast %select_n3A_397 : f32 to vector<16xf32>
        %min3A_709 = arith.minimumf %get3A_699, %min3A_708 : vector<16xf32>
        %max3A_710 = vector.broadcast %select_n3A_391 : f32 to vector<16xf32>
        %max3A_711 = arith.maximumf %get3A_693, %max3A_710 : vector<16xf32>
        %sub3A_712 = arith.subf %min3A_709, %max3A_711 : vector<16xf32>
        %max3A_713 = arith.constant 0.000000e+00 : f32
        %max3A_714 = vector.broadcast %max3A_713 : f32 to vector<16xf32>
        %max3A_715 = arith.maximumf %sub3A_712, %max3A_714 : vector<16xf32>
        %mul3A_716 = arith.mulf %max3A_707, %max3A_715 : vector<16xf32>
        %get3A_717 = arith.index_cast %multiple_of3A_687 : i32 to index
        %get3A_718 = tpu.vector_load %arg10[%get3A_717] {strides = array<i32>} : memref<5120xf32, #tpu.memory_space<vmem>>, vector<16xf32>,
        %get3A_719 = vector.shape_cast %get3A_718 : vector<16xf32> to vector<16xf32>
        %add3A_720 = vector.broadcast %add3A_411 : f32 to vector<16xf32>
        %add3A_721 = arith.addf %get3A_719, %add3A_720 : vector<16xf32>
        %mul3A_722 = arith.constant 16 : i32
        %mul3A_723 = arith.muli %scan3A_684, %mul3A_722 : i32
        %add3A_724 = arith.addi %multiple_of3A, %mul3A_723 : i32
        %add3A_725 = vector.broadcast %add3A_724 : i32 to vector<16xi32>
        %add3A_726 = arith.addi %add3A_725, %iota3A : vector<16xi32>
        %mul3A_727 = arith.constant 3.000000e+00 : f32
        %mul3A_728 = vector.broadcast %mul3A_727 : f32 to vector<16xf32>
        %mul3A_729 = arith.mulf %mul3A_728, %mul3A_716 : vector<16xf32>
        %gt3A_730 = arith.cmpf ogt, %mul3A_729, %add3A_721 : vector<16xf32>
        %eq3A_731 = vector.broadcast %convert_element_type3A_398 : i32 to vector<16xi32>
        %eq3A_732 = arith.cmpi eq, %add3A_726, %eq3A_731 : vector<16xi32>
        %or3A_733 = arith.ori %gt3A_730, %eq3A_732 : vector<16xi1>
        %get3A_734 = arith.index_cast %multiple_of3A_687 : i32 to index
        %get3A_735 = tpu.vector_load %arg5[%get3A_734] {strides = array<i32>} : memref<5120xf32, #tpu.memory_space<vmem>>, vector<16xf32>,
        %get3A_736 = vector.shape_cast %get3A_735 : vector<16xf32> to vector<16xf32>
        %jit3A_737 = arith.constant -1.000000e+09 : f32
        %broadcast_in_dim3A_738 = vector.broadcast %jit3A_737 : f32 to vector<16xf32>
        %select_n3A_739 = arith.select %or3A_733, %broadcast_in_dim3A_738, %get3A_736 : vector<16xi1>, vector<16xf32>
        %swap3A_740 = arith.index_cast %multiple_of3A_687 : i32 to index
        %swap3A_741 = tpu.vector_load %arg5[%swap3A_740] {strides = array<i32>} : memref<5120xf32, #tpu.memory_space<vmem>>, vector<16xf32>,
        %swap3A_742 = vector.shape_cast %swap3A_741 : vector<16xf32> to vector<16xf32>
        %swap3A_743 = vector.shape_cast %select_n3A_739 : vector<16xf32> to vector<16xf32>
        tpu.vector_store %arg5[%swap3A_740], %swap3A_743 {strides = array<i32>} : memref<5120xf32, #tpu.memory_space<vmem>>, vector<16xf32>,
        %gt3A_744 = arith.cmpf ogt, %select_n3A_739, %select_n3A_680 : vector<16xf32>
        %select_n3A_745 = arith.select %gt3A_744, %select_n3A_739, %select_n3A_680 : vector<16xi1>, vector<16xf32>
        %broadcast_in_dim3A_746 = vector.broadcast %scan3A_684 : i32 to vector<16xi32>
        %select_n3A_747 = arith.select %gt3A_744, %broadcast_in_dim3A_746, %select_n3A_682 : vector<16xi1>, vector<16xi32>
        %scan3A_748 = arith.constant 5 : i32
        %scan3A_749 = arith.addi %scan3A_423, %scan3A_748 : i32
        %mul3A_750 = arith.constant 16 : i32
        %mul3A_751 = arith.muli %scan3A_749, %mul3A_750 : i32
        %multiple_of3A_752 = tpu.assume_multiple %mul3A_751, 16 : i32
        %get3A_753 = arith.index_cast %multiple_of3A_752 : i32 to index
        %get3A_754 = tpu.vector_load %arg6[%get3A_753] {strides = array<i32>} : memref<5120xf32, #tpu.memory_space<vmem>>, vector<16xf32>,
        %get3A_755 = vector.shape_cast %get3A_754 : vector<16xf32> to vector<16xf32>
        %get3A_756 = arith.index_cast %multiple_of3A_752 : i32 to index
        %get3A_757 = tpu.vector_load %arg7[%get3A_756] {strides = array<i32>} : memref<5120xf32, #tpu.memory_space<vmem>>, vector<16xf32>,
        %get3A_758 = vector.shape_cast %get3A_757 : vector<16xf32> to vector<16xf32>
        %get3A_759 = arith.index_cast %multiple_of3A_752 : i32 to index
        %get3A_760 = tpu.vector_load %arg8[%get3A_759] {strides = array<i32>} : memref<5120xf32, #tpu.memory_space<vmem>>, vector<16xf32>,
        %get3A_761 = vector.shape_cast %get3A_760 : vector<16xf32> to vector<16xf32>
        %get3A_762 = arith.index_cast %multiple_of3A_752 : i32 to index
        %get3A_763 = tpu.vector_load %arg9[%get3A_762] {strides = array<i32>} : memref<5120xf32, #tpu.memory_space<vmem>>, vector<16xf32>,
        %get3A_764 = vector.shape_cast %get3A_763 : vector<16xf32> to vector<16xf32>
        %min3A_765 = vector.broadcast %select_n3A_394 : f32 to vector<16xf32>
        %min3A_766 = arith.minimumf %get3A_761, %min3A_765 : vector<16xf32>
        %max3A_767 = vector.broadcast %select_n3A_388 : f32 to vector<16xf32>
        %max3A_768 = arith.maximumf %get3A_755, %max3A_767 : vector<16xf32>
        %sub3A_769 = arith.subf %min3A_766, %max3A_768 : vector<16xf32>
        %max3A_770 = arith.constant 0.000000e+00 : f32
        %max3A_771 = vector.broadcast %max3A_770 : f32 to vector<16xf32>
        %max3A_772 = arith.maximumf %sub3A_769, %max3A_771 : vector<16xf32>
        %min3A_773 = vector.broadcast %select_n3A_397 : f32 to vector<16xf32>
        %min3A_774 = arith.minimumf %get3A_764, %min3A_773 : vector<16xf32>
        %max3A_775 = vector.broadcast %select_n3A_391 : f32 to vector<16xf32>
        %max3A_776 = arith.maximumf %get3A_758, %max3A_775 : vector<16xf32>
        %sub3A_777 = arith.subf %min3A_774, %max3A_776 : vector<16xf32>
        %max3A_778 = arith.constant 0.000000e+00 : f32
        %max3A_779 = vector.broadcast %max3A_778 : f32 to vector<16xf32>
        %max3A_780 = arith.maximumf %sub3A_777, %max3A_779 : vector<16xf32>
        %mul3A_781 = arith.mulf %max3A_772, %max3A_780 : vector<16xf32>
        %get3A_782 = arith.index_cast %multiple_of3A_752 : i32 to index
        %get3A_783 = tpu.vector_load %arg10[%get3A_782] {strides = array<i32>} : memref<5120xf32, #tpu.memory_space<vmem>>, vector<16xf32>,
        %get3A_784 = vector.shape_cast %get3A_783 : vector<16xf32> to vector<16xf32>
        %add3A_785 = vector.broadcast %add3A_411 : f32 to vector<16xf32>
        %add3A_786 = arith.addf %get3A_784, %add3A_785 : vector<16xf32>
        %mul3A_787 = arith.constant 16 : i32
        %mul3A_788 = arith.muli %scan3A_749, %mul3A_787 : i32
        %add3A_789 = arith.addi %multiple_of3A, %mul3A_788 : i32
        %add3A_790 = vector.broadcast %add3A_789 : i32 to vector<16xi32>
        %add3A_791 = arith.addi %add3A_790, %iota3A : vector<16xi32>
        %mul3A_792 = arith.constant 3.000000e+00 : f32
        %mul3A_793 = vector.broadcast %mul3A_792 : f32 to vector<16xf32>
        %mul3A_794 = arith.mulf %mul3A_793, %mul3A_781 : vector<16xf32>
        %gt3A_795 = arith.cmpf ogt, %mul3A_794, %add3A_786 : vector<16xf32>
        %eq3A_796 = vector.broadcast %convert_element_type3A_398 : i32 to vector<16xi32>
        %eq3A_797 = arith.cmpi eq, %add3A_791, %eq3A_796 : vector<16xi32>
        %or3A_798 = arith.ori %gt3A_795, %eq3A_797 : vector<16xi1>
        %get3A_799 = arith.index_cast %multiple_of3A_752 : i32 to index
        %get3A_800 = tpu.vector_load %arg5[%get3A_799] {strides = array<i32>} : memref<5120xf32, #tpu.memory_space<vmem>>, vector<16xf32>,
        %get3A_801 = vector.shape_cast %get3A_800 : vector<16xf32> to vector<16xf32>
        %jit3A_802 = arith.constant -1.000000e+09 : f32
        %broadcast_in_dim3A_803 = vector.broadcast %jit3A_802 : f32 to vector<16xf32>
        %select_n3A_804 = arith.select %or3A_798, %broadcast_in_dim3A_803, %get3A_801 : vector<16xi1>, vector<16xf32>
        %swap3A_805 = arith.index_cast %multiple_of3A_752 : i32 to index
        %swap3A_806 = tpu.vector_load %arg5[%swap3A_805] {strides = array<i32>} : memref<5120xf32, #tpu.memory_space<vmem>>, vector<16xf32>,
        %swap3A_807 = vector.shape_cast %swap3A_806 : vector<16xf32> to vector<16xf32>
        %swap3A_808 = vector.shape_cast %select_n3A_804 : vector<16xf32> to vector<16xf32>
        tpu.vector_store %arg5[%swap3A_805], %swap3A_808 {strides = array<i32>} : memref<5120xf32, #tpu.memory_space<vmem>>, vector<16xf32>,
        %gt3A_809 = arith.cmpf ogt, %select_n3A_804, %select_n3A_745 : vector<16xf32>
        %select_n3A_810 = arith.select %gt3A_809, %select_n3A_804, %select_n3A_745 : vector<16xi1>, vector<16xf32>
        %broadcast_in_dim3A_811 = vector.broadcast %scan3A_749 : i32 to vector<16xi32>
        %select_n3A_812 = arith.select %gt3A_809, %broadcast_in_dim3A_811, %select_n3A_747 : vector<16xi1>, vector<16xi32>
        %scan3A_813 = arith.constant 6 : i32
        %scan3A_814 = arith.addi %scan3A_423, %scan3A_813 : i32
        %mul3A_815 = arith.constant 16 : i32
        %mul3A_816 = arith.muli %scan3A_814, %mul3A_815 : i32
        %multiple_of3A_817 = tpu.assume_multiple %mul3A_816, 16 : i32
        %get3A_818 = arith.index_cast %multiple_of3A_817 : i32 to index
        %get3A_819 = tpu.vector_load %arg6[%get3A_818] {strides = array<i32>} : memref<5120xf32, #tpu.memory_space<vmem>>, vector<16xf32>,
        %get3A_820 = vector.shape_cast %get3A_819 : vector<16xf32> to vector<16xf32>
        %get3A_821 = arith.index_cast %multiple_of3A_817 : i32 to index
        %get3A_822 = tpu.vector_load %arg7[%get3A_821] {strides = array<i32>} : memref<5120xf32, #tpu.memory_space<vmem>>, vector<16xf32>,
        %get3A_823 = vector.shape_cast %get3A_822 : vector<16xf32> to vector<16xf32>
        %get3A_824 = arith.index_cast %multiple_of3A_817 : i32 to index
        %get3A_825 = tpu.vector_load %arg8[%get3A_824] {strides = array<i32>} : memref<5120xf32, #tpu.memory_space<vmem>>, vector<16xf32>,
        %get3A_826 = vector.shape_cast %get3A_825 : vector<16xf32> to vector<16xf32>
        %get3A_827 = arith.index_cast %multiple_of3A_817 : i32 to index
        %get3A_828 = tpu.vector_load %arg9[%get3A_827] {strides = array<i32>} : memref<5120xf32, #tpu.memory_space<vmem>>, vector<16xf32>,
        %get3A_829 = vector.shape_cast %get3A_828 : vector<16xf32> to vector<16xf32>
        %min3A_830 = vector.broadcast %select_n3A_394 : f32 to vector<16xf32>
        %min3A_831 = arith.minimumf %get3A_826, %min3A_830 : vector<16xf32>
        %max3A_832 = vector.broadcast %select_n3A_388 : f32 to vector<16xf32>
        %max3A_833 = arith.maximumf %get3A_820, %max3A_832 : vector<16xf32>
        %sub3A_834 = arith.subf %min3A_831, %max3A_833 : vector<16xf32>
        %max3A_835 = arith.constant 0.000000e+00 : f32
        %max3A_836 = vector.broadcast %max3A_835 : f32 to vector<16xf32>
        %max3A_837 = arith.maximumf %sub3A_834, %max3A_836 : vector<16xf32>
        %min3A_838 = vector.broadcast %select_n3A_397 : f32 to vector<16xf32>
        %min3A_839 = arith.minimumf %get3A_829, %min3A_838 : vector<16xf32>
        %max3A_840 = vector.broadcast %select_n3A_391 : f32 to vector<16xf32>
        %max3A_841 = arith.maximumf %get3A_823, %max3A_840 : vector<16xf32>
        %sub3A_842 = arith.subf %min3A_839, %max3A_841 : vector<16xf32>
        %max3A_843 = arith.constant 0.000000e+00 : f32
        %max3A_844 = vector.broadcast %max3A_843 : f32 to vector<16xf32>
        %max3A_845 = arith.maximumf %sub3A_842, %max3A_844 : vector<16xf32>
        %mul3A_846 = arith.mulf %max3A_837, %max3A_845 : vector<16xf32>
        %get3A_847 = arith.index_cast %multiple_of3A_817 : i32 to index
        %get3A_848 = tpu.vector_load %arg10[%get3A_847] {strides = array<i32>} : memref<5120xf32, #tpu.memory_space<vmem>>, vector<16xf32>,
        %get3A_849 = vector.shape_cast %get3A_848 : vector<16xf32> to vector<16xf32>
        %add3A_850 = vector.broadcast %add3A_411 : f32 to vector<16xf32>
        %add3A_851 = arith.addf %get3A_849, %add3A_850 : vector<16xf32>
        %mul3A_852 = arith.constant 16 : i32
        %mul3A_853 = arith.muli %scan3A_814, %mul3A_852 : i32
        %add3A_854 = arith.addi %multiple_of3A, %mul3A_853 : i32
        %add3A_855 = vector.broadcast %add3A_854 : i32 to vector<16xi32>
        %add3A_856 = arith.addi %add3A_855, %iota3A : vector<16xi32>
        %mul3A_857 = arith.constant 3.000000e+00 : f32
        %mul3A_858 = vector.broadcast %mul3A_857 : f32 to vector<16xf32>
        %mul3A_859 = arith.mulf %mul3A_858, %mul3A_846 : vector<16xf32>
        %gt3A_860 = arith.cmpf ogt, %mul3A_859, %add3A_851 : vector<16xf32>
        %eq3A_861 = vector.broadcast %convert_element_type3A_398 : i32 to vector<16xi32>
        %eq3A_862 = arith.cmpi eq, %add3A_856, %eq3A_861 : vector<16xi32>
        %or3A_863 = arith.ori %gt3A_860, %eq3A_862 : vector<16xi1>
        %get3A_864 = arith.index_cast %multiple_of3A_817 : i32 to index
        %get3A_865 = tpu.vector_load %arg5[%get3A_864] {strides = array<i32>} : memref<5120xf32, #tpu.memory_space<vmem>>, vector<16xf32>,
        %get3A_866 = vector.shape_cast %get3A_865 : vector<16xf32> to vector<16xf32>
        %jit3A_867 = arith.constant -1.000000e+09 : f32
        %broadcast_in_dim3A_868 = vector.broadcast %jit3A_867 : f32 to vector<16xf32>
        %select_n3A_869 = arith.select %or3A_863, %broadcast_in_dim3A_868, %get3A_866 : vector<16xi1>, vector<16xf32>
        %swap3A_870 = arith.index_cast %multiple_of3A_817 : i32 to index
        %swap3A_871 = tpu.vector_load %arg5[%swap3A_870] {strides = array<i32>} : memref<5120xf32, #tpu.memory_space<vmem>>, vector<16xf32>,
        %swap3A_872 = vector.shape_cast %swap3A_871 : vector<16xf32> to vector<16xf32>
        %swap3A_873 = vector.shape_cast %select_n3A_869 : vector<16xf32> to vector<16xf32>
        tpu.vector_store %arg5[%swap3A_870], %swap3A_873 {strides = array<i32>} : memref<5120xf32, #tpu.memory_space<vmem>>, vector<16xf32>,
        %gt3A_874 = arith.cmpf ogt, %select_n3A_869, %select_n3A_810 : vector<16xf32>
        %select_n3A_875 = arith.select %gt3A_874, %select_n3A_869, %select_n3A_810 : vector<16xi1>, vector<16xf32>
        %broadcast_in_dim3A_876 = vector.broadcast %scan3A_814 : i32 to vector<16xi32>
        %select_n3A_877 = arith.select %gt3A_874, %broadcast_in_dim3A_876, %select_n3A_812 : vector<16xi1>, vector<16xi32>
        %scan3A_878 = arith.constant 7 : i32
        %scan3A_879 = arith.addi %scan3A_423, %scan3A_878 : i32
        %mul3A_880 = arith.constant 16 : i32
        %mul3A_881 = arith.muli %scan3A_879, %mul3A_880 : i32
        %multiple_of3A_882 = tpu.assume_multiple %mul3A_881, 16 : i32
        %get3A_883 = arith.index_cast %multiple_of3A_882 : i32 to index
        %get3A_884 = tpu.vector_load %arg6[%get3A_883] {strides = array<i32>} : memref<5120xf32, #tpu.memory_space<vmem>>, vector<16xf32>,
        %get3A_885 = vector.shape_cast %get3A_884 : vector<16xf32> to vector<16xf32>
        %get3A_886 = arith.index_cast %multiple_of3A_882 : i32 to index
        %get3A_887 = tpu.vector_load %arg7[%get3A_886] {strides = array<i32>} : memref<5120xf32, #tpu.memory_space<vmem>>, vector<16xf32>,
        %get3A_888 = vector.shape_cast %get3A_887 : vector<16xf32> to vector<16xf32>
        %get3A_889 = arith.index_cast %multiple_of3A_882 : i32 to index
        %get3A_890 = tpu.vector_load %arg8[%get3A_889] {strides = array<i32>} : memref<5120xf32, #tpu.memory_space<vmem>>, vector<16xf32>,
        %get3A_891 = vector.shape_cast %get3A_890 : vector<16xf32> to vector<16xf32>
        %get3A_892 = arith.index_cast %multiple_of3A_882 : i32 to index
        %get3A_893 = tpu.vector_load %arg9[%get3A_892] {strides = array<i32>} : memref<5120xf32, #tpu.memory_space<vmem>>, vector<16xf32>,
        %get3A_894 = vector.shape_cast %get3A_893 : vector<16xf32> to vector<16xf32>
        %min3A_895 = vector.broadcast %select_n3A_394 : f32 to vector<16xf32>
        %min3A_896 = arith.minimumf %get3A_891, %min3A_895 : vector<16xf32>
        %max3A_897 = vector.broadcast %select_n3A_388 : f32 to vector<16xf32>
        %max3A_898 = arith.maximumf %get3A_885, %max3A_897 : vector<16xf32>
        %sub3A_899 = arith.subf %min3A_896, %max3A_898 : vector<16xf32>
        %max3A_900 = arith.constant 0.000000e+00 : f32
        %max3A_901 = vector.broadcast %max3A_900 : f32 to vector<16xf32>
        %max3A_902 = arith.maximumf %sub3A_899, %max3A_901 : vector<16xf32>
        %min3A_903 = vector.broadcast %select_n3A_397 : f32 to vector<16xf32>
        %min3A_904 = arith.minimumf %get3A_894, %min3A_903 : vector<16xf32>
        %max3A_905 = vector.broadcast %select_n3A_391 : f32 to vector<16xf32>
        %max3A_906 = arith.maximumf %get3A_888, %max3A_905 : vector<16xf32>
        %sub3A_907 = arith.subf %min3A_904, %max3A_906 : vector<16xf32>
        %max3A_908 = arith.constant 0.000000e+00 : f32
        %max3A_909 = vector.broadcast %max3A_908 : f32 to vector<16xf32>
        %max3A_910 = arith.maximumf %sub3A_907, %max3A_909 : vector<16xf32>
        %mul3A_911 = arith.mulf %max3A_902, %max3A_910 : vector<16xf32>
        %get3A_912 = arith.index_cast %multiple_of3A_882 : i32 to index
        %get3A_913 = tpu.vector_load %arg10[%get3A_912] {strides = array<i32>} : memref<5120xf32, #tpu.memory_space<vmem>>, vector<16xf32>,
        %get3A_914 = vector.shape_cast %get3A_913 : vector<16xf32> to vector<16xf32>
        %add3A_915 = vector.broadcast %add3A_411 : f32 to vector<16xf32>
        %add3A_916 = arith.addf %get3A_914, %add3A_915 : vector<16xf32>
        %mul3A_917 = arith.constant 16 : i32
        %mul3A_918 = arith.muli %scan3A_879, %mul3A_917 : i32
        %add3A_919 = arith.addi %multiple_of3A, %mul3A_918 : i32
        %add3A_920 = vector.broadcast %add3A_919 : i32 to vector<16xi32>
        %add3A_921 = arith.addi %add3A_920, %iota3A : vector<16xi32>
        %mul3A_922 = arith.constant 3.000000e+00 : f32
        %mul3A_923 = vector.broadcast %mul3A_922 : f32 to vector<16xf32>
        %mul3A_924 = arith.mulf %mul3A_923, %mul3A_911 : vector<16xf32>
        %gt3A_925 = arith.cmpf ogt, %mul3A_924, %add3A_916 : vector<16xf32>
        %eq3A_926 = vector.broadcast %convert_element_type3A_398 : i32 to vector<16xi32>
        %eq3A_927 = arith.cmpi eq, %add3A_921, %eq3A_926 : vector<16xi32>
        %or3A_928 = arith.ori %gt3A_925, %eq3A_927 : vector<16xi1>
        %get3A_929 = arith.index_cast %multiple_of3A_882 : i32 to index
        %get3A_930 = tpu.vector_load %arg5[%get3A_929] {strides = array<i32>} : memref<5120xf32, #tpu.memory_space<vmem>>, vector<16xf32>,
        %get3A_931 = vector.shape_cast %get3A_930 : vector<16xf32> to vector<16xf32>
        %jit3A_932 = arith.constant -1.000000e+09 : f32
        %broadcast_in_dim3A_933 = vector.broadcast %jit3A_932 : f32 to vector<16xf32>
        %select_n3A_934 = arith.select %or3A_928, %broadcast_in_dim3A_933, %get3A_931 : vector<16xi1>, vector<16xf32>
        %swap3A_935 = arith.index_cast %multiple_of3A_882 : i32 to index
        %swap3A_936 = tpu.vector_load %arg5[%swap3A_935] {strides = array<i32>} : memref<5120xf32, #tpu.memory_space<vmem>>, vector<16xf32>,
        %swap3A_937 = vector.shape_cast %swap3A_936 : vector<16xf32> to vector<16xf32>
        %swap3A_938 = vector.shape_cast %select_n3A_934 : vector<16xf32> to vector<16xf32>
        tpu.vector_store %arg5[%swap3A_935], %swap3A_938 {strides = array<i32>} : memref<5120xf32, #tpu.memory_space<vmem>>, vector<16xf32>,
        %gt3A_939 = arith.cmpf ogt, %select_n3A_934, %select_n3A_875 : vector<16xf32>
        %select_n3A_940 = arith.select %gt3A_939, %select_n3A_934, %select_n3A_875 : vector<16xi1>, vector<16xf32>
        %broadcast_in_dim3A_941 = vector.broadcast %scan3A_879 : i32 to vector<16xi32>
        %select_n3A_942 = arith.select %gt3A_939, %broadcast_in_dim3A_941, %select_n3A_877 : vector<16xi1>, vector<16xi32>
        scf.yield %select_n3A_940, %select_n3A_942 : vector<16xf32>, vector<16xi32>
      }
      %scan3A_421 = arith.constant 320 : i32
      %barrier3A_422 = arith.constant 0 : index
      tpu.barrier barrier_id(%barrier3A_422)
      scf.yield %scan3A_420#0, %scan3A_420#1 : vector<16xf32>, vector<16xi32>
    }
    %scan3A_77 = arith.constant 100 : i32
    %eq3A_78 = arith.constant 0 : i32
    %eq3A_79 = arith.cmpi eq, %select_n3A_30, %eq3A_78 : i32
    %convert_element_type3A = arith.extui %eq3A_79 : i1 to i32
    %cond3A = arith.constant 0 : i32
    %cond3A_80 = arith.cmpi ne, %convert_element_type3A, %cond3A : i32
    scf.if %cond3A_80 {
      "tpu.region"() ({
        %run_scoped3A_81 = tpu.sem_alloc : memref<!tpu.dma_semaphore, #tpu.memory_space<semaphore_mem>>
        %dma_start3A = arith.constant 0 : i32
        %dma_start3A_82 = tpu.memref_slice %arg3[%add3A, %dma_start3A] : memref<8x128xi32, #tpu.memory_space<hbm>> -> memref<1x128xi32, #tpu.memory_space<hbm>>
        %dma_start3A_83 = tpu.memref_squeeze %dma_start3A_82 : memref<1x128xi32, #tpu.memory_space<hbm>> -> memref<128xi32, #tpu.memory_space<hbm>>
        %dma_start3A_84 = arith.constant 0 : i32
        %dma_start3A_85 = tpu.memref_slice %arg3[%add3A, %dma_start3A_84] : memref<8x128xi32, #tpu.memory_space<hbm>> -> memref<1x128xi32, #tpu.memory_space<hbm>>
        %dma_start3A_86 = tpu.memref_squeeze %dma_start3A_85 : memref<1x128xi32, #tpu.memory_space<hbm>> -> memref<128xi32, #tpu.memory_space<hbm>>
        tpu.enqueue_dma source(%arg13 : memref<128xi32, #tpu.memory_space<vmem>>) target(%dma_start3A_86 : memref<128xi32, #tpu.memory_space<hbm>>) target_semaphore(%run_scoped3A_81 : memref<!tpu.dma_semaphore, #tpu.memory_space<semaphore_mem>>)
        %dma_wait3A = arith.constant 0 : i32
        %dma_wait3A_87 = tpu.memref_slice %arg3[%add3A, %dma_wait3A] : memref<8x128xi32, #tpu.memory_space<hbm>> -> memref<1x128xi32, #tpu.memory_space<hbm>>
        %dma_wait3A_88 = tpu.memref_squeeze %dma_wait3A_87 : memref<1x128xi32, #tpu.memory_space<hbm>> -> memref<128xi32, #tpu.memory_space<hbm>>
        %dma_wait3A_89 = arith.constant 0 : i32
        %dma_wait3A_90 = tpu.memref_slice %arg3[%add3A, %dma_wait3A_89] : memref<8x128xi32, #tpu.memory_space<hbm>> -> memref<1x128xi32, #tpu.memory_space<hbm>>
        %dma_wait3A_91 = tpu.memref_squeeze %dma_wait3A_90 : memref<1x128xi32, #tpu.memory_space<hbm>> -> memref<128xi32, #tpu.memory_space<hbm>>
        tpu.wait_dma2 semaphore(%run_scoped3A_81 : memref<!tpu.dma_semaphore, #tpu.memory_space<semaphore_mem>>) src(%arg13 : memref<128xi32, #tpu.memory_space<vmem>>) dst(%dma_wait3A_91 : memref<128xi32, #tpu.memory_space<hbm>>)
        tpu.yield
      }) : () -> ()
      "tpu.region"() ({
        %run_scoped3A_81 = tpu.sem_alloc : memref<!tpu.dma_semaphore, #tpu.memory_space<semaphore_mem>>
        %dma_start3A = arith.constant 0 : i32
        %dma_start3A_82 = tpu.memref_slice %arg4[%add3A, %dma_start3A] : memref<8x128xf32, #tpu.memory_space<hbm>> -> memref<1x128xf32, #tpu.memory_space<hbm>>
        %dma_start3A_83 = tpu.memref_squeeze %dma_start3A_82 : memref<1x128xf32, #tpu.memory_space<hbm>> -> memref<128xf32, #tpu.memory_space<hbm>>
        %dma_start3A_84 = arith.constant 0 : i32
        %dma_start3A_85 = tpu.memref_slice %arg4[%add3A, %dma_start3A_84] : memref<8x128xf32, #tpu.memory_space<hbm>> -> memref<1x128xf32, #tpu.memory_space<hbm>>
        %dma_start3A_86 = tpu.memref_squeeze %dma_start3A_85 : memref<1x128xf32, #tpu.memory_space<hbm>> -> memref<128xf32, #tpu.memory_space<hbm>>
        tpu.enqueue_dma source(%arg14 : memref<128xf32, #tpu.memory_space<vmem>>) target(%dma_start3A_86 : memref<128xf32, #tpu.memory_space<hbm>>) target_semaphore(%run_scoped3A_81 : memref<!tpu.dma_semaphore, #tpu.memory_space<semaphore_mem>>)
        %dma_wait3A = arith.constant 0 : i32
        %dma_wait3A_87 = tpu.memref_slice %arg4[%add3A, %dma_wait3A] : memref<8x128xf32, #tpu.memory_space<hbm>> -> memref<1x128xf32, #tpu.memory_space<hbm>>
        %dma_wait3A_88 = tpu.memref_squeeze %dma_wait3A_87 : memref<1x128xf32, #tpu.memory_space<hbm>> -> memref<128xf32, #tpu.memory_space<hbm>>
        %dma_wait3A_89 = arith.constant 0 : i32
        %dma_wait3A_90 = tpu.memref_slice %arg4[%add3A, %dma_wait3A_89] : memref<8x128xf32, #tpu.memory_space<hbm>> -> memref<1x128xf32, #tpu.memory_space<hbm>>
        %dma_wait3A_91 = tpu.memref_squeeze %dma_wait3A_90 : memref<1x128xf32, #tpu.memory_space<hbm>> -> memref<128xf32, #tpu.memory_space<hbm>>
        tpu.wait_dma2 semaphore(%run_scoped3A_81 : memref<!tpu.dma_semaphore, #tpu.memory_space<semaphore_mem>>) src(%arg14 : memref<128xf32, #tpu.memory_space<vmem>>) dst(%dma_wait3A_91 : memref<128xf32, #tpu.memory_space<hbm>>)
        tpu.yield
      }) : () -> ()
    } else {
    }
    return
  }
}

module attributes {stable_mosaic.version = 14 : i64} {
  func.func @_decode_kernel(%arg0: i32, %arg1: memref<84x8x2560xf32, #tpu.memory_space<vmem>>, %arg2: memref<4x1x2560xf32, #tpu.memory_space<vmem>>, %arg3: memref<6x8x2560xf32, #tpu.memory_space<vmem>>, %arg4: memref<5x8x2560xf32, #tpu.memory_space<vmem>>) attributes {dimension_semantics = [#tpu.dimension_semantics<arbitrary>], iteration_bounds = array<i64: 8>, scalar_prefetch = 0 : i64, scratch_operands = 0 : i64, tpu.core_type = #tpu.core_type<tc>, window_params = [{transform_indices = @transform_0, window_bounds = array<i64: 84, 8, 2560>}, {transform_indices = @transform_1, window_bounds = array<i64: 4, 1, 2560>}, {transform_indices = @transform_2, window_bounds = array<i64: 6, 8, 2560>}, {transform_indices = @transform_3, window_bounds = array<i64: 5, 8, 2560>}]} {
    %get3A = arith.constant 4 : index
    %get3A_0 = arith.constant 0 : index
    %get3A_1 = arith.constant 0 : index
    %get3A_2 = vector.load %arg1[%get3A, %get3A_0, %get3A_1] : memref<84x8x2560xf32, #tpu.memory_space<vmem>>, vector<1x8x2560xf32>
    %get3A_3 = vector.shape_cast %get3A_2 : vector<1x8x2560xf32> to vector<8x2560xf32>
    %broadcast_in_dim3A = arith.constant 0.000000e+00 : f32
    %broadcast_in_dim3A_4 = vector.broadcast %broadcast_in_dim3A : f32 to vector<8x2560xf32>
    %get3A_5 = arith.constant 5 : index
    %get3A_6 = arith.constant 0 : index
    %get3A_7 = arith.constant 0 : index
    %get3A_8 = vector.load %arg1[%get3A_5, %get3A_6, %get3A_7] : memref<84x8x2560xf32, #tpu.memory_space<vmem>>, vector<1x8x2560xf32>
    %get3A_9 = vector.shape_cast %get3A_8 : vector<1x8x2560xf32> to vector<8x2560xf32>
    %gt3A = arith.cmpf ogt, %get3A_9, %get3A_3 : vector<8x2560xf32>
    %select_n3A = arith.select %gt3A, %get3A_9, %get3A_3 : vector<8x2560xi1>, vector<8x2560xf32>
    %jit3A = arith.constant 1.000000e+00 : f32
    %broadcast_in_dim3A_10 = vector.broadcast %jit3A : f32 to vector<8x2560xf32>
    %select_n3A_11 = arith.select %gt3A, %broadcast_in_dim3A_10, %broadcast_in_dim3A_4 : vector<8x2560xi1>, vector<8x2560xf32>
    %get3A_12 = arith.constant 6 : index
    %get3A_13 = arith.constant 0 : index
    %get3A_14 = arith.constant 0 : index
    %get3A_15 = vector.load %arg1[%get3A_12, %get3A_13, %get3A_14] : memref<84x8x2560xf32, #tpu.memory_space<vmem>>, vector<1x8x2560xf32>
    %get3A_16 = vector.shape_cast %get3A_15 : vector<1x8x2560xf32> to vector<8x2560xf32>
    %gt3A_17 = arith.cmpf ogt, %get3A_16, %select_n3A : vector<8x2560xf32>
    %select_n3A_18 = arith.select %gt3A_17, %get3A_16, %select_n3A : vector<8x2560xi1>, vector<8x2560xf32>
    %jit3A_19 = arith.constant 2.000000e+00 : f32
    %broadcast_in_dim3A_20 = vector.broadcast %jit3A_19 : f32 to vector<8x2560xf32>
    %select_n3A_21 = arith.select %gt3A_17, %broadcast_in_dim3A_20, %select_n3A_11 : vector<8x2560xi1>, vector<8x2560xf32>
    %get3A_22 = arith.constant 7 : index
    %get3A_23 = arith.constant 0 : index
    %get3A_24 = arith.constant 0 : index
    %get3A_25 = vector.load %arg1[%get3A_22, %get3A_23, %get3A_24] : memref<84x8x2560xf32, #tpu.memory_space<vmem>>, vector<1x8x2560xf32>
    %get3A_26 = vector.shape_cast %get3A_25 : vector<1x8x2560xf32> to vector<8x2560xf32>
    %gt3A_27 = arith.cmpf ogt, %get3A_26, %select_n3A_18 : vector<8x2560xf32>
    %select_n3A_28 = arith.select %gt3A_27, %get3A_26, %select_n3A_18 : vector<8x2560xi1>, vector<8x2560xf32>
    %jit3A_29 = arith.constant 3.000000e+00 : f32
    %broadcast_in_dim3A_30 = vector.broadcast %jit3A_29 : f32 to vector<8x2560xf32>
    %select_n3A_31 = arith.select %gt3A_27, %broadcast_in_dim3A_30, %select_n3A_21 : vector<8x2560xi1>, vector<8x2560xf32>
    %get3A_32 = arith.constant 8 : index
    %get3A_33 = arith.constant 0 : index
    %get3A_34 = arith.constant 0 : index
    %get3A_35 = vector.load %arg1[%get3A_32, %get3A_33, %get3A_34] : memref<84x8x2560xf32, #tpu.memory_space<vmem>>, vector<1x8x2560xf32>
    %get3A_36 = vector.shape_cast %get3A_35 : vector<1x8x2560xf32> to vector<8x2560xf32>
    %gt3A_37 = arith.cmpf ogt, %get3A_36, %select_n3A_28 : vector<8x2560xf32>
    %select_n3A_38 = arith.select %gt3A_37, %get3A_36, %select_n3A_28 : vector<8x2560xi1>, vector<8x2560xf32>
    %jit3A_39 = arith.constant 4.000000e+00 : f32
    %broadcast_in_dim3A_40 = vector.broadcast %jit3A_39 : f32 to vector<8x2560xf32>
    %select_n3A_41 = arith.select %gt3A_37, %broadcast_in_dim3A_40, %select_n3A_31 : vector<8x2560xi1>, vector<8x2560xf32>
    %get3A_42 = arith.constant 9 : index
    %get3A_43 = arith.constant 0 : index
    %get3A_44 = arith.constant 0 : index
    %get3A_45 = vector.load %arg1[%get3A_42, %get3A_43, %get3A_44] : memref<84x8x2560xf32, #tpu.memory_space<vmem>>, vector<1x8x2560xf32>
    %get3A_46 = vector.shape_cast %get3A_45 : vector<1x8x2560xf32> to vector<8x2560xf32>
    %gt3A_47 = arith.cmpf ogt, %get3A_46, %select_n3A_38 : vector<8x2560xf32>
    %select_n3A_48 = arith.select %gt3A_47, %get3A_46, %select_n3A_38 : vector<8x2560xi1>, vector<8x2560xf32>
    %jit3A_49 = arith.constant 5.000000e+00 : f32
    %broadcast_in_dim3A_50 = vector.broadcast %jit3A_49 : f32 to vector<8x2560xf32>
    %select_n3A_51 = arith.select %gt3A_47, %broadcast_in_dim3A_50, %select_n3A_41 : vector<8x2560xi1>, vector<8x2560xf32>
    %get3A_52 = arith.constant 10 : index
    %get3A_53 = arith.constant 0 : index
    %get3A_54 = arith.constant 0 : index
    %get3A_55 = vector.load %arg1[%get3A_52, %get3A_53, %get3A_54] : memref<84x8x2560xf32, #tpu.memory_space<vmem>>, vector<1x8x2560xf32>
    %get3A_56 = vector.shape_cast %get3A_55 : vector<1x8x2560xf32> to vector<8x2560xf32>
    %gt3A_57 = arith.cmpf ogt, %get3A_56, %select_n3A_48 : vector<8x2560xf32>
    %select_n3A_58 = arith.select %gt3A_57, %get3A_56, %select_n3A_48 : vector<8x2560xi1>, vector<8x2560xf32>
    %jit3A_59 = arith.constant 6.000000e+00 : f32
    %broadcast_in_dim3A_60 = vector.broadcast %jit3A_59 : f32 to vector<8x2560xf32>
    %select_n3A_61 = arith.select %gt3A_57, %broadcast_in_dim3A_60, %select_n3A_51 : vector<8x2560xi1>, vector<8x2560xf32>
    %get3A_62 = arith.constant 11 : index
    %get3A_63 = arith.constant 0 : index
    %get3A_64 = arith.constant 0 : index
    %get3A_65 = vector.load %arg1[%get3A_62, %get3A_63, %get3A_64] : memref<84x8x2560xf32, #tpu.memory_space<vmem>>, vector<1x8x2560xf32>
    %get3A_66 = vector.shape_cast %get3A_65 : vector<1x8x2560xf32> to vector<8x2560xf32>
    %gt3A_67 = arith.cmpf ogt, %get3A_66, %select_n3A_58 : vector<8x2560xf32>
    %select_n3A_68 = arith.select %gt3A_67, %get3A_66, %select_n3A_58 : vector<8x2560xi1>, vector<8x2560xf32>
    %jit3A_69 = arith.constant 7.000000e+00 : f32
    %broadcast_in_dim3A_70 = vector.broadcast %jit3A_69 : f32 to vector<8x2560xf32>
    %select_n3A_71 = arith.select %gt3A_67, %broadcast_in_dim3A_70, %select_n3A_61 : vector<8x2560xi1>, vector<8x2560xf32>
    %get3A_72 = arith.constant 12 : index
    %get3A_73 = arith.constant 0 : index
    %get3A_74 = arith.constant 0 : index
    %get3A_75 = vector.load %arg1[%get3A_72, %get3A_73, %get3A_74] : memref<84x8x2560xf32, #tpu.memory_space<vmem>>, vector<1x8x2560xf32>
    %get3A_76 = vector.shape_cast %get3A_75 : vector<1x8x2560xf32> to vector<8x2560xf32>
    %gt3A_77 = arith.cmpf ogt, %get3A_76, %select_n3A_68 : vector<8x2560xf32>
    %select_n3A_78 = arith.select %gt3A_77, %get3A_76, %select_n3A_68 : vector<8x2560xi1>, vector<8x2560xf32>
    %jit3A_79 = arith.constant 8.000000e+00 : f32
    %broadcast_in_dim3A_80 = vector.broadcast %jit3A_79 : f32 to vector<8x2560xf32>
    %select_n3A_81 = arith.select %gt3A_77, %broadcast_in_dim3A_80, %select_n3A_71 : vector<8x2560xi1>, vector<8x2560xf32>
    %get3A_82 = arith.constant 13 : index
    %get3A_83 = arith.constant 0 : index
    %get3A_84 = arith.constant 0 : index
    %get3A_85 = vector.load %arg1[%get3A_82, %get3A_83, %get3A_84] : memref<84x8x2560xf32, #tpu.memory_space<vmem>>, vector<1x8x2560xf32>
    %get3A_86 = vector.shape_cast %get3A_85 : vector<1x8x2560xf32> to vector<8x2560xf32>
    %gt3A_87 = arith.cmpf ogt, %get3A_86, %select_n3A_78 : vector<8x2560xf32>
    %select_n3A_88 = arith.select %gt3A_87, %get3A_86, %select_n3A_78 : vector<8x2560xi1>, vector<8x2560xf32>
    %jit3A_89 = arith.constant 9.000000e+00 : f32
    %broadcast_in_dim3A_90 = vector.broadcast %jit3A_89 : f32 to vector<8x2560xf32>
    %select_n3A_91 = arith.select %gt3A_87, %broadcast_in_dim3A_90, %select_n3A_81 : vector<8x2560xi1>, vector<8x2560xf32>
    %get3A_92 = arith.constant 14 : index
    %get3A_93 = arith.constant 0 : index
    %get3A_94 = arith.constant 0 : index
    %get3A_95 = vector.load %arg1[%get3A_92, %get3A_93, %get3A_94] : memref<84x8x2560xf32, #tpu.memory_space<vmem>>, vector<1x8x2560xf32>
    %get3A_96 = vector.shape_cast %get3A_95 : vector<1x8x2560xf32> to vector<8x2560xf32>
    %gt3A_97 = arith.cmpf ogt, %get3A_96, %select_n3A_88 : vector<8x2560xf32>
    %select_n3A_98 = arith.select %gt3A_97, %get3A_96, %select_n3A_88 : vector<8x2560xi1>, vector<8x2560xf32>
    %jit3A_99 = arith.constant 1.000000e+01 : f32
    %broadcast_in_dim3A_100 = vector.broadcast %jit3A_99 : f32 to vector<8x2560xf32>
    %select_n3A_101 = arith.select %gt3A_97, %broadcast_in_dim3A_100, %select_n3A_91 : vector<8x2560xi1>, vector<8x2560xf32>
    %get3A_102 = arith.constant 15 : index
    %get3A_103 = arith.constant 0 : index
    %get3A_104 = arith.constant 0 : index
    %get3A_105 = vector.load %arg1[%get3A_102, %get3A_103, %get3A_104] : memref<84x8x2560xf32, #tpu.memory_space<vmem>>, vector<1x8x2560xf32>
    %get3A_106 = vector.shape_cast %get3A_105 : vector<1x8x2560xf32> to vector<8x2560xf32>
    %gt3A_107 = arith.cmpf ogt, %get3A_106, %select_n3A_98 : vector<8x2560xf32>
    %select_n3A_108 = arith.select %gt3A_107, %get3A_106, %select_n3A_98 : vector<8x2560xi1>, vector<8x2560xf32>
    %jit3A_109 = arith.constant 1.100000e+01 : f32
    %broadcast_in_dim3A_110 = vector.broadcast %jit3A_109 : f32 to vector<8x2560xf32>
    %select_n3A_111 = arith.select %gt3A_107, %broadcast_in_dim3A_110, %select_n3A_101 : vector<8x2560xi1>, vector<8x2560xf32>
    %get3A_112 = arith.constant 16 : index
    %get3A_113 = arith.constant 0 : index
    %get3A_114 = arith.constant 0 : index
    %get3A_115 = vector.load %arg1[%get3A_112, %get3A_113, %get3A_114] : memref<84x8x2560xf32, #tpu.memory_space<vmem>>, vector<1x8x2560xf32>
    %get3A_116 = vector.shape_cast %get3A_115 : vector<1x8x2560xf32> to vector<8x2560xf32>
    %gt3A_117 = arith.cmpf ogt, %get3A_116, %select_n3A_108 : vector<8x2560xf32>
    %select_n3A_118 = arith.select %gt3A_117, %get3A_116, %select_n3A_108 : vector<8x2560xi1>, vector<8x2560xf32>
    %jit3A_119 = arith.constant 1.200000e+01 : f32
    %broadcast_in_dim3A_120 = vector.broadcast %jit3A_119 : f32 to vector<8x2560xf32>
    %select_n3A_121 = arith.select %gt3A_117, %broadcast_in_dim3A_120, %select_n3A_111 : vector<8x2560xi1>, vector<8x2560xf32>
    %get3A_122 = arith.constant 17 : index
    %get3A_123 = arith.constant 0 : index
    %get3A_124 = arith.constant 0 : index
    %get3A_125 = vector.load %arg1[%get3A_122, %get3A_123, %get3A_124] : memref<84x8x2560xf32, #tpu.memory_space<vmem>>, vector<1x8x2560xf32>
    %get3A_126 = vector.shape_cast %get3A_125 : vector<1x8x2560xf32> to vector<8x2560xf32>
    %gt3A_127 = arith.cmpf ogt, %get3A_126, %select_n3A_118 : vector<8x2560xf32>
    %select_n3A_128 = arith.select %gt3A_127, %get3A_126, %select_n3A_118 : vector<8x2560xi1>, vector<8x2560xf32>
    %jit3A_129 = arith.constant 1.300000e+01 : f32
    %broadcast_in_dim3A_130 = vector.broadcast %jit3A_129 : f32 to vector<8x2560xf32>
    %select_n3A_131 = arith.select %gt3A_127, %broadcast_in_dim3A_130, %select_n3A_121 : vector<8x2560xi1>, vector<8x2560xf32>
    %get3A_132 = arith.constant 18 : index
    %get3A_133 = arith.constant 0 : index
    %get3A_134 = arith.constant 0 : index
    %get3A_135 = vector.load %arg1[%get3A_132, %get3A_133, %get3A_134] : memref<84x8x2560xf32, #tpu.memory_space<vmem>>, vector<1x8x2560xf32>
    %get3A_136 = vector.shape_cast %get3A_135 : vector<1x8x2560xf32> to vector<8x2560xf32>
    %gt3A_137 = arith.cmpf ogt, %get3A_136, %select_n3A_128 : vector<8x2560xf32>
    %select_n3A_138 = arith.select %gt3A_137, %get3A_136, %select_n3A_128 : vector<8x2560xi1>, vector<8x2560xf32>
    %jit3A_139 = arith.constant 1.400000e+01 : f32
    %broadcast_in_dim3A_140 = vector.broadcast %jit3A_139 : f32 to vector<8x2560xf32>
    %select_n3A_141 = arith.select %gt3A_137, %broadcast_in_dim3A_140, %select_n3A_131 : vector<8x2560xi1>, vector<8x2560xf32>
    %get3A_142 = arith.constant 19 : index
    %get3A_143 = arith.constant 0 : index
    %get3A_144 = arith.constant 0 : index
    %get3A_145 = vector.load %arg1[%get3A_142, %get3A_143, %get3A_144] : memref<84x8x2560xf32, #tpu.memory_space<vmem>>, vector<1x8x2560xf32>
    %get3A_146 = vector.shape_cast %get3A_145 : vector<1x8x2560xf32> to vector<8x2560xf32>
    %gt3A_147 = arith.cmpf ogt, %get3A_146, %select_n3A_138 : vector<8x2560xf32>
    %select_n3A_148 = arith.select %gt3A_147, %get3A_146, %select_n3A_138 : vector<8x2560xi1>, vector<8x2560xf32>
    %jit3A_149 = arith.constant 1.500000e+01 : f32
    %broadcast_in_dim3A_150 = vector.broadcast %jit3A_149 : f32 to vector<8x2560xf32>
    %select_n3A_151 = arith.select %gt3A_147, %broadcast_in_dim3A_150, %select_n3A_141 : vector<8x2560xi1>, vector<8x2560xf32>
    %get3A_152 = arith.constant 20 : index
    %get3A_153 = arith.constant 0 : index
    %get3A_154 = arith.constant 0 : index
    %get3A_155 = vector.load %arg1[%get3A_152, %get3A_153, %get3A_154] : memref<84x8x2560xf32, #tpu.memory_space<vmem>>, vector<1x8x2560xf32>
    %get3A_156 = vector.shape_cast %get3A_155 : vector<1x8x2560xf32> to vector<8x2560xf32>
    %gt3A_157 = arith.cmpf ogt, %get3A_156, %select_n3A_148 : vector<8x2560xf32>
    %select_n3A_158 = arith.select %gt3A_157, %get3A_156, %select_n3A_148 : vector<8x2560xi1>, vector<8x2560xf32>
    %jit3A_159 = arith.constant 1.600000e+01 : f32
    %broadcast_in_dim3A_160 = vector.broadcast %jit3A_159 : f32 to vector<8x2560xf32>
    %select_n3A_161 = arith.select %gt3A_157, %broadcast_in_dim3A_160, %select_n3A_151 : vector<8x2560xi1>, vector<8x2560xf32>
    %get3A_162 = arith.constant 21 : index
    %get3A_163 = arith.constant 0 : index
    %get3A_164 = arith.constant 0 : index
    %get3A_165 = vector.load %arg1[%get3A_162, %get3A_163, %get3A_164] : memref<84x8x2560xf32, #tpu.memory_space<vmem>>, vector<1x8x2560xf32>
    %get3A_166 = vector.shape_cast %get3A_165 : vector<1x8x2560xf32> to vector<8x2560xf32>
    %gt3A_167 = arith.cmpf ogt, %get3A_166, %select_n3A_158 : vector<8x2560xf32>
    %select_n3A_168 = arith.select %gt3A_167, %get3A_166, %select_n3A_158 : vector<8x2560xi1>, vector<8x2560xf32>
    %jit3A_169 = arith.constant 1.700000e+01 : f32
    %broadcast_in_dim3A_170 = vector.broadcast %jit3A_169 : f32 to vector<8x2560xf32>
    %select_n3A_171 = arith.select %gt3A_167, %broadcast_in_dim3A_170, %select_n3A_161 : vector<8x2560xi1>, vector<8x2560xf32>
    %get3A_172 = arith.constant 22 : index
    %get3A_173 = arith.constant 0 : index
    %get3A_174 = arith.constant 0 : index
    %get3A_175 = vector.load %arg1[%get3A_172, %get3A_173, %get3A_174] : memref<84x8x2560xf32, #tpu.memory_space<vmem>>, vector<1x8x2560xf32>
    %get3A_176 = vector.shape_cast %get3A_175 : vector<1x8x2560xf32> to vector<8x2560xf32>
    %gt3A_177 = arith.cmpf ogt, %get3A_176, %select_n3A_168 : vector<8x2560xf32>
    %select_n3A_178 = arith.select %gt3A_177, %get3A_176, %select_n3A_168 : vector<8x2560xi1>, vector<8x2560xf32>
    %jit3A_179 = arith.constant 1.800000e+01 : f32
    %broadcast_in_dim3A_180 = vector.broadcast %jit3A_179 : f32 to vector<8x2560xf32>
    %select_n3A_181 = arith.select %gt3A_177, %broadcast_in_dim3A_180, %select_n3A_171 : vector<8x2560xi1>, vector<8x2560xf32>
    %get3A_182 = arith.constant 23 : index
    %get3A_183 = arith.constant 0 : index
    %get3A_184 = arith.constant 0 : index
    %get3A_185 = vector.load %arg1[%get3A_182, %get3A_183, %get3A_184] : memref<84x8x2560xf32, #tpu.memory_space<vmem>>, vector<1x8x2560xf32>
    %get3A_186 = vector.shape_cast %get3A_185 : vector<1x8x2560xf32> to vector<8x2560xf32>
    %gt3A_187 = arith.cmpf ogt, %get3A_186, %select_n3A_178 : vector<8x2560xf32>
    %select_n3A_188 = arith.select %gt3A_187, %get3A_186, %select_n3A_178 : vector<8x2560xi1>, vector<8x2560xf32>
    %jit3A_189 = arith.constant 1.900000e+01 : f32
    %broadcast_in_dim3A_190 = vector.broadcast %jit3A_189 : f32 to vector<8x2560xf32>
    %select_n3A_191 = arith.select %gt3A_187, %broadcast_in_dim3A_190, %select_n3A_181 : vector<8x2560xi1>, vector<8x2560xf32>
    %get3A_192 = arith.constant 24 : index
    %get3A_193 = arith.constant 0 : index
    %get3A_194 = arith.constant 0 : index
    %get3A_195 = vector.load %arg1[%get3A_192, %get3A_193, %get3A_194] : memref<84x8x2560xf32, #tpu.memory_space<vmem>>, vector<1x8x2560xf32>
    %get3A_196 = vector.shape_cast %get3A_195 : vector<1x8x2560xf32> to vector<8x2560xf32>
    %gt3A_197 = arith.cmpf ogt, %get3A_196, %select_n3A_188 : vector<8x2560xf32>
    %select_n3A_198 = arith.select %gt3A_197, %get3A_196, %select_n3A_188 : vector<8x2560xi1>, vector<8x2560xf32>
    %jit3A_199 = arith.constant 2.000000e+01 : f32
    %broadcast_in_dim3A_200 = vector.broadcast %jit3A_199 : f32 to vector<8x2560xf32>
    %select_n3A_201 = arith.select %gt3A_197, %broadcast_in_dim3A_200, %select_n3A_191 : vector<8x2560xi1>, vector<8x2560xf32>
    %get3A_202 = arith.constant 25 : index
    %get3A_203 = arith.constant 0 : index
    %get3A_204 = arith.constant 0 : index
    %get3A_205 = vector.load %arg1[%get3A_202, %get3A_203, %get3A_204] : memref<84x8x2560xf32, #tpu.memory_space<vmem>>, vector<1x8x2560xf32>
    %get3A_206 = vector.shape_cast %get3A_205 : vector<1x8x2560xf32> to vector<8x2560xf32>
    %gt3A_207 = arith.cmpf ogt, %get3A_206, %select_n3A_198 : vector<8x2560xf32>
    %select_n3A_208 = arith.select %gt3A_207, %get3A_206, %select_n3A_198 : vector<8x2560xi1>, vector<8x2560xf32>
    %jit3A_209 = arith.constant 2.100000e+01 : f32
    %broadcast_in_dim3A_210 = vector.broadcast %jit3A_209 : f32 to vector<8x2560xf32>
    %select_n3A_211 = arith.select %gt3A_207, %broadcast_in_dim3A_210, %select_n3A_201 : vector<8x2560xi1>, vector<8x2560xf32>
    %get3A_212 = arith.constant 26 : index
    %get3A_213 = arith.constant 0 : index
    %get3A_214 = arith.constant 0 : index
    %get3A_215 = vector.load %arg1[%get3A_212, %get3A_213, %get3A_214] : memref<84x8x2560xf32, #tpu.memory_space<vmem>>, vector<1x8x2560xf32>
    %get3A_216 = vector.shape_cast %get3A_215 : vector<1x8x2560xf32> to vector<8x2560xf32>
    %gt3A_217 = arith.cmpf ogt, %get3A_216, %select_n3A_208 : vector<8x2560xf32>
    %select_n3A_218 = arith.select %gt3A_217, %get3A_216, %select_n3A_208 : vector<8x2560xi1>, vector<8x2560xf32>
    %jit3A_219 = arith.constant 2.200000e+01 : f32
    %broadcast_in_dim3A_220 = vector.broadcast %jit3A_219 : f32 to vector<8x2560xf32>
    %select_n3A_221 = arith.select %gt3A_217, %broadcast_in_dim3A_220, %select_n3A_211 : vector<8x2560xi1>, vector<8x2560xf32>
    %get3A_222 = arith.constant 27 : index
    %get3A_223 = arith.constant 0 : index
    %get3A_224 = arith.constant 0 : index
    %get3A_225 = vector.load %arg1[%get3A_222, %get3A_223, %get3A_224] : memref<84x8x2560xf32, #tpu.memory_space<vmem>>, vector<1x8x2560xf32>
    %get3A_226 = vector.shape_cast %get3A_225 : vector<1x8x2560xf32> to vector<8x2560xf32>
    %gt3A_227 = arith.cmpf ogt, %get3A_226, %select_n3A_218 : vector<8x2560xf32>
    %select_n3A_228 = arith.select %gt3A_227, %get3A_226, %select_n3A_218 : vector<8x2560xi1>, vector<8x2560xf32>
    %jit3A_229 = arith.constant 2.300000e+01 : f32
    %broadcast_in_dim3A_230 = vector.broadcast %jit3A_229 : f32 to vector<8x2560xf32>
    %select_n3A_231 = arith.select %gt3A_227, %broadcast_in_dim3A_230, %select_n3A_221 : vector<8x2560xi1>, vector<8x2560xf32>
    %get3A_232 = arith.constant 28 : index
    %get3A_233 = arith.constant 0 : index
    %get3A_234 = arith.constant 0 : index
    %get3A_235 = vector.load %arg1[%get3A_232, %get3A_233, %get3A_234] : memref<84x8x2560xf32, #tpu.memory_space<vmem>>, vector<1x8x2560xf32>
    %get3A_236 = vector.shape_cast %get3A_235 : vector<1x8x2560xf32> to vector<8x2560xf32>
    %gt3A_237 = arith.cmpf ogt, %get3A_236, %select_n3A_228 : vector<8x2560xf32>
    %select_n3A_238 = arith.select %gt3A_237, %get3A_236, %select_n3A_228 : vector<8x2560xi1>, vector<8x2560xf32>
    %jit3A_239 = arith.constant 2.400000e+01 : f32
    %broadcast_in_dim3A_240 = vector.broadcast %jit3A_239 : f32 to vector<8x2560xf32>
    %select_n3A_241 = arith.select %gt3A_237, %broadcast_in_dim3A_240, %select_n3A_231 : vector<8x2560xi1>, vector<8x2560xf32>
    %get3A_242 = arith.constant 29 : index
    %get3A_243 = arith.constant 0 : index
    %get3A_244 = arith.constant 0 : index
    %get3A_245 = vector.load %arg1[%get3A_242, %get3A_243, %get3A_244] : memref<84x8x2560xf32, #tpu.memory_space<vmem>>, vector<1x8x2560xf32>
    %get3A_246 = vector.shape_cast %get3A_245 : vector<1x8x2560xf32> to vector<8x2560xf32>
    %gt3A_247 = arith.cmpf ogt, %get3A_246, %select_n3A_238 : vector<8x2560xf32>
    %select_n3A_248 = arith.select %gt3A_247, %get3A_246, %select_n3A_238 : vector<8x2560xi1>, vector<8x2560xf32>
    %jit3A_249 = arith.constant 2.500000e+01 : f32
    %broadcast_in_dim3A_250 = vector.broadcast %jit3A_249 : f32 to vector<8x2560xf32>
    %select_n3A_251 = arith.select %gt3A_247, %broadcast_in_dim3A_250, %select_n3A_241 : vector<8x2560xi1>, vector<8x2560xf32>
    %get3A_252 = arith.constant 30 : index
    %get3A_253 = arith.constant 0 : index
    %get3A_254 = arith.constant 0 : index
    %get3A_255 = vector.load %arg1[%get3A_252, %get3A_253, %get3A_254] : memref<84x8x2560xf32, #tpu.memory_space<vmem>>, vector<1x8x2560xf32>
    %get3A_256 = vector.shape_cast %get3A_255 : vector<1x8x2560xf32> to vector<8x2560xf32>
    %gt3A_257 = arith.cmpf ogt, %get3A_256, %select_n3A_248 : vector<8x2560xf32>
    %select_n3A_258 = arith.select %gt3A_257, %get3A_256, %select_n3A_248 : vector<8x2560xi1>, vector<8x2560xf32>
    %jit3A_259 = arith.constant 2.600000e+01 : f32
    %broadcast_in_dim3A_260 = vector.broadcast %jit3A_259 : f32 to vector<8x2560xf32>
    %select_n3A_261 = arith.select %gt3A_257, %broadcast_in_dim3A_260, %select_n3A_251 : vector<8x2560xi1>, vector<8x2560xf32>
    %get3A_262 = arith.constant 31 : index
    %get3A_263 = arith.constant 0 : index
    %get3A_264 = arith.constant 0 : index
    %get3A_265 = vector.load %arg1[%get3A_262, %get3A_263, %get3A_264] : memref<84x8x2560xf32, #tpu.memory_space<vmem>>, vector<1x8x2560xf32>
    %get3A_266 = vector.shape_cast %get3A_265 : vector<1x8x2560xf32> to vector<8x2560xf32>
    %gt3A_267 = arith.cmpf ogt, %get3A_266, %select_n3A_258 : vector<8x2560xf32>
    %select_n3A_268 = arith.select %gt3A_267, %get3A_266, %select_n3A_258 : vector<8x2560xi1>, vector<8x2560xf32>
    %jit3A_269 = arith.constant 2.700000e+01 : f32
    %broadcast_in_dim3A_270 = vector.broadcast %jit3A_269 : f32 to vector<8x2560xf32>
    %select_n3A_271 = arith.select %gt3A_267, %broadcast_in_dim3A_270, %select_n3A_261 : vector<8x2560xi1>, vector<8x2560xf32>
    %get3A_272 = arith.constant 32 : index
    %get3A_273 = arith.constant 0 : index
    %get3A_274 = arith.constant 0 : index
    %get3A_275 = vector.load %arg1[%get3A_272, %get3A_273, %get3A_274] : memref<84x8x2560xf32, #tpu.memory_space<vmem>>, vector<1x8x2560xf32>
    %get3A_276 = vector.shape_cast %get3A_275 : vector<1x8x2560xf32> to vector<8x2560xf32>
    %gt3A_277 = arith.cmpf ogt, %get3A_276, %select_n3A_268 : vector<8x2560xf32>
    %select_n3A_278 = arith.select %gt3A_277, %get3A_276, %select_n3A_268 : vector<8x2560xi1>, vector<8x2560xf32>
    %jit3A_279 = arith.constant 2.800000e+01 : f32
    %broadcast_in_dim3A_280 = vector.broadcast %jit3A_279 : f32 to vector<8x2560xf32>
    %select_n3A_281 = arith.select %gt3A_277, %broadcast_in_dim3A_280, %select_n3A_271 : vector<8x2560xi1>, vector<8x2560xf32>
    %get3A_282 = arith.constant 33 : index
    %get3A_283 = arith.constant 0 : index
    %get3A_284 = arith.constant 0 : index
    %get3A_285 = vector.load %arg1[%get3A_282, %get3A_283, %get3A_284] : memref<84x8x2560xf32, #tpu.memory_space<vmem>>, vector<1x8x2560xf32>
    %get3A_286 = vector.shape_cast %get3A_285 : vector<1x8x2560xf32> to vector<8x2560xf32>
    %gt3A_287 = arith.cmpf ogt, %get3A_286, %select_n3A_278 : vector<8x2560xf32>
    %select_n3A_288 = arith.select %gt3A_287, %get3A_286, %select_n3A_278 : vector<8x2560xi1>, vector<8x2560xf32>
    %jit3A_289 = arith.constant 2.900000e+01 : f32
    %broadcast_in_dim3A_290 = vector.broadcast %jit3A_289 : f32 to vector<8x2560xf32>
    %select_n3A_291 = arith.select %gt3A_287, %broadcast_in_dim3A_290, %select_n3A_281 : vector<8x2560xi1>, vector<8x2560xf32>
    %get3A_292 = arith.constant 34 : index
    %get3A_293 = arith.constant 0 : index
    %get3A_294 = arith.constant 0 : index
    %get3A_295 = vector.load %arg1[%get3A_292, %get3A_293, %get3A_294] : memref<84x8x2560xf32, #tpu.memory_space<vmem>>, vector<1x8x2560xf32>
    %get3A_296 = vector.shape_cast %get3A_295 : vector<1x8x2560xf32> to vector<8x2560xf32>
    %gt3A_297 = arith.cmpf ogt, %get3A_296, %select_n3A_288 : vector<8x2560xf32>
    %select_n3A_298 = arith.select %gt3A_297, %get3A_296, %select_n3A_288 : vector<8x2560xi1>, vector<8x2560xf32>
    %jit3A_299 = arith.constant 3.000000e+01 : f32
    %broadcast_in_dim3A_300 = vector.broadcast %jit3A_299 : f32 to vector<8x2560xf32>
    %select_n3A_301 = arith.select %gt3A_297, %broadcast_in_dim3A_300, %select_n3A_291 : vector<8x2560xi1>, vector<8x2560xf32>
    %get3A_302 = arith.constant 35 : index
    %get3A_303 = arith.constant 0 : index
    %get3A_304 = arith.constant 0 : index
    %get3A_305 = vector.load %arg1[%get3A_302, %get3A_303, %get3A_304] : memref<84x8x2560xf32, #tpu.memory_space<vmem>>, vector<1x8x2560xf32>
    %get3A_306 = vector.shape_cast %get3A_305 : vector<1x8x2560xf32> to vector<8x2560xf32>
    %gt3A_307 = arith.cmpf ogt, %get3A_306, %select_n3A_298 : vector<8x2560xf32>
    %select_n3A_308 = arith.select %gt3A_307, %get3A_306, %select_n3A_298 : vector<8x2560xi1>, vector<8x2560xf32>
    %jit3A_309 = arith.constant 3.100000e+01 : f32
    %broadcast_in_dim3A_310 = vector.broadcast %jit3A_309 : f32 to vector<8x2560xf32>
    %select_n3A_311 = arith.select %gt3A_307, %broadcast_in_dim3A_310, %select_n3A_301 : vector<8x2560xi1>, vector<8x2560xf32>
    %get3A_312 = arith.constant 36 : index
    %get3A_313 = arith.constant 0 : index
    %get3A_314 = arith.constant 0 : index
    %get3A_315 = vector.load %arg1[%get3A_312, %get3A_313, %get3A_314] : memref<84x8x2560xf32, #tpu.memory_space<vmem>>, vector<1x8x2560xf32>
    %get3A_316 = vector.shape_cast %get3A_315 : vector<1x8x2560xf32> to vector<8x2560xf32>
    %gt3A_317 = arith.cmpf ogt, %get3A_316, %select_n3A_308 : vector<8x2560xf32>
    %select_n3A_318 = arith.select %gt3A_317, %get3A_316, %select_n3A_308 : vector<8x2560xi1>, vector<8x2560xf32>
    %jit3A_319 = arith.constant 3.200000e+01 : f32
    %broadcast_in_dim3A_320 = vector.broadcast %jit3A_319 : f32 to vector<8x2560xf32>
    %select_n3A_321 = arith.select %gt3A_317, %broadcast_in_dim3A_320, %select_n3A_311 : vector<8x2560xi1>, vector<8x2560xf32>
    %get3A_322 = arith.constant 37 : index
    %get3A_323 = arith.constant 0 : index
    %get3A_324 = arith.constant 0 : index
    %get3A_325 = vector.load %arg1[%get3A_322, %get3A_323, %get3A_324] : memref<84x8x2560xf32, #tpu.memory_space<vmem>>, vector<1x8x2560xf32>
    %get3A_326 = vector.shape_cast %get3A_325 : vector<1x8x2560xf32> to vector<8x2560xf32>
    %gt3A_327 = arith.cmpf ogt, %get3A_326, %select_n3A_318 : vector<8x2560xf32>
    %select_n3A_328 = arith.select %gt3A_327, %get3A_326, %select_n3A_318 : vector<8x2560xi1>, vector<8x2560xf32>
    %jit3A_329 = arith.constant 3.300000e+01 : f32
    %broadcast_in_dim3A_330 = vector.broadcast %jit3A_329 : f32 to vector<8x2560xf32>
    %select_n3A_331 = arith.select %gt3A_327, %broadcast_in_dim3A_330, %select_n3A_321 : vector<8x2560xi1>, vector<8x2560xf32>
    %get3A_332 = arith.constant 38 : index
    %get3A_333 = arith.constant 0 : index
    %get3A_334 = arith.constant 0 : index
    %get3A_335 = vector.load %arg1[%get3A_332, %get3A_333, %get3A_334] : memref<84x8x2560xf32, #tpu.memory_space<vmem>>, vector<1x8x2560xf32>
    %get3A_336 = vector.shape_cast %get3A_335 : vector<1x8x2560xf32> to vector<8x2560xf32>
    %gt3A_337 = arith.cmpf ogt, %get3A_336, %select_n3A_328 : vector<8x2560xf32>
    %select_n3A_338 = arith.select %gt3A_337, %get3A_336, %select_n3A_328 : vector<8x2560xi1>, vector<8x2560xf32>
    %jit3A_339 = arith.constant 3.400000e+01 : f32
    %broadcast_in_dim3A_340 = vector.broadcast %jit3A_339 : f32 to vector<8x2560xf32>
    %select_n3A_341 = arith.select %gt3A_337, %broadcast_in_dim3A_340, %select_n3A_331 : vector<8x2560xi1>, vector<8x2560xf32>
    %get3A_342 = arith.constant 39 : index
    %get3A_343 = arith.constant 0 : index
    %get3A_344 = arith.constant 0 : index
    %get3A_345 = vector.load %arg1[%get3A_342, %get3A_343, %get3A_344] : memref<84x8x2560xf32, #tpu.memory_space<vmem>>, vector<1x8x2560xf32>
    %get3A_346 = vector.shape_cast %get3A_345 : vector<1x8x2560xf32> to vector<8x2560xf32>
    %gt3A_347 = arith.cmpf ogt, %get3A_346, %select_n3A_338 : vector<8x2560xf32>
    %select_n3A_348 = arith.select %gt3A_347, %get3A_346, %select_n3A_338 : vector<8x2560xi1>, vector<8x2560xf32>
    %jit3A_349 = arith.constant 3.500000e+01 : f32
    %broadcast_in_dim3A_350 = vector.broadcast %jit3A_349 : f32 to vector<8x2560xf32>
    %select_n3A_351 = arith.select %gt3A_347, %broadcast_in_dim3A_350, %select_n3A_341 : vector<8x2560xi1>, vector<8x2560xf32>
    %get3A_352 = arith.constant 40 : index
    %get3A_353 = arith.constant 0 : index
    %get3A_354 = arith.constant 0 : index
    %get3A_355 = vector.load %arg1[%get3A_352, %get3A_353, %get3A_354] : memref<84x8x2560xf32, #tpu.memory_space<vmem>>, vector<1x8x2560xf32>
    %get3A_356 = vector.shape_cast %get3A_355 : vector<1x8x2560xf32> to vector<8x2560xf32>
    %gt3A_357 = arith.cmpf ogt, %get3A_356, %select_n3A_348 : vector<8x2560xf32>
    %select_n3A_358 = arith.select %gt3A_357, %get3A_356, %select_n3A_348 : vector<8x2560xi1>, vector<8x2560xf32>
    %jit3A_359 = arith.constant 3.600000e+01 : f32
    %broadcast_in_dim3A_360 = vector.broadcast %jit3A_359 : f32 to vector<8x2560xf32>
    %select_n3A_361 = arith.select %gt3A_357, %broadcast_in_dim3A_360, %select_n3A_351 : vector<8x2560xi1>, vector<8x2560xf32>
    %get3A_362 = arith.constant 41 : index
    %get3A_363 = arith.constant 0 : index
    %get3A_364 = arith.constant 0 : index
    %get3A_365 = vector.load %arg1[%get3A_362, %get3A_363, %get3A_364] : memref<84x8x2560xf32, #tpu.memory_space<vmem>>, vector<1x8x2560xf32>
    %get3A_366 = vector.shape_cast %get3A_365 : vector<1x8x2560xf32> to vector<8x2560xf32>
    %gt3A_367 = arith.cmpf ogt, %get3A_366, %select_n3A_358 : vector<8x2560xf32>
    %select_n3A_368 = arith.select %gt3A_367, %get3A_366, %select_n3A_358 : vector<8x2560xi1>, vector<8x2560xf32>
    %jit3A_369 = arith.constant 3.700000e+01 : f32
    %broadcast_in_dim3A_370 = vector.broadcast %jit3A_369 : f32 to vector<8x2560xf32>
    %select_n3A_371 = arith.select %gt3A_367, %broadcast_in_dim3A_370, %select_n3A_361 : vector<8x2560xi1>, vector<8x2560xf32>
    %get3A_372 = arith.constant 42 : index
    %get3A_373 = arith.constant 0 : index
    %get3A_374 = arith.constant 0 : index
    %get3A_375 = vector.load %arg1[%get3A_372, %get3A_373, %get3A_374] : memref<84x8x2560xf32, #tpu.memory_space<vmem>>, vector<1x8x2560xf32>
    %get3A_376 = vector.shape_cast %get3A_375 : vector<1x8x2560xf32> to vector<8x2560xf32>
    %gt3A_377 = arith.cmpf ogt, %get3A_376, %select_n3A_368 : vector<8x2560xf32>
    %select_n3A_378 = arith.select %gt3A_377, %get3A_376, %select_n3A_368 : vector<8x2560xi1>, vector<8x2560xf32>
    %jit3A_379 = arith.constant 3.800000e+01 : f32
    %broadcast_in_dim3A_380 = vector.broadcast %jit3A_379 : f32 to vector<8x2560xf32>
    %select_n3A_381 = arith.select %gt3A_377, %broadcast_in_dim3A_380, %select_n3A_371 : vector<8x2560xi1>, vector<8x2560xf32>
    %get3A_382 = arith.constant 43 : index
    %get3A_383 = arith.constant 0 : index
    %get3A_384 = arith.constant 0 : index
    %get3A_385 = vector.load %arg1[%get3A_382, %get3A_383, %get3A_384] : memref<84x8x2560xf32, #tpu.memory_space<vmem>>, vector<1x8x2560xf32>
    %get3A_386 = vector.shape_cast %get3A_385 : vector<1x8x2560xf32> to vector<8x2560xf32>
    %gt3A_387 = arith.cmpf ogt, %get3A_386, %select_n3A_378 : vector<8x2560xf32>
    %select_n3A_388 = arith.select %gt3A_387, %get3A_386, %select_n3A_378 : vector<8x2560xi1>, vector<8x2560xf32>
    %jit3A_389 = arith.constant 3.900000e+01 : f32
    %broadcast_in_dim3A_390 = vector.broadcast %jit3A_389 : f32 to vector<8x2560xf32>
    %select_n3A_391 = arith.select %gt3A_387, %broadcast_in_dim3A_390, %select_n3A_381 : vector<8x2560xi1>, vector<8x2560xf32>
    %get3A_392 = arith.constant 44 : index
    %get3A_393 = arith.constant 0 : index
    %get3A_394 = arith.constant 0 : index
    %get3A_395 = vector.load %arg1[%get3A_392, %get3A_393, %get3A_394] : memref<84x8x2560xf32, #tpu.memory_space<vmem>>, vector<1x8x2560xf32>
    %get3A_396 = vector.shape_cast %get3A_395 : vector<1x8x2560xf32> to vector<8x2560xf32>
    %gt3A_397 = arith.cmpf ogt, %get3A_396, %select_n3A_388 : vector<8x2560xf32>
    %select_n3A_398 = arith.select %gt3A_397, %get3A_396, %select_n3A_388 : vector<8x2560xi1>, vector<8x2560xf32>
    %jit3A_399 = arith.constant 4.000000e+01 : f32
    %broadcast_in_dim3A_400 = vector.broadcast %jit3A_399 : f32 to vector<8x2560xf32>
    %select_n3A_401 = arith.select %gt3A_397, %broadcast_in_dim3A_400, %select_n3A_391 : vector<8x2560xi1>, vector<8x2560xf32>
    %get3A_402 = arith.constant 45 : index
    %get3A_403 = arith.constant 0 : index
    %get3A_404 = arith.constant 0 : index
    %get3A_405 = vector.load %arg1[%get3A_402, %get3A_403, %get3A_404] : memref<84x8x2560xf32, #tpu.memory_space<vmem>>, vector<1x8x2560xf32>
    %get3A_406 = vector.shape_cast %get3A_405 : vector<1x8x2560xf32> to vector<8x2560xf32>
    %gt3A_407 = arith.cmpf ogt, %get3A_406, %select_n3A_398 : vector<8x2560xf32>
    %select_n3A_408 = arith.select %gt3A_407, %get3A_406, %select_n3A_398 : vector<8x2560xi1>, vector<8x2560xf32>
    %jit3A_409 = arith.constant 4.100000e+01 : f32
    %broadcast_in_dim3A_410 = vector.broadcast %jit3A_409 : f32 to vector<8x2560xf32>
    %select_n3A_411 = arith.select %gt3A_407, %broadcast_in_dim3A_410, %select_n3A_401 : vector<8x2560xi1>, vector<8x2560xf32>
    %get3A_412 = arith.constant 46 : index
    %get3A_413 = arith.constant 0 : index
    %get3A_414 = arith.constant 0 : index
    %get3A_415 = vector.load %arg1[%get3A_412, %get3A_413, %get3A_414] : memref<84x8x2560xf32, #tpu.memory_space<vmem>>, vector<1x8x2560xf32>
    %get3A_416 = vector.shape_cast %get3A_415 : vector<1x8x2560xf32> to vector<8x2560xf32>
    %gt3A_417 = arith.cmpf ogt, %get3A_416, %select_n3A_408 : vector<8x2560xf32>
    %select_n3A_418 = arith.select %gt3A_417, %get3A_416, %select_n3A_408 : vector<8x2560xi1>, vector<8x2560xf32>
    %jit3A_419 = arith.constant 4.200000e+01 : f32
    %broadcast_in_dim3A_420 = vector.broadcast %jit3A_419 : f32 to vector<8x2560xf32>
    %select_n3A_421 = arith.select %gt3A_417, %broadcast_in_dim3A_420, %select_n3A_411 : vector<8x2560xi1>, vector<8x2560xf32>
    %get3A_422 = arith.constant 47 : index
    %get3A_423 = arith.constant 0 : index
    %get3A_424 = arith.constant 0 : index
    %get3A_425 = vector.load %arg1[%get3A_422, %get3A_423, %get3A_424] : memref<84x8x2560xf32, #tpu.memory_space<vmem>>, vector<1x8x2560xf32>
    %get3A_426 = vector.shape_cast %get3A_425 : vector<1x8x2560xf32> to vector<8x2560xf32>
    %gt3A_427 = arith.cmpf ogt, %get3A_426, %select_n3A_418 : vector<8x2560xf32>
    %select_n3A_428 = arith.select %gt3A_427, %get3A_426, %select_n3A_418 : vector<8x2560xi1>, vector<8x2560xf32>
    %jit3A_429 = arith.constant 4.300000e+01 : f32
    %broadcast_in_dim3A_430 = vector.broadcast %jit3A_429 : f32 to vector<8x2560xf32>
    %select_n3A_431 = arith.select %gt3A_427, %broadcast_in_dim3A_430, %select_n3A_421 : vector<8x2560xi1>, vector<8x2560xf32>
    %get3A_432 = arith.constant 48 : index
    %get3A_433 = arith.constant 0 : index
    %get3A_434 = arith.constant 0 : index
    %get3A_435 = vector.load %arg1[%get3A_432, %get3A_433, %get3A_434] : memref<84x8x2560xf32, #tpu.memory_space<vmem>>, vector<1x8x2560xf32>
    %get3A_436 = vector.shape_cast %get3A_435 : vector<1x8x2560xf32> to vector<8x2560xf32>
    %gt3A_437 = arith.cmpf ogt, %get3A_436, %select_n3A_428 : vector<8x2560xf32>
    %select_n3A_438 = arith.select %gt3A_437, %get3A_436, %select_n3A_428 : vector<8x2560xi1>, vector<8x2560xf32>
    %jit3A_439 = arith.constant 4.400000e+01 : f32
    %broadcast_in_dim3A_440 = vector.broadcast %jit3A_439 : f32 to vector<8x2560xf32>
    %select_n3A_441 = arith.select %gt3A_437, %broadcast_in_dim3A_440, %select_n3A_431 : vector<8x2560xi1>, vector<8x2560xf32>
    %get3A_442 = arith.constant 49 : index
    %get3A_443 = arith.constant 0 : index
    %get3A_444 = arith.constant 0 : index
    %get3A_445 = vector.load %arg1[%get3A_442, %get3A_443, %get3A_444] : memref<84x8x2560xf32, #tpu.memory_space<vmem>>, vector<1x8x2560xf32>
    %get3A_446 = vector.shape_cast %get3A_445 : vector<1x8x2560xf32> to vector<8x2560xf32>
    %gt3A_447 = arith.cmpf ogt, %get3A_446, %select_n3A_438 : vector<8x2560xf32>
    %select_n3A_448 = arith.select %gt3A_447, %get3A_446, %select_n3A_438 : vector<8x2560xi1>, vector<8x2560xf32>
    %jit3A_449 = arith.constant 4.500000e+01 : f32
    %broadcast_in_dim3A_450 = vector.broadcast %jit3A_449 : f32 to vector<8x2560xf32>
    %select_n3A_451 = arith.select %gt3A_447, %broadcast_in_dim3A_450, %select_n3A_441 : vector<8x2560xi1>, vector<8x2560xf32>
    %get3A_452 = arith.constant 50 : index
    %get3A_453 = arith.constant 0 : index
    %get3A_454 = arith.constant 0 : index
    %get3A_455 = vector.load %arg1[%get3A_452, %get3A_453, %get3A_454] : memref<84x8x2560xf32, #tpu.memory_space<vmem>>, vector<1x8x2560xf32>
    %get3A_456 = vector.shape_cast %get3A_455 : vector<1x8x2560xf32> to vector<8x2560xf32>
    %gt3A_457 = arith.cmpf ogt, %get3A_456, %select_n3A_448 : vector<8x2560xf32>
    %select_n3A_458 = arith.select %gt3A_457, %get3A_456, %select_n3A_448 : vector<8x2560xi1>, vector<8x2560xf32>
    %jit3A_459 = arith.constant 4.600000e+01 : f32
    %broadcast_in_dim3A_460 = vector.broadcast %jit3A_459 : f32 to vector<8x2560xf32>
    %select_n3A_461 = arith.select %gt3A_457, %broadcast_in_dim3A_460, %select_n3A_451 : vector<8x2560xi1>, vector<8x2560xf32>
    %get3A_462 = arith.constant 51 : index
    %get3A_463 = arith.constant 0 : index
    %get3A_464 = arith.constant 0 : index
    %get3A_465 = vector.load %arg1[%get3A_462, %get3A_463, %get3A_464] : memref<84x8x2560xf32, #tpu.memory_space<vmem>>, vector<1x8x2560xf32>
    %get3A_466 = vector.shape_cast %get3A_465 : vector<1x8x2560xf32> to vector<8x2560xf32>
    %gt3A_467 = arith.cmpf ogt, %get3A_466, %select_n3A_458 : vector<8x2560xf32>
    %select_n3A_468 = arith.select %gt3A_467, %get3A_466, %select_n3A_458 : vector<8x2560xi1>, vector<8x2560xf32>
    %jit3A_469 = arith.constant 4.700000e+01 : f32
    %broadcast_in_dim3A_470 = vector.broadcast %jit3A_469 : f32 to vector<8x2560xf32>
    %select_n3A_471 = arith.select %gt3A_467, %broadcast_in_dim3A_470, %select_n3A_461 : vector<8x2560xi1>, vector<8x2560xf32>
    %get3A_472 = arith.constant 52 : index
    %get3A_473 = arith.constant 0 : index
    %get3A_474 = arith.constant 0 : index
    %get3A_475 = vector.load %arg1[%get3A_472, %get3A_473, %get3A_474] : memref<84x8x2560xf32, #tpu.memory_space<vmem>>, vector<1x8x2560xf32>
    %get3A_476 = vector.shape_cast %get3A_475 : vector<1x8x2560xf32> to vector<8x2560xf32>
    %gt3A_477 = arith.cmpf ogt, %get3A_476, %select_n3A_468 : vector<8x2560xf32>
    %select_n3A_478 = arith.select %gt3A_477, %get3A_476, %select_n3A_468 : vector<8x2560xi1>, vector<8x2560xf32>
    %jit3A_479 = arith.constant 4.800000e+01 : f32
    %broadcast_in_dim3A_480 = vector.broadcast %jit3A_479 : f32 to vector<8x2560xf32>
    %select_n3A_481 = arith.select %gt3A_477, %broadcast_in_dim3A_480, %select_n3A_471 : vector<8x2560xi1>, vector<8x2560xf32>
    %get3A_482 = arith.constant 53 : index
    %get3A_483 = arith.constant 0 : index
    %get3A_484 = arith.constant 0 : index
    %get3A_485 = vector.load %arg1[%get3A_482, %get3A_483, %get3A_484] : memref<84x8x2560xf32, #tpu.memory_space<vmem>>, vector<1x8x2560xf32>
    %get3A_486 = vector.shape_cast %get3A_485 : vector<1x8x2560xf32> to vector<8x2560xf32>
    %gt3A_487 = arith.cmpf ogt, %get3A_486, %select_n3A_478 : vector<8x2560xf32>
    %select_n3A_488 = arith.select %gt3A_487, %get3A_486, %select_n3A_478 : vector<8x2560xi1>, vector<8x2560xf32>
    %jit3A_489 = arith.constant 4.900000e+01 : f32
    %broadcast_in_dim3A_490 = vector.broadcast %jit3A_489 : f32 to vector<8x2560xf32>
    %select_n3A_491 = arith.select %gt3A_487, %broadcast_in_dim3A_490, %select_n3A_481 : vector<8x2560xi1>, vector<8x2560xf32>
    %get3A_492 = arith.constant 54 : index
    %get3A_493 = arith.constant 0 : index
    %get3A_494 = arith.constant 0 : index
    %get3A_495 = vector.load %arg1[%get3A_492, %get3A_493, %get3A_494] : memref<84x8x2560xf32, #tpu.memory_space<vmem>>, vector<1x8x2560xf32>
    %get3A_496 = vector.shape_cast %get3A_495 : vector<1x8x2560xf32> to vector<8x2560xf32>
    %gt3A_497 = arith.cmpf ogt, %get3A_496, %select_n3A_488 : vector<8x2560xf32>
    %select_n3A_498 = arith.select %gt3A_497, %get3A_496, %select_n3A_488 : vector<8x2560xi1>, vector<8x2560xf32>
    %jit3A_499 = arith.constant 5.000000e+01 : f32
    %broadcast_in_dim3A_500 = vector.broadcast %jit3A_499 : f32 to vector<8x2560xf32>
    %select_n3A_501 = arith.select %gt3A_497, %broadcast_in_dim3A_500, %select_n3A_491 : vector<8x2560xi1>, vector<8x2560xf32>
    %get3A_502 = arith.constant 55 : index
    %get3A_503 = arith.constant 0 : index
    %get3A_504 = arith.constant 0 : index
    %get3A_505 = vector.load %arg1[%get3A_502, %get3A_503, %get3A_504] : memref<84x8x2560xf32, #tpu.memory_space<vmem>>, vector<1x8x2560xf32>
    %get3A_506 = vector.shape_cast %get3A_505 : vector<1x8x2560xf32> to vector<8x2560xf32>
    %gt3A_507 = arith.cmpf ogt, %get3A_506, %select_n3A_498 : vector<8x2560xf32>
    %select_n3A_508 = arith.select %gt3A_507, %get3A_506, %select_n3A_498 : vector<8x2560xi1>, vector<8x2560xf32>
    %jit3A_509 = arith.constant 5.100000e+01 : f32
    %broadcast_in_dim3A_510 = vector.broadcast %jit3A_509 : f32 to vector<8x2560xf32>
    %select_n3A_511 = arith.select %gt3A_507, %broadcast_in_dim3A_510, %select_n3A_501 : vector<8x2560xi1>, vector<8x2560xf32>
    %get3A_512 = arith.constant 56 : index
    %get3A_513 = arith.constant 0 : index
    %get3A_514 = arith.constant 0 : index
    %get3A_515 = vector.load %arg1[%get3A_512, %get3A_513, %get3A_514] : memref<84x8x2560xf32, #tpu.memory_space<vmem>>, vector<1x8x2560xf32>
    %get3A_516 = vector.shape_cast %get3A_515 : vector<1x8x2560xf32> to vector<8x2560xf32>
    %gt3A_517 = arith.cmpf ogt, %get3A_516, %select_n3A_508 : vector<8x2560xf32>
    %select_n3A_518 = arith.select %gt3A_517, %get3A_516, %select_n3A_508 : vector<8x2560xi1>, vector<8x2560xf32>
    %jit3A_519 = arith.constant 5.200000e+01 : f32
    %broadcast_in_dim3A_520 = vector.broadcast %jit3A_519 : f32 to vector<8x2560xf32>
    %select_n3A_521 = arith.select %gt3A_517, %broadcast_in_dim3A_520, %select_n3A_511 : vector<8x2560xi1>, vector<8x2560xf32>
    %get3A_522 = arith.constant 57 : index
    %get3A_523 = arith.constant 0 : index
    %get3A_524 = arith.constant 0 : index
    %get3A_525 = vector.load %arg1[%get3A_522, %get3A_523, %get3A_524] : memref<84x8x2560xf32, #tpu.memory_space<vmem>>, vector<1x8x2560xf32>
    %get3A_526 = vector.shape_cast %get3A_525 : vector<1x8x2560xf32> to vector<8x2560xf32>
    %gt3A_527 = arith.cmpf ogt, %get3A_526, %select_n3A_518 : vector<8x2560xf32>
    %select_n3A_528 = arith.select %gt3A_527, %get3A_526, %select_n3A_518 : vector<8x2560xi1>, vector<8x2560xf32>
    %jit3A_529 = arith.constant 5.300000e+01 : f32
    %broadcast_in_dim3A_530 = vector.broadcast %jit3A_529 : f32 to vector<8x2560xf32>
    %select_n3A_531 = arith.select %gt3A_527, %broadcast_in_dim3A_530, %select_n3A_521 : vector<8x2560xi1>, vector<8x2560xf32>
    %get3A_532 = arith.constant 58 : index
    %get3A_533 = arith.constant 0 : index
    %get3A_534 = arith.constant 0 : index
    %get3A_535 = vector.load %arg1[%get3A_532, %get3A_533, %get3A_534] : memref<84x8x2560xf32, #tpu.memory_space<vmem>>, vector<1x8x2560xf32>
    %get3A_536 = vector.shape_cast %get3A_535 : vector<1x8x2560xf32> to vector<8x2560xf32>
    %gt3A_537 = arith.cmpf ogt, %get3A_536, %select_n3A_528 : vector<8x2560xf32>
    %select_n3A_538 = arith.select %gt3A_537, %get3A_536, %select_n3A_528 : vector<8x2560xi1>, vector<8x2560xf32>
    %jit3A_539 = arith.constant 5.400000e+01 : f32
    %broadcast_in_dim3A_540 = vector.broadcast %jit3A_539 : f32 to vector<8x2560xf32>
    %select_n3A_541 = arith.select %gt3A_537, %broadcast_in_dim3A_540, %select_n3A_531 : vector<8x2560xi1>, vector<8x2560xf32>
    %get3A_542 = arith.constant 59 : index
    %get3A_543 = arith.constant 0 : index
    %get3A_544 = arith.constant 0 : index
    %get3A_545 = vector.load %arg1[%get3A_542, %get3A_543, %get3A_544] : memref<84x8x2560xf32, #tpu.memory_space<vmem>>, vector<1x8x2560xf32>
    %get3A_546 = vector.shape_cast %get3A_545 : vector<1x8x2560xf32> to vector<8x2560xf32>
    %gt3A_547 = arith.cmpf ogt, %get3A_546, %select_n3A_538 : vector<8x2560xf32>
    %select_n3A_548 = arith.select %gt3A_547, %get3A_546, %select_n3A_538 : vector<8x2560xi1>, vector<8x2560xf32>
    %jit3A_549 = arith.constant 5.500000e+01 : f32
    %broadcast_in_dim3A_550 = vector.broadcast %jit3A_549 : f32 to vector<8x2560xf32>
    %select_n3A_551 = arith.select %gt3A_547, %broadcast_in_dim3A_550, %select_n3A_541 : vector<8x2560xi1>, vector<8x2560xf32>
    %get3A_552 = arith.constant 60 : index
    %get3A_553 = arith.constant 0 : index
    %get3A_554 = arith.constant 0 : index
    %get3A_555 = vector.load %arg1[%get3A_552, %get3A_553, %get3A_554] : memref<84x8x2560xf32, #tpu.memory_space<vmem>>, vector<1x8x2560xf32>
    %get3A_556 = vector.shape_cast %get3A_555 : vector<1x8x2560xf32> to vector<8x2560xf32>
    %gt3A_557 = arith.cmpf ogt, %get3A_556, %select_n3A_548 : vector<8x2560xf32>
    %select_n3A_558 = arith.select %gt3A_557, %get3A_556, %select_n3A_548 : vector<8x2560xi1>, vector<8x2560xf32>
    %jit3A_559 = arith.constant 5.600000e+01 : f32
    %broadcast_in_dim3A_560 = vector.broadcast %jit3A_559 : f32 to vector<8x2560xf32>
    %select_n3A_561 = arith.select %gt3A_557, %broadcast_in_dim3A_560, %select_n3A_551 : vector<8x2560xi1>, vector<8x2560xf32>
    %get3A_562 = arith.constant 61 : index
    %get3A_563 = arith.constant 0 : index
    %get3A_564 = arith.constant 0 : index
    %get3A_565 = vector.load %arg1[%get3A_562, %get3A_563, %get3A_564] : memref<84x8x2560xf32, #tpu.memory_space<vmem>>, vector<1x8x2560xf32>
    %get3A_566 = vector.shape_cast %get3A_565 : vector<1x8x2560xf32> to vector<8x2560xf32>
    %gt3A_567 = arith.cmpf ogt, %get3A_566, %select_n3A_558 : vector<8x2560xf32>
    %select_n3A_568 = arith.select %gt3A_567, %get3A_566, %select_n3A_558 : vector<8x2560xi1>, vector<8x2560xf32>
    %jit3A_569 = arith.constant 5.700000e+01 : f32
    %broadcast_in_dim3A_570 = vector.broadcast %jit3A_569 : f32 to vector<8x2560xf32>
    %select_n3A_571 = arith.select %gt3A_567, %broadcast_in_dim3A_570, %select_n3A_561 : vector<8x2560xi1>, vector<8x2560xf32>
    %get3A_572 = arith.constant 62 : index
    %get3A_573 = arith.constant 0 : index
    %get3A_574 = arith.constant 0 : index
    %get3A_575 = vector.load %arg1[%get3A_572, %get3A_573, %get3A_574] : memref<84x8x2560xf32, #tpu.memory_space<vmem>>, vector<1x8x2560xf32>
    %get3A_576 = vector.shape_cast %get3A_575 : vector<1x8x2560xf32> to vector<8x2560xf32>
    %gt3A_577 = arith.cmpf ogt, %get3A_576, %select_n3A_568 : vector<8x2560xf32>
    %select_n3A_578 = arith.select %gt3A_577, %get3A_576, %select_n3A_568 : vector<8x2560xi1>, vector<8x2560xf32>
    %jit3A_579 = arith.constant 5.800000e+01 : f32
    %broadcast_in_dim3A_580 = vector.broadcast %jit3A_579 : f32 to vector<8x2560xf32>
    %select_n3A_581 = arith.select %gt3A_577, %broadcast_in_dim3A_580, %select_n3A_571 : vector<8x2560xi1>, vector<8x2560xf32>
    %get3A_582 = arith.constant 63 : index
    %get3A_583 = arith.constant 0 : index
    %get3A_584 = arith.constant 0 : index
    %get3A_585 = vector.load %arg1[%get3A_582, %get3A_583, %get3A_584] : memref<84x8x2560xf32, #tpu.memory_space<vmem>>, vector<1x8x2560xf32>
    %get3A_586 = vector.shape_cast %get3A_585 : vector<1x8x2560xf32> to vector<8x2560xf32>
    %gt3A_587 = arith.cmpf ogt, %get3A_586, %select_n3A_578 : vector<8x2560xf32>
    %select_n3A_588 = arith.select %gt3A_587, %get3A_586, %select_n3A_578 : vector<8x2560xi1>, vector<8x2560xf32>
    %jit3A_589 = arith.constant 5.900000e+01 : f32
    %broadcast_in_dim3A_590 = vector.broadcast %jit3A_589 : f32 to vector<8x2560xf32>
    %select_n3A_591 = arith.select %gt3A_587, %broadcast_in_dim3A_590, %select_n3A_581 : vector<8x2560xi1>, vector<8x2560xf32>
    %get3A_592 = arith.constant 64 : index
    %get3A_593 = arith.constant 0 : index
    %get3A_594 = arith.constant 0 : index
    %get3A_595 = vector.load %arg1[%get3A_592, %get3A_593, %get3A_594] : memref<84x8x2560xf32, #tpu.memory_space<vmem>>, vector<1x8x2560xf32>
    %get3A_596 = vector.shape_cast %get3A_595 : vector<1x8x2560xf32> to vector<8x2560xf32>
    %gt3A_597 = arith.cmpf ogt, %get3A_596, %select_n3A_588 : vector<8x2560xf32>
    %select_n3A_598 = arith.select %gt3A_597, %get3A_596, %select_n3A_588 : vector<8x2560xi1>, vector<8x2560xf32>
    %jit3A_599 = arith.constant 6.000000e+01 : f32
    %broadcast_in_dim3A_600 = vector.broadcast %jit3A_599 : f32 to vector<8x2560xf32>
    %select_n3A_601 = arith.select %gt3A_597, %broadcast_in_dim3A_600, %select_n3A_591 : vector<8x2560xi1>, vector<8x2560xf32>
    %get3A_602 = arith.constant 65 : index
    %get3A_603 = arith.constant 0 : index
    %get3A_604 = arith.constant 0 : index
    %get3A_605 = vector.load %arg1[%get3A_602, %get3A_603, %get3A_604] : memref<84x8x2560xf32, #tpu.memory_space<vmem>>, vector<1x8x2560xf32>
    %get3A_606 = vector.shape_cast %get3A_605 : vector<1x8x2560xf32> to vector<8x2560xf32>
    %gt3A_607 = arith.cmpf ogt, %get3A_606, %select_n3A_598 : vector<8x2560xf32>
    %select_n3A_608 = arith.select %gt3A_607, %get3A_606, %select_n3A_598 : vector<8x2560xi1>, vector<8x2560xf32>
    %jit3A_609 = arith.constant 6.100000e+01 : f32
    %broadcast_in_dim3A_610 = vector.broadcast %jit3A_609 : f32 to vector<8x2560xf32>
    %select_n3A_611 = arith.select %gt3A_607, %broadcast_in_dim3A_610, %select_n3A_601 : vector<8x2560xi1>, vector<8x2560xf32>
    %get3A_612 = arith.constant 66 : index
    %get3A_613 = arith.constant 0 : index
    %get3A_614 = arith.constant 0 : index
    %get3A_615 = vector.load %arg1[%get3A_612, %get3A_613, %get3A_614] : memref<84x8x2560xf32, #tpu.memory_space<vmem>>, vector<1x8x2560xf32>
    %get3A_616 = vector.shape_cast %get3A_615 : vector<1x8x2560xf32> to vector<8x2560xf32>
    %gt3A_617 = arith.cmpf ogt, %get3A_616, %select_n3A_608 : vector<8x2560xf32>
    %select_n3A_618 = arith.select %gt3A_617, %get3A_616, %select_n3A_608 : vector<8x2560xi1>, vector<8x2560xf32>
    %jit3A_619 = arith.constant 6.200000e+01 : f32
    %broadcast_in_dim3A_620 = vector.broadcast %jit3A_619 : f32 to vector<8x2560xf32>
    %select_n3A_621 = arith.select %gt3A_617, %broadcast_in_dim3A_620, %select_n3A_611 : vector<8x2560xi1>, vector<8x2560xf32>
    %get3A_622 = arith.constant 67 : index
    %get3A_623 = arith.constant 0 : index
    %get3A_624 = arith.constant 0 : index
    %get3A_625 = vector.load %arg1[%get3A_622, %get3A_623, %get3A_624] : memref<84x8x2560xf32, #tpu.memory_space<vmem>>, vector<1x8x2560xf32>
    %get3A_626 = vector.shape_cast %get3A_625 : vector<1x8x2560xf32> to vector<8x2560xf32>
    %gt3A_627 = arith.cmpf ogt, %get3A_626, %select_n3A_618 : vector<8x2560xf32>
    %select_n3A_628 = arith.select %gt3A_627, %get3A_626, %select_n3A_618 : vector<8x2560xi1>, vector<8x2560xf32>
    %jit3A_629 = arith.constant 6.300000e+01 : f32
    %broadcast_in_dim3A_630 = vector.broadcast %jit3A_629 : f32 to vector<8x2560xf32>
    %select_n3A_631 = arith.select %gt3A_627, %broadcast_in_dim3A_630, %select_n3A_621 : vector<8x2560xi1>, vector<8x2560xf32>
    %get3A_632 = arith.constant 68 : index
    %get3A_633 = arith.constant 0 : index
    %get3A_634 = arith.constant 0 : index
    %get3A_635 = vector.load %arg1[%get3A_632, %get3A_633, %get3A_634] : memref<84x8x2560xf32, #tpu.memory_space<vmem>>, vector<1x8x2560xf32>
    %get3A_636 = vector.shape_cast %get3A_635 : vector<1x8x2560xf32> to vector<8x2560xf32>
    %gt3A_637 = arith.cmpf ogt, %get3A_636, %select_n3A_628 : vector<8x2560xf32>
    %select_n3A_638 = arith.select %gt3A_637, %get3A_636, %select_n3A_628 : vector<8x2560xi1>, vector<8x2560xf32>
    %jit3A_639 = arith.constant 6.400000e+01 : f32
    %broadcast_in_dim3A_640 = vector.broadcast %jit3A_639 : f32 to vector<8x2560xf32>
    %select_n3A_641 = arith.select %gt3A_637, %broadcast_in_dim3A_640, %select_n3A_631 : vector<8x2560xi1>, vector<8x2560xf32>
    %get3A_642 = arith.constant 69 : index
    %get3A_643 = arith.constant 0 : index
    %get3A_644 = arith.constant 0 : index
    %get3A_645 = vector.load %arg1[%get3A_642, %get3A_643, %get3A_644] : memref<84x8x2560xf32, #tpu.memory_space<vmem>>, vector<1x8x2560xf32>
    %get3A_646 = vector.shape_cast %get3A_645 : vector<1x8x2560xf32> to vector<8x2560xf32>
    %gt3A_647 = arith.cmpf ogt, %get3A_646, %select_n3A_638 : vector<8x2560xf32>
    %select_n3A_648 = arith.select %gt3A_647, %get3A_646, %select_n3A_638 : vector<8x2560xi1>, vector<8x2560xf32>
    %jit3A_649 = arith.constant 6.500000e+01 : f32
    %broadcast_in_dim3A_650 = vector.broadcast %jit3A_649 : f32 to vector<8x2560xf32>
    %select_n3A_651 = arith.select %gt3A_647, %broadcast_in_dim3A_650, %select_n3A_641 : vector<8x2560xi1>, vector<8x2560xf32>
    %get3A_652 = arith.constant 70 : index
    %get3A_653 = arith.constant 0 : index
    %get3A_654 = arith.constant 0 : index
    %get3A_655 = vector.load %arg1[%get3A_652, %get3A_653, %get3A_654] : memref<84x8x2560xf32, #tpu.memory_space<vmem>>, vector<1x8x2560xf32>
    %get3A_656 = vector.shape_cast %get3A_655 : vector<1x8x2560xf32> to vector<8x2560xf32>
    %gt3A_657 = arith.cmpf ogt, %get3A_656, %select_n3A_648 : vector<8x2560xf32>
    %select_n3A_658 = arith.select %gt3A_657, %get3A_656, %select_n3A_648 : vector<8x2560xi1>, vector<8x2560xf32>
    %jit3A_659 = arith.constant 6.600000e+01 : f32
    %broadcast_in_dim3A_660 = vector.broadcast %jit3A_659 : f32 to vector<8x2560xf32>
    %select_n3A_661 = arith.select %gt3A_657, %broadcast_in_dim3A_660, %select_n3A_651 : vector<8x2560xi1>, vector<8x2560xf32>
    %get3A_662 = arith.constant 71 : index
    %get3A_663 = arith.constant 0 : index
    %get3A_664 = arith.constant 0 : index
    %get3A_665 = vector.load %arg1[%get3A_662, %get3A_663, %get3A_664] : memref<84x8x2560xf32, #tpu.memory_space<vmem>>, vector<1x8x2560xf32>
    %get3A_666 = vector.shape_cast %get3A_665 : vector<1x8x2560xf32> to vector<8x2560xf32>
    %gt3A_667 = arith.cmpf ogt, %get3A_666, %select_n3A_658 : vector<8x2560xf32>
    %select_n3A_668 = arith.select %gt3A_667, %get3A_666, %select_n3A_658 : vector<8x2560xi1>, vector<8x2560xf32>
    %jit3A_669 = arith.constant 6.700000e+01 : f32
    %broadcast_in_dim3A_670 = vector.broadcast %jit3A_669 : f32 to vector<8x2560xf32>
    %select_n3A_671 = arith.select %gt3A_667, %broadcast_in_dim3A_670, %select_n3A_661 : vector<8x2560xi1>, vector<8x2560xf32>
    %get3A_672 = arith.constant 72 : index
    %get3A_673 = arith.constant 0 : index
    %get3A_674 = arith.constant 0 : index
    %get3A_675 = vector.load %arg1[%get3A_672, %get3A_673, %get3A_674] : memref<84x8x2560xf32, #tpu.memory_space<vmem>>, vector<1x8x2560xf32>
    %get3A_676 = vector.shape_cast %get3A_675 : vector<1x8x2560xf32> to vector<8x2560xf32>
    %gt3A_677 = arith.cmpf ogt, %get3A_676, %select_n3A_668 : vector<8x2560xf32>
    %select_n3A_678 = arith.select %gt3A_677, %get3A_676, %select_n3A_668 : vector<8x2560xi1>, vector<8x2560xf32>
    %jit3A_679 = arith.constant 6.800000e+01 : f32
    %broadcast_in_dim3A_680 = vector.broadcast %jit3A_679 : f32 to vector<8x2560xf32>
    %select_n3A_681 = arith.select %gt3A_677, %broadcast_in_dim3A_680, %select_n3A_671 : vector<8x2560xi1>, vector<8x2560xf32>
    %get3A_682 = arith.constant 73 : index
    %get3A_683 = arith.constant 0 : index
    %get3A_684 = arith.constant 0 : index
    %get3A_685 = vector.load %arg1[%get3A_682, %get3A_683, %get3A_684] : memref<84x8x2560xf32, #tpu.memory_space<vmem>>, vector<1x8x2560xf32>
    %get3A_686 = vector.shape_cast %get3A_685 : vector<1x8x2560xf32> to vector<8x2560xf32>
    %gt3A_687 = arith.cmpf ogt, %get3A_686, %select_n3A_678 : vector<8x2560xf32>
    %select_n3A_688 = arith.select %gt3A_687, %get3A_686, %select_n3A_678 : vector<8x2560xi1>, vector<8x2560xf32>
    %jit3A_689 = arith.constant 6.900000e+01 : f32
    %broadcast_in_dim3A_690 = vector.broadcast %jit3A_689 : f32 to vector<8x2560xf32>
    %select_n3A_691 = arith.select %gt3A_687, %broadcast_in_dim3A_690, %select_n3A_681 : vector<8x2560xi1>, vector<8x2560xf32>
    %get3A_692 = arith.constant 74 : index
    %get3A_693 = arith.constant 0 : index
    %get3A_694 = arith.constant 0 : index
    %get3A_695 = vector.load %arg1[%get3A_692, %get3A_693, %get3A_694] : memref<84x8x2560xf32, #tpu.memory_space<vmem>>, vector<1x8x2560xf32>
    %get3A_696 = vector.shape_cast %get3A_695 : vector<1x8x2560xf32> to vector<8x2560xf32>
    %gt3A_697 = arith.cmpf ogt, %get3A_696, %select_n3A_688 : vector<8x2560xf32>
    %select_n3A_698 = arith.select %gt3A_697, %get3A_696, %select_n3A_688 : vector<8x2560xi1>, vector<8x2560xf32>
    %jit3A_699 = arith.constant 7.000000e+01 : f32
    %broadcast_in_dim3A_700 = vector.broadcast %jit3A_699 : f32 to vector<8x2560xf32>
    %select_n3A_701 = arith.select %gt3A_697, %broadcast_in_dim3A_700, %select_n3A_691 : vector<8x2560xi1>, vector<8x2560xf32>
    %get3A_702 = arith.constant 75 : index
    %get3A_703 = arith.constant 0 : index
    %get3A_704 = arith.constant 0 : index
    %get3A_705 = vector.load %arg1[%get3A_702, %get3A_703, %get3A_704] : memref<84x8x2560xf32, #tpu.memory_space<vmem>>, vector<1x8x2560xf32>
    %get3A_706 = vector.shape_cast %get3A_705 : vector<1x8x2560xf32> to vector<8x2560xf32>
    %gt3A_707 = arith.cmpf ogt, %get3A_706, %select_n3A_698 : vector<8x2560xf32>
    %select_n3A_708 = arith.select %gt3A_707, %get3A_706, %select_n3A_698 : vector<8x2560xi1>, vector<8x2560xf32>
    %jit3A_709 = arith.constant 7.100000e+01 : f32
    %broadcast_in_dim3A_710 = vector.broadcast %jit3A_709 : f32 to vector<8x2560xf32>
    %select_n3A_711 = arith.select %gt3A_707, %broadcast_in_dim3A_710, %select_n3A_701 : vector<8x2560xi1>, vector<8x2560xf32>
    %get3A_712 = arith.constant 76 : index
    %get3A_713 = arith.constant 0 : index
    %get3A_714 = arith.constant 0 : index
    %get3A_715 = vector.load %arg1[%get3A_712, %get3A_713, %get3A_714] : memref<84x8x2560xf32, #tpu.memory_space<vmem>>, vector<1x8x2560xf32>
    %get3A_716 = vector.shape_cast %get3A_715 : vector<1x8x2560xf32> to vector<8x2560xf32>
    %gt3A_717 = arith.cmpf ogt, %get3A_716, %select_n3A_708 : vector<8x2560xf32>
    %select_n3A_718 = arith.select %gt3A_717, %get3A_716, %select_n3A_708 : vector<8x2560xi1>, vector<8x2560xf32>
    %jit3A_719 = arith.constant 7.200000e+01 : f32
    %broadcast_in_dim3A_720 = vector.broadcast %jit3A_719 : f32 to vector<8x2560xf32>
    %select_n3A_721 = arith.select %gt3A_717, %broadcast_in_dim3A_720, %select_n3A_711 : vector<8x2560xi1>, vector<8x2560xf32>
    %get3A_722 = arith.constant 77 : index
    %get3A_723 = arith.constant 0 : index
    %get3A_724 = arith.constant 0 : index
    %get3A_725 = vector.load %arg1[%get3A_722, %get3A_723, %get3A_724] : memref<84x8x2560xf32, #tpu.memory_space<vmem>>, vector<1x8x2560xf32>
    %get3A_726 = vector.shape_cast %get3A_725 : vector<1x8x2560xf32> to vector<8x2560xf32>
    %gt3A_727 = arith.cmpf ogt, %get3A_726, %select_n3A_718 : vector<8x2560xf32>
    %select_n3A_728 = arith.select %gt3A_727, %get3A_726, %select_n3A_718 : vector<8x2560xi1>, vector<8x2560xf32>
    %jit3A_729 = arith.constant 7.300000e+01 : f32
    %broadcast_in_dim3A_730 = vector.broadcast %jit3A_729 : f32 to vector<8x2560xf32>
    %select_n3A_731 = arith.select %gt3A_727, %broadcast_in_dim3A_730, %select_n3A_721 : vector<8x2560xi1>, vector<8x2560xf32>
    %get3A_732 = arith.constant 78 : index
    %get3A_733 = arith.constant 0 : index
    %get3A_734 = arith.constant 0 : index
    %get3A_735 = vector.load %arg1[%get3A_732, %get3A_733, %get3A_734] : memref<84x8x2560xf32, #tpu.memory_space<vmem>>, vector<1x8x2560xf32>
    %get3A_736 = vector.shape_cast %get3A_735 : vector<1x8x2560xf32> to vector<8x2560xf32>
    %gt3A_737 = arith.cmpf ogt, %get3A_736, %select_n3A_728 : vector<8x2560xf32>
    %select_n3A_738 = arith.select %gt3A_737, %get3A_736, %select_n3A_728 : vector<8x2560xi1>, vector<8x2560xf32>
    %jit3A_739 = arith.constant 7.400000e+01 : f32
    %broadcast_in_dim3A_740 = vector.broadcast %jit3A_739 : f32 to vector<8x2560xf32>
    %select_n3A_741 = arith.select %gt3A_737, %broadcast_in_dim3A_740, %select_n3A_731 : vector<8x2560xi1>, vector<8x2560xf32>
    %get3A_742 = arith.constant 79 : index
    %get3A_743 = arith.constant 0 : index
    %get3A_744 = arith.constant 0 : index
    %get3A_745 = vector.load %arg1[%get3A_742, %get3A_743, %get3A_744] : memref<84x8x2560xf32, #tpu.memory_space<vmem>>, vector<1x8x2560xf32>
    %get3A_746 = vector.shape_cast %get3A_745 : vector<1x8x2560xf32> to vector<8x2560xf32>
    %gt3A_747 = arith.cmpf ogt, %get3A_746, %select_n3A_738 : vector<8x2560xf32>
    %select_n3A_748 = arith.select %gt3A_747, %get3A_746, %select_n3A_738 : vector<8x2560xi1>, vector<8x2560xf32>
    %jit3A_749 = arith.constant 7.500000e+01 : f32
    %broadcast_in_dim3A_750 = vector.broadcast %jit3A_749 : f32 to vector<8x2560xf32>
    %select_n3A_751 = arith.select %gt3A_747, %broadcast_in_dim3A_750, %select_n3A_741 : vector<8x2560xi1>, vector<8x2560xf32>
    %get3A_752 = arith.constant 80 : index
    %get3A_753 = arith.constant 0 : index
    %get3A_754 = arith.constant 0 : index
    %get3A_755 = vector.load %arg1[%get3A_752, %get3A_753, %get3A_754] : memref<84x8x2560xf32, #tpu.memory_space<vmem>>, vector<1x8x2560xf32>
    %get3A_756 = vector.shape_cast %get3A_755 : vector<1x8x2560xf32> to vector<8x2560xf32>
    %gt3A_757 = arith.cmpf ogt, %get3A_756, %select_n3A_748 : vector<8x2560xf32>
    %select_n3A_758 = arith.select %gt3A_757, %get3A_756, %select_n3A_748 : vector<8x2560xi1>, vector<8x2560xf32>
    %jit3A_759 = arith.constant 7.600000e+01 : f32
    %broadcast_in_dim3A_760 = vector.broadcast %jit3A_759 : f32 to vector<8x2560xf32>
    %select_n3A_761 = arith.select %gt3A_757, %broadcast_in_dim3A_760, %select_n3A_751 : vector<8x2560xi1>, vector<8x2560xf32>
    %get3A_762 = arith.constant 81 : index
    %get3A_763 = arith.constant 0 : index
    %get3A_764 = arith.constant 0 : index
    %get3A_765 = vector.load %arg1[%get3A_762, %get3A_763, %get3A_764] : memref<84x8x2560xf32, #tpu.memory_space<vmem>>, vector<1x8x2560xf32>
    %get3A_766 = vector.shape_cast %get3A_765 : vector<1x8x2560xf32> to vector<8x2560xf32>
    %gt3A_767 = arith.cmpf ogt, %get3A_766, %select_n3A_758 : vector<8x2560xf32>
    %select_n3A_768 = arith.select %gt3A_767, %get3A_766, %select_n3A_758 : vector<8x2560xi1>, vector<8x2560xf32>
    %jit3A_769 = arith.constant 7.700000e+01 : f32
    %broadcast_in_dim3A_770 = vector.broadcast %jit3A_769 : f32 to vector<8x2560xf32>
    %select_n3A_771 = arith.select %gt3A_767, %broadcast_in_dim3A_770, %select_n3A_761 : vector<8x2560xi1>, vector<8x2560xf32>
    %get3A_772 = arith.constant 82 : index
    %get3A_773 = arith.constant 0 : index
    %get3A_774 = arith.constant 0 : index
    %get3A_775 = vector.load %arg1[%get3A_772, %get3A_773, %get3A_774] : memref<84x8x2560xf32, #tpu.memory_space<vmem>>, vector<1x8x2560xf32>
    %get3A_776 = vector.shape_cast %get3A_775 : vector<1x8x2560xf32> to vector<8x2560xf32>
    %gt3A_777 = arith.cmpf ogt, %get3A_776, %select_n3A_768 : vector<8x2560xf32>
    %select_n3A_778 = arith.select %gt3A_777, %get3A_776, %select_n3A_768 : vector<8x2560xi1>, vector<8x2560xf32>
    %jit3A_779 = arith.constant 7.800000e+01 : f32
    %broadcast_in_dim3A_780 = vector.broadcast %jit3A_779 : f32 to vector<8x2560xf32>
    %select_n3A_781 = arith.select %gt3A_777, %broadcast_in_dim3A_780, %select_n3A_771 : vector<8x2560xi1>, vector<8x2560xf32>
    %get3A_782 = arith.constant 83 : index
    %get3A_783 = arith.constant 0 : index
    %get3A_784 = arith.constant 0 : index
    %get3A_785 = vector.load %arg1[%get3A_782, %get3A_783, %get3A_784] : memref<84x8x2560xf32, #tpu.memory_space<vmem>>, vector<1x8x2560xf32>
    %get3A_786 = vector.shape_cast %get3A_785 : vector<1x8x2560xf32> to vector<8x2560xf32>
    %gt3A_787 = arith.cmpf ogt, %get3A_786, %select_n3A_778 : vector<8x2560xf32>
    %select_n3A_788 = arith.select %gt3A_787, %get3A_786, %select_n3A_778 : vector<8x2560xi1>, vector<8x2560xf32>
    %jit3A_789 = arith.constant 7.900000e+01 : f32
    %broadcast_in_dim3A_790 = vector.broadcast %jit3A_789 : f32 to vector<8x2560xf32>
    %select_n3A_791 = arith.select %gt3A_787, %broadcast_in_dim3A_790, %select_n3A_781 : vector<8x2560xi1>, vector<8x2560xf32>
    %neg3A = arith.constant 0.000000e+00 : f32
    %neg3A_792 = vector.broadcast %neg3A : f32 to vector<8x2560xf32>
    %neg3A_793 = arith.subf %neg3A_792, %select_n3A_788 : vector<8x2560xf32>
    %exp3A = math.exp %neg3A_793 : vector<8x2560xf32>
    %add3A = arith.constant 1.000000e+00 : f32
    %add3A_794 = vector.broadcast %add3A : f32 to vector<8x2560xf32>
    %add3A_795 = arith.addf %add3A_794, %exp3A : vector<8x2560xf32>
    %div3A = arith.constant 1.000000e+00 : f32
    %div3A_796 = vector.broadcast %div3A : f32 to vector<8x2560xf32>
    %div3A_797 = arith.divf %div3A_796, %add3A_795 : vector<8x2560xf32>
    %gt3A_798 = arith.constant 5.000000e-02 : f32
    %gt3A_799 = vector.broadcast %gt3A_798 : f32 to vector<8x2560xf32>
    %gt3A_800 = arith.cmpf ogt, %div3A_797, %gt3A_799 : vector<8x2560xf32>
    %jit3A_801 = arith.constant -1.000000e+09 : f32
    %broadcast_in_dim3A_802 = vector.broadcast %jit3A_801 : f32 to vector<8x2560xf32>
    %select_n3A_803 = arith.select %gt3A_800, %div3A_797, %broadcast_in_dim3A_802 : vector<8x2560xi1>, vector<8x2560xf32>
    %get3A_804 = arith.constant 0 : index
    %get3A_805 = arith.constant 0 : index
    %get3A_806 = arith.constant 0 : index
    %get3A_807 = vector.load %arg2[%get3A_804, %get3A_805, %get3A_806] : memref<4x1x2560xf32, #tpu.memory_space<vmem>>, vector<1x1x2560xf32>
    %get3A_808 = vector.shape_cast %get3A_807 : vector<1x1x2560xf32> to vector<1x2560xf32>
    %broadcast_in_dim3A_809 = vector.shape_cast %get3A_808 : vector<1x2560xf32> to vector<1x2560xf32>
    %broadcast_in_dim3A_810 = vector.broadcast %broadcast_in_dim3A_809 : vector<1x2560xf32> to vector<8x2560xf32>
    %get3A_811 = arith.constant 1 : index
    %get3A_812 = arith.constant 0 : index
    %get3A_813 = arith.constant 0 : index
    %get3A_814 = vector.load %arg2[%get3A_811, %get3A_812, %get3A_813] : memref<4x1x2560xf32, #tpu.memory_space<vmem>>, vector<1x1x2560xf32>
    %get3A_815 = vector.shape_cast %get3A_814 : vector<1x1x2560xf32> to vector<1x2560xf32>
    %broadcast_in_dim3A_816 = vector.shape_cast %get3A_815 : vector<1x2560xf32> to vector<1x2560xf32>
    %broadcast_in_dim3A_817 = vector.broadcast %broadcast_in_dim3A_816 : vector<1x2560xf32> to vector<8x2560xf32>
    %get3A_818 = arith.constant 2 : index
    %get3A_819 = arith.constant 0 : index
    %get3A_820 = arith.constant 0 : index
    %get3A_821 = vector.load %arg2[%get3A_818, %get3A_819, %get3A_820] : memref<4x1x2560xf32, #tpu.memory_space<vmem>>, vector<1x1x2560xf32>
    %get3A_822 = vector.shape_cast %get3A_821 : vector<1x1x2560xf32> to vector<1x2560xf32>
    %broadcast_in_dim3A_823 = vector.shape_cast %get3A_822 : vector<1x2560xf32> to vector<1x2560xf32>
    %broadcast_in_dim3A_824 = vector.broadcast %broadcast_in_dim3A_823 : vector<1x2560xf32> to vector<8x2560xf32>
    %get3A_825 = arith.constant 3 : index
    %get3A_826 = arith.constant 0 : index
    %get3A_827 = arith.constant 0 : index
    %get3A_828 = vector.load %arg2[%get3A_825, %get3A_826, %get3A_827] : memref<4x1x2560xf32, #tpu.memory_space<vmem>>, vector<1x1x2560xf32>
    %get3A_829 = vector.shape_cast %get3A_828 : vector<1x1x2560xf32> to vector<1x2560xf32>
    %broadcast_in_dim3A_830 = vector.shape_cast %get3A_829 : vector<1x2560xf32> to vector<1x2560xf32>
    %broadcast_in_dim3A_831 = vector.broadcast %broadcast_in_dim3A_830 : vector<1x2560xf32> to vector<8x2560xf32>
    %get3A_832 = arith.constant 0 : index
    %get3A_833 = arith.constant 0 : index
    %get3A_834 = arith.constant 0 : index
    %get3A_835 = vector.load %arg1[%get3A_832, %get3A_833, %get3A_834] : memref<84x8x2560xf32, #tpu.memory_space<vmem>>, vector<1x8x2560xf32>
    %get3A_836 = vector.shape_cast %get3A_835 : vector<1x8x2560xf32> to vector<8x2560xf32>
    %mul3A = arith.constant 1.000000e-01 : f32
    %mul3A_837 = vector.broadcast %mul3A : f32 to vector<8x2560xf32>
    %mul3A_838 = arith.mulf %get3A_836, %mul3A_837 : vector<8x2560xf32>
    %mul3A_839 = arith.mulf %mul3A_838, %broadcast_in_dim3A_824 : vector<8x2560xf32>
    %add3A_840 = arith.addf %mul3A_839, %broadcast_in_dim3A_810 : vector<8x2560xf32>
    %get3A_841 = arith.constant 1 : index
    %get3A_842 = arith.constant 0 : index
    %get3A_843 = arith.constant 0 : index
    %get3A_844 = vector.load %arg1[%get3A_841, %get3A_842, %get3A_843] : memref<84x8x2560xf32, #tpu.memory_space<vmem>>, vector<1x8x2560xf32>
    %get3A_845 = vector.shape_cast %get3A_844 : vector<1x8x2560xf32> to vector<8x2560xf32>
    %mul3A_846 = arith.constant 1.000000e-01 : f32
    %mul3A_847 = vector.broadcast %mul3A_846 : f32 to vector<8x2560xf32>
    %mul3A_848 = arith.mulf %get3A_845, %mul3A_847 : vector<8x2560xf32>
    %mul3A_849 = arith.mulf %mul3A_848, %broadcast_in_dim3A_831 : vector<8x2560xf32>
    %add3A_850 = arith.addf %mul3A_849, %broadcast_in_dim3A_817 : vector<8x2560xf32>
    %get3A_851 = arith.constant 2 : index
    %get3A_852 = arith.constant 0 : index
    %get3A_853 = arith.constant 0 : index
    %get3A_854 = vector.load %arg1[%get3A_851, %get3A_852, %get3A_853] : memref<84x8x2560xf32, #tpu.memory_space<vmem>>, vector<1x8x2560xf32>
    %get3A_855 = vector.shape_cast %get3A_854 : vector<1x8x2560xf32> to vector<8x2560xf32>
    %mul3A_856 = arith.constant 2.000000e-01 : f32
    %mul3A_857 = vector.broadcast %mul3A_856 : f32 to vector<8x2560xf32>
    %mul3A_858 = arith.mulf %get3A_855, %mul3A_857 : vector<8x2560xf32>
    %exp3A_859 = math.exp %mul3A_858 : vector<8x2560xf32>
    %mul3A_860 = arith.mulf %exp3A_859, %broadcast_in_dim3A_824 : vector<8x2560xf32>
    %get3A_861 = arith.constant 3 : index
    %get3A_862 = arith.constant 0 : index
    %get3A_863 = arith.constant 0 : index
    %get3A_864 = vector.load %arg1[%get3A_861, %get3A_862, %get3A_863] : memref<84x8x2560xf32, #tpu.memory_space<vmem>>, vector<1x8x2560xf32>
    %get3A_865 = vector.shape_cast %get3A_864 : vector<1x8x2560xf32> to vector<8x2560xf32>
    %mul3A_866 = arith.constant 2.000000e-01 : f32
    %mul3A_867 = vector.broadcast %mul3A_866 : f32 to vector<8x2560xf32>
    %mul3A_868 = arith.mulf %get3A_865, %mul3A_867 : vector<8x2560xf32>
    %exp3A_869 = math.exp %mul3A_868 : vector<8x2560xf32>
    %mul3A_870 = arith.mulf %exp3A_869, %broadcast_in_dim3A_831 : vector<8x2560xf32>
    %mul3A_871 = arith.constant 2.048000e+03 : f32
    %mul3A_872 = vector.broadcast %mul3A_871 : f32 to vector<8x2560xf32>
    %mul3A_873 = arith.mulf %select_n3A_791, %mul3A_872 : vector<8x2560xf32>
    %mul3A_874 = arith.constant 5.000000e-01 : f32
    %mul3A_875 = vector.broadcast %mul3A_874 : f32 to vector<8x2560xf32>
    %mul3A_876 = arith.mulf %mul3A_860, %mul3A_875 : vector<8x2560xf32>
    %sub3A = arith.subf %add3A_840, %mul3A_876 : vector<8x2560xf32>
    %add3A_877 = arith.addf %sub3A, %mul3A_873 : vector<8x2560xf32>
    %mul3A_878 = arith.constant 5.000000e-01 : f32
    %mul3A_879 = vector.broadcast %mul3A_878 : f32 to vector<8x2560xf32>
    %mul3A_880 = arith.mulf %mul3A_870, %mul3A_879 : vector<8x2560xf32>
    %sub3A_881 = arith.subf %add3A_850, %mul3A_880 : vector<8x2560xf32>
    %add3A_882 = arith.addf %sub3A_881, %mul3A_873 : vector<8x2560xf32>
    %mul3A_883 = arith.constant 5.000000e-01 : f32
    %mul3A_884 = vector.broadcast %mul3A_883 : f32 to vector<8x2560xf32>
    %mul3A_885 = arith.mulf %mul3A_860, %mul3A_884 : vector<8x2560xf32>
    %add3A_886 = arith.addf %add3A_840, %mul3A_885 : vector<8x2560xf32>
    %add3A_887 = arith.addf %add3A_886, %mul3A_873 : vector<8x2560xf32>
    %mul3A_888 = arith.constant 5.000000e-01 : f32
    %mul3A_889 = vector.broadcast %mul3A_888 : f32 to vector<8x2560xf32>
    %mul3A_890 = arith.mulf %mul3A_870, %mul3A_889 : vector<8x2560xf32>
    %add3A_891 = arith.addf %add3A_850, %mul3A_890 : vector<8x2560xf32>
    %add3A_892 = arith.addf %add3A_891, %mul3A_873 : vector<8x2560xf32>
    %sub3A_893 = arith.subf %add3A_887, %add3A_877 : vector<8x2560xf32>
    %max3A = arith.constant 0.000000e+00 : f32
    %max3A_894 = vector.broadcast %max3A : f32 to vector<8x2560xf32>
    %max3A_895 = arith.maximumf %sub3A_893, %max3A_894 : vector<8x2560xf32>
    %sub3A_896 = arith.subf %add3A_892, %add3A_882 : vector<8x2560xf32>
    %max3A_897 = arith.constant 0.000000e+00 : f32
    %max3A_898 = vector.broadcast %max3A_897 : f32 to vector<8x2560xf32>
    %max3A_899 = arith.maximumf %sub3A_896, %max3A_898 : vector<8x2560xf32>
    %mul3A_900 = arith.mulf %max3A_895, %max3A_899 : vector<8x2560xf32>
    %swap3A = arith.constant 0 : index
    %swap3A_901 = arith.constant 0 : index
    %swap3A_902 = arith.constant 0 : index
    %swap3A_903 = vector.load %arg3[%swap3A, %swap3A_901, %swap3A_902] : memref<6x8x2560xf32, #tpu.memory_space<vmem>>, vector<1x8x2560xf32>
    %swap3A_904 = vector.shape_cast %swap3A_903 : vector<1x8x2560xf32> to vector<8x2560xf32>
    %swap3A_905 = vector.shape_cast %select_n3A_803 : vector<8x2560xf32> to vector<1x8x2560xf32>
    tpu.vector_store %arg3[%swap3A, %swap3A_901, %swap3A_902], %swap3A_905 {strides = array<i32>} : memref<6x8x2560xf32, #tpu.memory_space<vmem>>, vector<1x8x2560xf32>,
    %swap3A_906 = arith.constant 1 : index
    %swap3A_907 = arith.constant 0 : index
    %swap3A_908 = arith.constant 0 : index
    %swap3A_909 = vector.load %arg3[%swap3A_906, %swap3A_907, %swap3A_908] : memref<6x8x2560xf32, #tpu.memory_space<vmem>>, vector<1x8x2560xf32>
    %swap3A_910 = vector.shape_cast %swap3A_909 : vector<1x8x2560xf32> to vector<8x2560xf32>
    %swap3A_911 = vector.shape_cast %add3A_877 : vector<8x2560xf32> to vector<1x8x2560xf32>
    tpu.vector_store %arg3[%swap3A_906, %swap3A_907, %swap3A_908], %swap3A_911 {strides = array<i32>} : memref<6x8x2560xf32, #tpu.memory_space<vmem>>, vector<1x8x2560xf32>,
    %swap3A_912 = arith.constant 2 : index
    %swap3A_913 = arith.constant 0 : index
    %swap3A_914 = arith.constant 0 : index
    %swap3A_915 = vector.load %arg3[%swap3A_912, %swap3A_913, %swap3A_914] : memref<6x8x2560xf32, #tpu.memory_space<vmem>>, vector<1x8x2560xf32>
    %swap3A_916 = vector.shape_cast %swap3A_915 : vector<1x8x2560xf32> to vector<8x2560xf32>
    %swap3A_917 = vector.shape_cast %add3A_882 : vector<8x2560xf32> to vector<1x8x2560xf32>
    tpu.vector_store %arg3[%swap3A_912, %swap3A_913, %swap3A_914], %swap3A_917 {strides = array<i32>} : memref<6x8x2560xf32, #tpu.memory_space<vmem>>, vector<1x8x2560xf32>,
    %swap3A_918 = arith.constant 3 : index
    %swap3A_919 = arith.constant 0 : index
    %swap3A_920 = arith.constant 0 : index
    %swap3A_921 = vector.load %arg3[%swap3A_918, %swap3A_919, %swap3A_920] : memref<6x8x2560xf32, #tpu.memory_space<vmem>>, vector<1x8x2560xf32>
    %swap3A_922 = vector.shape_cast %swap3A_921 : vector<1x8x2560xf32> to vector<8x2560xf32>
    %swap3A_923 = vector.shape_cast %add3A_887 : vector<8x2560xf32> to vector<1x8x2560xf32>
    tpu.vector_store %arg3[%swap3A_918, %swap3A_919, %swap3A_920], %swap3A_923 {strides = array<i32>} : memref<6x8x2560xf32, #tpu.memory_space<vmem>>, vector<1x8x2560xf32>,
    %swap3A_924 = arith.constant 4 : index
    %swap3A_925 = arith.constant 0 : index
    %swap3A_926 = arith.constant 0 : index
    %swap3A_927 = vector.load %arg3[%swap3A_924, %swap3A_925, %swap3A_926] : memref<6x8x2560xf32, #tpu.memory_space<vmem>>, vector<1x8x2560xf32>
    %swap3A_928 = vector.shape_cast %swap3A_927 : vector<1x8x2560xf32> to vector<8x2560xf32>
    %swap3A_929 = vector.shape_cast %add3A_892 : vector<8x2560xf32> to vector<1x8x2560xf32>
    tpu.vector_store %arg3[%swap3A_924, %swap3A_925, %swap3A_926], %swap3A_929 {strides = array<i32>} : memref<6x8x2560xf32, #tpu.memory_space<vmem>>, vector<1x8x2560xf32>,
    %swap3A_930 = arith.constant 5 : index
    %swap3A_931 = arith.constant 0 : index
    %swap3A_932 = arith.constant 0 : index
    %swap3A_933 = vector.load %arg3[%swap3A_930, %swap3A_931, %swap3A_932] : memref<6x8x2560xf32, #tpu.memory_space<vmem>>, vector<1x8x2560xf32>
    %swap3A_934 = vector.shape_cast %swap3A_933 : vector<1x8x2560xf32> to vector<8x2560xf32>
    %swap3A_935 = vector.shape_cast %mul3A_900 : vector<8x2560xf32> to vector<1x8x2560xf32>
    tpu.vector_store %arg3[%swap3A_930, %swap3A_931, %swap3A_932], %swap3A_935 {strides = array<i32>} : memref<6x8x2560xf32, #tpu.memory_space<vmem>>, vector<1x8x2560xf32>,
    %swap3A_936 = arith.constant 0 : index
    %swap3A_937 = arith.constant 0 : index
    %swap3A_938 = arith.constant 0 : index
    %swap3A_939 = vector.load %arg4[%swap3A_936, %swap3A_937, %swap3A_938] : memref<5x8x2560xf32, #tpu.memory_space<vmem>>, vector<1x8x2560xf32>
    %swap3A_940 = vector.shape_cast %swap3A_939 : vector<1x8x2560xf32> to vector<8x2560xf32>
    %swap3A_941 = vector.shape_cast %add3A_840 : vector<8x2560xf32> to vector<1x8x2560xf32>
    tpu.vector_store %arg4[%swap3A_936, %swap3A_937, %swap3A_938], %swap3A_941 {strides = array<i32>} : memref<5x8x2560xf32, #tpu.memory_space<vmem>>, vector<1x8x2560xf32>,
    %swap3A_942 = arith.constant 1 : index
    %swap3A_943 = arith.constant 0 : index
    %swap3A_944 = arith.constant 0 : index
    %swap3A_945 = vector.load %arg4[%swap3A_942, %swap3A_943, %swap3A_944] : memref<5x8x2560xf32, #tpu.memory_space<vmem>>, vector<1x8x2560xf32>
    %swap3A_946 = vector.shape_cast %swap3A_945 : vector<1x8x2560xf32> to vector<8x2560xf32>
    %swap3A_947 = vector.shape_cast %add3A_850 : vector<8x2560xf32> to vector<1x8x2560xf32>
    tpu.vector_store %arg4[%swap3A_942, %swap3A_943, %swap3A_944], %swap3A_947 {strides = array<i32>} : memref<5x8x2560xf32, #tpu.memory_space<vmem>>, vector<1x8x2560xf32>,
    %swap3A_948 = arith.constant 2 : index
    %swap3A_949 = arith.constant 0 : index
    %swap3A_950 = arith.constant 0 : index
    %swap3A_951 = vector.load %arg4[%swap3A_948, %swap3A_949, %swap3A_950] : memref<5x8x2560xf32, #tpu.memory_space<vmem>>, vector<1x8x2560xf32>
    %swap3A_952 = vector.shape_cast %swap3A_951 : vector<1x8x2560xf32> to vector<8x2560xf32>
    %swap3A_953 = vector.shape_cast %mul3A_860 : vector<8x2560xf32> to vector<1x8x2560xf32>
    tpu.vector_store %arg4[%swap3A_948, %swap3A_949, %swap3A_950], %swap3A_953 {strides = array<i32>} : memref<5x8x2560xf32, #tpu.memory_space<vmem>>, vector<1x8x2560xf32>,
    %swap3A_954 = arith.constant 3 : index
    %swap3A_955 = arith.constant 0 : index
    %swap3A_956 = arith.constant 0 : index
    %swap3A_957 = vector.load %arg4[%swap3A_954, %swap3A_955, %swap3A_956] : memref<5x8x2560xf32, #tpu.memory_space<vmem>>, vector<1x8x2560xf32>
    %swap3A_958 = vector.shape_cast %swap3A_957 : vector<1x8x2560xf32> to vector<8x2560xf32>
    %swap3A_959 = vector.shape_cast %mul3A_870 : vector<8x2560xf32> to vector<1x8x2560xf32>
    tpu.vector_store %arg4[%swap3A_954, %swap3A_955, %swap3A_956], %swap3A_959 {strides = array<i32>} : memref<5x8x2560xf32, #tpu.memory_space<vmem>>, vector<1x8x2560xf32>,
    %swap3A_960 = arith.constant 4 : index
    %swap3A_961 = arith.constant 0 : index
    %swap3A_962 = arith.constant 0 : index
    %swap3A_963 = vector.load %arg4[%swap3A_960, %swap3A_961, %swap3A_962] : memref<5x8x2560xf32, #tpu.memory_space<vmem>>, vector<1x8x2560xf32>
    %swap3A_964 = vector.shape_cast %swap3A_963 : vector<1x8x2560xf32> to vector<8x2560xf32>
    %swap3A_965 = vector.shape_cast %select_n3A_791 : vector<8x2560xf32> to vector<1x8x2560xf32>
    tpu.vector_store %arg4[%swap3A_960, %swap3A_961, %swap3A_962], %swap3A_965 {strides = array<i32>} : memref<5x8x2560xf32, #tpu.memory_space<vmem>>, vector<1x8x2560xf32>,
    return
  }
  func.func @transform_0(%arg0: i32) -> (i32, i32, i32) {
    %c0_i32 = arith.constant 0 : i32
    %c0_i32_0 = arith.constant 0 : i32
    %c0_i32_1 = arith.constant 0 : i32
    return %c0_i32, %c0_i32_0, %arg0 : i32, i32, i32
  }
  func.func @transform_1(%arg0: i32) -> (i32, i32, i32) {
    %c0_i32 = arith.constant 0 : i32
    %c0_i32_0 = arith.constant 0 : i32
    %c0_i32_1 = arith.constant 0 : i32
    return %c0_i32, %c0_i32_0, %arg0 : i32, i32, i32
  }
  func.func @transform_2(%arg0: i32) -> (i32, i32, i32) {
    %c0_i32 = arith.constant 0 : i32
    %c0_i32_0 = arith.constant 0 : i32
    %c0_i32_1 = arith.constant 0 : i32
    return %c0_i32, %c0_i32_0, %arg0 : i32, i32, i32
  }
  func.func @transform_3(%arg0: i32) -> (i32, i32, i32) {
    %c0_i32 = arith.constant 0 : i32
    %c0_i32_0 = arith.constant 0 : i32
    %c0_i32_1 = arith.constant 0 : i32
    return %c0_i32, %c0_i32_0, %arg0 : i32, i32, i32
  }
}

</mosaic_0001>

<sc_bundles>
// kernel: kernel.4.cloned.1.call-start
scs
__scs_entry_jumppad:
0x0: {  	(pc) =	sbr.rel $0x88, $3  }
0x1: {  	(tag) =	ssettag $0x0;
	lr =	simm.s32 $0x1  }
0x2: {  	[smem:$0x3F9F] =	sst lr;
	_ =	strace $0xD0000000  }
0x3: {  	_ = 	snop  }
0x4: {  	_ = 	snop  }
0x5: {  	_ = 	snop  }
0x6: {  	_ = 	snop  }
0x7: {  	_ = 	snop  }
__scs_overlays_trampoline_lowered:
0x8: {  	[smem:$0x3FAE] =	sst s0  }
0x9: {  	[smem:$0x3FAF] =	sst s1  }
0xa: {  	[smem:$0x3FB0] =	sst s2  }
0xb: {  	[smem:$0x3FB1] =	sst s3  }
0xc: {  	[smem:$0x3FB2] =	sst s4  }
0xd: {  	[smem:$0x3FB3] =	sst s5  }
0xe: {  	[smem:$0x3FB4] =	sst s6  }
0xf: {  	[smem:$0x3FB5] =	sst s7  }
0x10: {  	[smem:$0x3FB6] =	sst s8  }
0x11: {  	[smem:$0x3FB7] =	sst s9;
	s0 =	simm.s32 @!p0 $0x0  }
0x12: {  	s1 =	sld [smem:$0x3F9D];
	s0 =	simm.s32 @p0 $0x1  }
0x13: {  	[smem:$0x3FB8] =	sst s0;
	s0 =	simm.s32 @!p1 $0x0  }
0x14: {  	s2 =	sld [smem:$0x3F9C];
	s0 =	simm.s32 @p1 $0x1  }
0x15: {  	[smem:$0x3FB9] =	sst s0;
	s0 =	simm.s32 @!p2 $0x0  }
0x16: {  	s3 =	sld [smem:$0x3FDB];
	s0 =	simm.s32 @p2 $0x1  }
0x17: {  	s4 =	simm.s32 $0x1BF5;
	[smem:$0x3FBB] =	sst s0  }
0x18: {  	s0 =	sld [smem:$0x3F9E];
	_ =	swait.ge [sflag:s4], $0x0  }
0x19: {  	s7 =	sld [smem:$0x3F9F]  }
0x1a: {  	s8 =	sadd.s32 $0xFFFFE003, lr  }
0x1b: {  	s9 =	sadd.s32 $0xFFFFFEF7, lr;
	s5 =	simm.s32 $0xFFFFFFFF;
	p2 =	slt.u32 s8, $0xFFFFF086  }
0x1c: {  	p1 =	slt.u32 s9, $0xF7A;
	s5 =	simm.s32 @!p2 $0x0  }
0x1d: {  	s5 =	simm.s32 @p1 $0x1;
	p0 =	seq.s32 s7, s2  }
0x1e: {  	s7 =	smul.u32 @!p0 $0xF7A, s2;
	p2 =	seq.s32 @!p0 s5, $0x0  }
0x1f: {  	s9 =	smul.u32 $0xF7A, s1;
	s8 =	simm.s32 @!p0 $0x1BF5;
	p2 =	por !p2, p0  }
0x20: {  	[sflag:s8] =	ssyncset.s32 @!p0 $0xFFFFF086;
	s6 =	sadd.s32 @!p0 s3, s7;
	s7 =	simm.s32 @!p0 $0x108  }
0x21: {  	s3 =	sadd.s32 s3, s9;
	s6 =	sadd.s32 @!p0 $0x88, s6;
	s7 =	simm.s32 @p2 $0x1082  }
0x22: {  	[simem:s7], [sflag:s8] =	dma.local @!p0 [hbm:s6], $0xF7A  }
0x23: {  	s9 =	sor.u32 $0xD0000000, s2;
	s6 =	simm.s32 $0x108;
	_ =	swait.ge @!p0 [sflag:s8], $0x0  }
0x24: {  	s3 =	sadd.s32 $0x88, s3;
	s6 =	simm.s32 @!p1 $0x1082;
	[sflag:s4] =	ssyncset.s32 $0xFFFFF086  }
0x25: {  	[simem:s6], [sflag:s4] =	dma.local [hbm:s3], $0xF7A  }
0x26: {  	[smem:$0x3F9F] =	sst s1;
	(tag) =	ssettag s2;
	_ =	strace s9  }
0x27: {  	s1 =	sld [smem:$0x3FAF]  }
0x28: {  	s2 =	sld [smem:$0x3FB0]  }
0x29: {  	s4 =	sld [smem:$0x3FB2]  }
0x2a: {  	p0 =	seq.s32 s5, $0x0;
	s5 =	sld [smem:$0x3FB3]  }
0x2b: {  	s6 =	sld [smem:$0x3FB4]  }
0x2c: {  	s7 =	sld [smem:$0x3FB5]  }
0x2d: {  	s3 =	simm.s32 $0x108;
	s8 =	sld [smem:$0x3FB6]  }
0x2e: {  	s3 =	simm.s32 @!p0 $0x1082;
	s9 =	sld [smem:$0x3FB7]  }
0x2f: {  	lr =	sadd.s32 s0, s3;
	s0 =	sld [smem:$0x3FAE]  }
0x30: {  	s3 =	sld [smem:$0x3FB1]  }
0x31: {  	[smem:$0x3FBA] =	sst s10  }
0x32: {  	s10 =	sld [smem:$0x3FB8];
	_ =	sdelay $0x3  }
0x33: {  	p0 =	seq.s32 s10, $0x1;
	s10 =	sld [smem:$0x3FBA];
	_ =	sdelay $0x3  }
0x34: {  	[smem:$0x3FBA] =	sst s10  }
0x35: {  	s10 =	sld [smem:$0x3FB9];
	_ =	sdelay $0x3  }
0x36: {  	p1 =	seq.s32 s10, $0x1;
	s10 =	sld [smem:$0x3FBA];
	_ =	sdelay $0x3  }
0x37: {  	[smem:$0x3FBA] =	sst s10  }
0x38: {  	s10 =	sld [smem:$0x3FBB]  }
0x39: {  	_ = 	snop;
	(pc) =	sbr.ind lr, $3  }
0x3a: {  	_ = 	snop  }
0x3b: {  	_ = 	snop  }
0x3c: {  	p2 =	seq.s32 s10, $0x1;
	s10 =	sld [smem:$0x3FBA]  }
0x3d: {  	_ =	shalt  }
0x3e: {  	_ =	shalt  }
0x3f: {  	_ =	shalt  }
0x40: {  	_ =	shalt  }
0x41: {  	_ =	shalt  }
0x42: {  	_ =	shalt  }
0x43: {  	_ =	shalt  }
0x44: {  	_ =	shalt  }
0x45: {  	_ =	shalt  }
0x46: {  	_ =	shalt  }
0x47: {  	_ =	shalt  }
0x48: {  	_ =	shalt  }
0x49: {  	_ =	shalt  }
0x4a: {  	_ =	shalt  }
0x4b: {  	_ =	shalt  }
0x4c: {  	_ =	shalt  }
0x4d: {  	_ =	shalt  }
0x4e: {  	_ =	shalt  }
0x4f: {  	_ =	shalt  }
0x50: {  	_ =	shalt  }
0x51: {  	_ =	shalt  }
0x52: {  	_ =	shalt  }
0x53: {  	_ =	shalt  }
0x54: {  	_ =	shalt  }
0x55: {  	_ =	shalt  }
0x56: {  	_ =	shalt  }
0x57: {  	_ =	shalt  }
0x58: {  	_ =	shalt  }
0x59: {  	_ =	shalt  }
0x5a: {  	_ =	shalt  }
0x5b: {  	_ =	shalt  }
0x5c: {  	_ =	shalt  }
0x5d: {  	_ =	shalt  }
0x5e: {  	_ =	shalt  }
0x5f: {  	_ =	shalt  }
0x60: {  	_ =	shalt  }
0x61: {  	_ =	shalt  }
0x62: {  	_ =	shalt  }
0x63: {  	_ =	shalt  }
0x64: {  	_ =	shalt  }
0x65: {  	_ =	shalt  }
0x66: {  	_ =	shalt  }
0x67: {  	_ =	shalt  }
0x68: {  	_ =	shalt  }
0x69: {  	_ =	shalt  }
0x6a: {  	_ =	shalt  }
0x6b: {  	_ =	shalt  }
0x6c: {  	_ =	shalt  }
0x6d: {  	_ =	shalt  }
0x6e: {  	_ =	shalt  }
0x6f: {  	_ =	shalt  }
0x70: {  	_ =	shalt  }
0x71: {  	_ =	shalt  }
0x72: {  	_ =	shalt  }
0x73: {  	_ =	shalt  }
0x74: {  	_ =	shalt  }
0x75: {  	_ =	shalt  }
0x76: {  	_ =	shalt  }
0x77: {  	_ =	shalt  }
0x78: {  	_ =	shalt  }
0x79: {  	_ =	shalt  }
0x7a: {  	_ =	shalt  }
0x7b: {  	_ =	shalt  }
0x7c: {  	_ =	shalt  }
0x7d: {  	_ =	shalt  }
0x7e: {  	_ =	shalt  }
0x7f: {  	_ =	shalt  }
0x80: {  	_ =	shalt  }
0x81: {  	_ =	shalt  }
0x82: {  	_ =	shalt  }
0x83: {  	_ =	shalt  }
0x84: {  	_ =	shalt  }
0x85: {  	_ =	shalt  }
0x86: {  	_ =	shalt  }
0x87: {  	_ =	shalt  }
.Lfunc_end0:
.L_simem_size_0:
called_computation_lowered:
.L_overlay_start_0:
0x88: {  	s2 =	sld [smem:$0x3FD9]  }
0x89: {  	s3 =	sld [smem:$0x3FFE];
	_ =	sdelay $0x1  }
0x8a: {  	s1 =	srdreg.scid  }
0x8b: {  	s0 =	sand.u32 $0x1, s1  }
0x8c: {  	s17 =	sshll.u32 s0, $0xA;
	s2 =	sadd.s32 s3, s2  }
0x8d: {  	s2 =	sadd.s32 s2, s17  }
0x8e: {  	[smem:$0x3FC6] =	sst s2  }
0x8f: {  	_ = 	snop  }
0x90: {  	s2 =	sld [smem:$0x3FD0];
	(tm) =	ssettm $0x1  }
0x91: {  	s18 =	sld [smem:$0x3FFB];
	_ =	sdelay $0x3  }
0x92: {  	_ =	strace s18  }
0x93: {  	s3 =	sld [smem:$0x3FFC];
	_ =	sdelay $0x3  }
0x94: {  	_ =	strace s3  }
0x95: {  	s3 =	sld [smem:$0x3FFD];
	_ =	sdelay $0x3  }
0x96: {  	_ =	strace s3  }
0x97: {  	_ =	strace $0x8FFFFFFF  }
0x98: {  	s19 =	sld [smem:$0x3FDB];
	_ =	sdelay $0x1  }
0x99: {  	s4 =	simm.s32 $_scs_section_size  }
0x9a: {  	s5 =	simm.s32 $_size__tile_overlayer_lowered;
	s6 =	simm.s32 $_tile_overlayer_lowered  }
0x9b: {  	s22 =	simm.s32 $0x1BFF;
	s21 =	sshll.u32 s6, $0x1;
	s3 =	sadd.s32 s4, s19  }
0x9c: {  	s7 =	simm.s32 $0x0;
	s20 =	sshll.u32 s5, $0x1;
	s5 =	sadd.s32 s21, s3  }
0x9d: {  	[timem:s7], [sflag:s22] =	dma.local [hbm:s5], s20  }
0x9e: {  	_ =	swait.ge [sflag:s22], s20  }
0x9f: {  	s4 =	ssub.s32 $0x0, s20;
	[sflag:s22] =	ssyncset.done $0x0  }
0xa0: {  	[sflag:s22] =	ssyncadd.s32 s4;
	_ =	sdelay $0x1  }
0xa1: {  	s23 =	simm.s32 $0x1B8B  }
0xa2: {  	_ =	swait.ge [sflag:s23], $0x1  }
0xa3: {  	[sflag:s23] =	ssyncset.done $0x0  }
0xa4: {  	s25 =	simm.s32 $0x1B8E;
	s24 =	sld [smem:$0x3FFE];
	[sflag:s23] =	ssyncadd.s32 $0xFFFFFFFF  }
0xa5: {  	s26 =	simm.s32 $execute0_lowered;
	[smem:$0x3FD2] =	sst s25  }
0xa6: {  	s5 =	sshll.u32 s26, $0x1;
	_ =	strace $0x80000046;
	[dreg:$0x1] =	wrdreg $0xFFFFFFFF  }
0xa7: {  	s28 =	simm.s32 $_size_execute0_lowered;
	s3 =	sadd.s32 s3, s5;
	[dreg:$0x0] =	wrdreg $0x0  }
0xa8: {  	s5 =	sshll.u32 s28, $0x1;
	[dreg:$0x2] =	wrdreg s3  }
0xa9: {  	[dreg:$0x3] =	wrdreg s5  }
0xaa: {  	[dreg:$0x4] =	wrdreg $0xC0  }
0xab: {  	_ =	task [dreg:s7], $0x5FFFF  }
0xac: {  	[dreg:$0x1] =	wrdreg $0xFFFFFFFF  }
0xad: {  	[dreg:$0x0] =	wrdreg $0x60  }
0xae: {  	[dreg:$0x2] =	wrdreg s24  }
0xaf: {  	[dreg:$0x3] =	wrdreg s2  }
0xb0: {  	[dreg:$0x4] =	wrdreg $0x7B800  }
0xb1: {  	[dreg:$0x5] =	wrdreg $0x9  }
0xb2: {  	_ =	task.clear_ibuf [dreg:s7], $0x6FFFF;
	_ =	strace $0x90000046  }
0xb3: {  	s29 =	simm.s32 $0x9;
	_ =	strace $0x80000048  }
0xb4: {  	_ =	swait.ge [sflag:s29], $0x1  }
0xb5: {  	[sflag:s29] =	ssyncadd.s32 $0xFFFFFFFF  }
0xb6: {  	_ =	strace $0x90000048  }
0xb7: {  	_ =	sfence  }
0xb8: {  	s30 =	sld [smem:$0x0];
	_ =	sdelay $0x2  }
0xb9: {  	s31 =	sshll.u32 s1, $0xD;
	s1 =	sshrl.u32 s1, $0x2  }
0xba: {  	s3 =	sand.u32 $0x4000, s31;
	s1 =	sadd.s32 s1, s30  }
0xbb: {  	s0 =	sor.u32 s3, s0;
	s1 =	sshll.u32 s1, $0x11  }
0xbc: {  	s0 =	sor.u32 s1, s0  }
0xbd: {  	s0 =	sadd.s32 $0x8F2B, s0  }
0xbe: {  	[sflag:s0] =	ssyncadd.remote.s32 $0x1  }
0xbf: {  	_ =	sfence.sel $0xFFFF  }
0xc0: {  	[dreg:$0x0] =	wrdreg $0xFFFFFFFF;
	(pc) =	sbr.abs _section_cstart, $3  }
0xc1: {  	[dreg:$0x1] =	wrdreg $0xFFFFFFFF  }
0xc2: {  	_ =	task.clear_ibuf [dreg:s7], $0x2FFFF;
	_ =	strace $0x9FFFFFFF  }
0xc3: {  	(tm) =	ssettm $0x7FFFFFFF  }
tec
execute0_lowered:
.L_overlay_start_1:
0x0: {  	(tag) =	ssettag $0x1  }
0x1: {  	s3 =	rddreg [dreg:$0x0]  }
0x2: {  	s1 =	rddreg [dreg:$0x1]  }
0x3: {  	s2 =	rddreg [dreg:$0x2]  }
0x4: {  	s0 =	simm.s32 $0x0;
	s21 =	srdreg.scid;
	s13 =	stileid.u32  }
0x5: {  	s16 =	simm.s32 $0x80;
	s17 =	simm.s32 $0x400;
	s18 =	simm.s32 $0x1  }
0x6: {  	[smem:$0x7FF] =	sst s0;
	s4 =	sand.u32 $0x1, s21;
	s5 =	sshrl.u32 s13, $0x2  }
0x7: {  	s22 =	sand.u32 $0x3, s13;
	s9 =	sadd.s32 $0x1000, s3;
	s30 =	sshll.u32 s13, $0x7  }
0x8: {  	_ =	strace $0x80000047;
	s6 =	sshll.u32 s4, $0x9;
	s7 =	sshll.u32 s5, $0x7  }
0x9: {  	v0 =	vimm.s32 $0xEFCDAB89;
	v1 =	vimm.s32 $0x67452301;
	s8 =	smul.u32 $0xA000, s22;
	s4 =	ssub.s32 $0x2, s4;
	s5 =	sshll.u32 s5, $0x9  }
0xa: {  	v2 =	vimm.s32 $0xDCFE98BA;
	v3 =	vimm.s32 $0x54761032;
	v4 =	vimm.s32 $0xBA98FEDC;
	p0 =	seq.s32 s22, $0x0;
	p1 =	sne.s32 s22, $0x0;
	s6 =	sor.u32 s6, s7  }
0xb: {  	v5 =	vimm.s32 $0x32107654;
	v6 =	vimm.s32 $0xFEDCBA98;
	v7 =	vimm.s32 $0x76543210;
	s10 =	sshrl.u32 s4, $0x1;
	s7 =	sshrl.u32 s6, $0x3;
	s6 =	sor.u32 s8, s6  }
0xc: {  	vm0 =	vcmask $0x3F18;
	vm1 =	vcmask $0x3F14;
	vm2 =	vcmask $0x3F10;
	s14 =	ssub.s32 s4, s10;
	s23 =	sadd.s32 s7, s3;
	s24 =	sshrl.u32 s6, $0x3  }
0xd: {  	vm3 =	vcmask $0x3F0C;
	vm4 =	vcmask $0x3F08;
	vm5 =	vmmov $0x1;
	s3 =	smul.u32 $0x1400, s22;
	s25 =	sadd.s32 $0x28000, s6;
	s11 =	sadd.s32 $0x50000, s6  }
0xe: {  	v22 =	vimm.f32 $-3.000000010e+38;
	v0 =	vunpack.c.l.s4.s8 v0;
	v1 =	vunpack.c.l.s4.s8 v1;
	s12 =	sadd.s32 $0x78000, s6;
	s6 =	sadd.s32 $0xC8000, s6;
	s14 =	smax.u32 s14, $0x1  }
0xf: {  	v2 =	vunpack.c.l.s4.s8 v2;
	v3 =	vunpack.c.l.s4.s8 v3;
	v4 =	vunpack.c.l.s4.s8 v4;
	s4 =	sadd.s32 s9, s24;
	s10 =	sshrl.u32 s25, $0x3;
	s26 =	sshrl.u32 s11, $0x3  }
0x10: {  	v5 =	vunpack.c.l.s4.s8 v5;
	v6 =	vunpack.c.l.s4.s8 v6;
	v0 =	vunpack.c.0.s8.s32 v0;
	s28 =	sshrl.u32 s12, $0x3;
	s6 =	sshrl.u32 s6, $0x3;
	s11 =	sadd.s32 s5, s2  }
0x11: {  	v1 =	vunpack.c.0.s8.s32 v1;
	v2 =	vunpack.c.0.s8.s32 v2;
	v3 =	vunpack.c.0.s8.s32 v3;
	s12 =	sadd.s32 s1, s7;
	s10 =	sadd.s32 s9, s10;
	[dreg:$0x4] =	wrdreg s4  }
0x12: {  	v7 =	vunpack.c.l.s4.s8 v7;
	v4 =	vunpack.c.0.s8.s32 v4;
	v5 =	vunpack.c.0.s8.s32 v5;
	s13 =	sadd.s32 $0x1F000, s23;
	s29 =	sadd.s32 s9, s28;
	[dreg:$0x5] =	wrdreg s10  }
0x13: {  	v6 =	vunpack.c.0.s8.s32 v6;
	v8 =	vcombine.low v1, v0;
	v3 =	vcombine.low v3, v2;
	s24 =	simm.s32 $0x7800;
	s4 =	sadd.s32 $0x14000, s4;
	[dreg:$0x7] =	wrdreg s29  }
0x14: {  	v0 =	vlaneseq.u32;
	v4 =	vcombine.low v5, v4;
	v5 =	vunpack.c.0.s8.s32 v7;
	s25 =	simm.s32 $0x7880;
	s31 =	sadd.s32 s9, s6;
	[dreg:$0x8] =	wrdreg s4  }
0x15: {  	v6 =	vand.u32 $0xF, v6;
	s8 =	sor.u32 $0x70, s3;
	v1 =	vor.u32 s3, v0;
	v2 =	vand.u32 $0xF, v8;
	s10 =	sadd.s32 s9, s26;
	[dreg:$0x9] =	wrdreg s31  }
0x16: {  	v3 =	vand.u32 $0xF, v3;
	v4 =	vand.u32 $0xF, v4;
	v5 =	vcombine.low v6, v5;
	s26 =	simm.s32 $0x0;
	[dreg:$0x6] =	wrdreg s10;
	s10 =	sadd.s32 s30, s2  }
.LBB2_1:
0x17: {  	s1 =	simm.s32 $0x0;
	s0 =	rddreg [dreg:$0x4]  }
0x18: {  	[tilespmem:s1], [sflag:$0x1] =	stream.strided.gather [hbm4b:s0+s16], $0x1400, s17, s16, $0x38;
	[tilespmem:$0x7C00] =	vst v63  }
0x19: {  	_ =	swait.ge [sflag:s18], $0x1400  }
0x1a: {  	[sflag:s18] =	ssyncset.done $0x0  }
0x1b: {  	s2 =	simm.s32 $0x1400;
	s4 =	rddreg [dreg:$0x5];
	[sflag:s18] =	ssyncadd.s32 $0xFFFFEC00  }
0x1c: {  	[tilespmem:s2], [sflag:$0x1] =	stream.strided.gather [hbm4b:s4+s16], $0x1400, s17, s16, $0x38;
	[tilespmem:$0x7C00] =	vst v63  }
0x1d: {  	_ =	swait.ge [sflag:s18], $0x1400  }
0x1e: {  	[sflag:s18] =	ssyncset.done $0x0  }
0x1f: {  	s6 =	simm.s32 $0x2800;
	s5 =	rddreg [dreg:$0x6];
	[sflag:s18] =	ssyncadd.s32 $0xFFFFEC00  }
0x20: {  	[tilespmem:s6], [sflag:$0x1] =	stream.strided.gather [hbm4b:s5+s16], $0x1400, s17, s16, $0x38;
	[tilespmem:$0x7C00] =	vst v63  }
0x21: {  	_ =	swait.ge [sflag:s18], $0x1400  }
0x22: {  	[sflag:s18] =	ssyncset.done $0x0  }
0x23: {  	s9 =	simm.s32 $0x3C00;
	s7 =	rddreg [dreg:$0x7];
	[sflag:s18] =	ssyncadd.s32 $0xFFFFEC00  }
0x24: {  	[tilespmem:s9], [sflag:$0x1] =	stream.strided.gather [hbm4b:s7+s16], $0x1400, s17, s16, $0x38;
	[tilespmem:$0x7C00] =	vst v63  }
0x25: {  	_ =	swait.ge [sflag:s18], $0x1400  }
0x26: {  	[sflag:s18] =	ssyncset.done $0x0  }
0x27: {  	s19 =	simm.s32 $0x5000;
	s15 =	rddreg [dreg:$0x8];
	[sflag:s18] =	ssyncadd.s32 $0xFFFFEC00  }
0x28: {  	[tilespmem:s19], [sflag:$0x1] =	stream.strided.gather [hbm4b:s15+s16], $0x1400, s17, s16, $0x38;
	[tilespmem:$0x7C00] =	vst v63  }
0x29: {  	_ =	swait.ge [sflag:s18], $0x1400  }
0x2a: {  	[sflag:s18] =	ssyncset.done $0x0  }
0x2b: {  	s21 =	simm.s32 $0x6400;
	s20 =	rddreg [dreg:$0x9];
	[sflag:s18] =	ssyncadd.s32 $0xFFFFEC00  }
0x2c: {  	[tilespmem:s21], [sflag:$0x1] =	stream.strided.gather [hbm4b:s20+s16], $0x1400, s17, s16, $0x38;
	[tilespmem:$0x7C00] =	vst v63  }
0x2d: {  	_ =	swait.ge [sflag:s18], $0x1400  }
0x2e: {  	[sflag:s18] =	ssyncset.done $0x0  }
0x2f: {  	s22 =	simm.s32 $0x40;
	[sflag:s18] =	ssyncadd.s32 $0xFFFFEC00  }
0x30: {  	v6 =	vld [tilespmem:s22+$0xFFFFFFC0];
	_ =	sdelay $0x1  }
0x31: {  	v7 =	vld [tilespmem:s22+$0xFFFFFFD0];
	_ =	sdelay $0x1  }
0x32: {  	v8 =	vimm.f32 $-3.000000010e+38;
	v9 =	vld [tilespmem:s22+$0xFFFFFFE0]  }
0x33: {  	vm6 =	vgt.f32 v6, v8  }
0x34: {  	v6 =	vsel vm6, v6, v8;
	v8 =	vld [tilespmem:s22+$0xFFFFFFF0]  }
0x35: {  	vm7 =	vgt.f32 v7, v6  }
0x36: {  	v10 =	vld [tilespmem:s22+$0x0];
	v6 =	vsel vm7, v7, v6;
	v7 =	vimm.s32 $0x0  }
0x37: {  	s23 =	simm.s32 $0x1;
	vm8 =	vgt.f32 v9, v6;
	v7 =	vsel vm6, s1, v7  }
0x38: {  	s28 =	simm.s32 $0x2;
	v6 =	vsel vm8, v9, v6;
	v9 =	vld [tilespmem:s22+$0x10];
	v7 =	vsel vm7, s23, v7  }
0x39: {  	s29 =	simm.s32 $0x3;
	vm6 =	vgt.f32 v8, v6;
	v7 =	vsel vm8, s28, v7  }
0x3a: {  	v6 =	vsel vm6, v8, v6;
	v8 =	vsel vm6, s29, v7;
	v7 =	vld [tilespmem:s22+$0x20]  }
0x3b: {  	vm7 =	vgt.f32 v10, v6  }
0x3c: {  	s30 =	simm.s32 $0x4;
	v10 =	vsel vm7, v10, v6;
	v6 =	vld [tilespmem:s22+$0x30]  }
0x3d: {  	s31 =	simm.s32 $0x5;
	s1 =	simm.s32 $0xC0;
	v11 =	vsel vm7, s30, v8;
	vm6 =	vgt.f32 v9, v10  }
0x3e: {  	s0 =	simm.s32 $0x8;
	s2 =	simm.s32 $0x0;
	s5 =	simm.s32 $0x10;
	v8 =	vld [tilespmem:s1+$0xFFFFFFC0];
	v10 =	vsel vm6, v9, v10;
	v9 =	vsel vm6, s31, v11  }
.LBB2_2:
0x3f: {  	p2 =	slt.u32 s5, $0x138;
	vm6 =	vgt.f32 v7, v10;
	s6 =	sadd.s32 $0x6, s2  }
0x40: {  	v11 =	vld [tilespmem:s1+$0xFFFFFFD0];
	v7 =	vsel vm6, v7, v10;
	v9 =	vsel vm6, s6, v9  }
0x41: {  	s6 =	sadd.s32 $0x7, s2;
	s2 =	smov.u32 s0;
	s0 =	smov.u32 s5;
	vm6 =	vgt.f32 v6, v7  }
0x42: {  	v10 =	vld [tilespmem:s1+$0xFFFFFFE0];
	v6 =	vsel vm6, v6, v7;
	v7 =	vsel vm6, s6, v9  }
0x43: {  	vm6 =	vgt.f32 v8, v6  }
0x44: {  	v6 =	vsel vm6, v8, v6;
	v7 =	vsel vm6, s2, v7;
	v8 =	vld [tilespmem:s1+$0xFFFFFFF0]  }
0x45: {  	s6 =	sadd.s32 $0x1, s2;
	vm6 =	vgt.f32 v11, v6  }
0x46: {  	v6 =	vsel vm6, v11, v6;
	v7 =	vsel vm6, s6, v7;
	v9 =	vld [tilespmem:s1+$0x0]  }
0x47: {  	s6 =	sadd.s32 $0x2, s2;
	vm6 =	vgt.f32 v10, v6  }
0x48: {  	v6 =	vsel vm6, v10, v6;
	v7 =	vsel vm6, s6, v7;
	v10 =	vld [tilespmem:s1+$0x10]  }
0x49: {  	s6 =	sadd.s32 $0x3, s2;
	vm6 =	vgt.f32 v8, v6  }
.Ltmp0:
0x4a: {  	v6 =	vsel vm6, v8, v6;
	v8 =	vsel vm6, s6, v7;
	v7 =	vld [tilespmem:s1+$0x20];
	(pc) =	sbr.rel @p2 .LBB2_2-.Ltmp0, $4  }
0x4b: {  	s6 =	sadd.s32 $0x4, s2;
	vm6 =	vgt.f32 v9, v6  }
0x4c: {  	v9 =	vsel vm6, v9, v6;
	v11 =	vsel vm6, s6, v8;
	v6 =	vld [tilespmem:s1+$0x30]  }
0x4d: {  	s6 =	sadd.s32 $0x5, s2;
	s1 =	sadd.s32 $0x80, s1;
	vm6 =	vgt.f32 v10, v9  }
0x4e: {  	s5 =	sadd.s32 $0x8, s5;
	v8 =	vld [tilespmem:s1+$0xFFFFFFC0];
	v10 =	vsel vm6, v10, v9;
	v9 =	vsel vm6, s6, v11  }
0x4f: {  	vm6 =	vgt.f32 v7, v10  }
0x50: {  	v11 =	vld [tilespmem:s1+$0xFFFFFFD0];
	v7 =	vsel vm6, v7, v10  }
0x51: {  	vm7 =	vgt.f32 v6, v7  }
0x52: {  	v62 =	vld [tilespmem:s1+$0xFFFFFFE0];
	v6 =	vsel vm7, v6, v7  }
0x53: {  	vm8 =	vgt.f32 v8, v6  }
0x54: {  	v7 =	vld [tilespmem:s1+$0xFFFFFFF0];
	v6 =	vsel vm8, v8, v6  }
0x55: {  	vm9 =	vgt.f32 v11, v6  }
0x56: {  	v8 =	vld [tilespmem:s1+$0x0];
	v6 =	vsel vm9, v11, v6  }
0x57: {  	vm10 =	vgt.f32 v62, v6  }
0x58: {  	s5 =	sadd.s32 $0x6, s2;
	v63 =	vld [tilespmem:s1+$0x10];
	v6 =	vsel vm10, v62, v6  }
0x59: {  	s19 =	sadd.s32 $0x7, s2;
	v9 =	vsel vm6, s5, v9;
	vm6 =	vgt.f32 v7, v6  }
0x5a: {  	v9 =	vsel vm7, s19, v9;
	v6 =	vsel vm6, v7, v6;
	v7 =	vld [tilespmem:s1+$0x20]  }
0x5b: {  	s20 =	sadd.s32 $0x1, s0;
	v9 =	vsel vm8, s0, v9;
	vm7 =	vgt.f32 v8, v6  }
0x5c: {  	s21 =	sadd.s32 $0x2, s0;
	v9 =	vsel vm9, s20, v9;
	v6 =	vsel vm7, v8, v6;
	v8 =	vld [tilespmem:s1+$0x30]  }
0x5d: {  	s22 =	sadd.s32 $0x3, s0;
	v9 =	vsel vm10, s21, v9;
	vm15 =	vgt.f32 v63, v6  }
0x5e: {  	s23 =	sadd.s32 $0x4, s0;
	v9 =	vsel vm6, s22, v9;
	v6 =	vsel vm15, v63, v6  }
0x5f: {  	s29 =	sadd.s32 $0x5, s0;
	v9 =	vsel vm7, s23, v9;
	vm6 =	vgt.f32 v7, v6  }
0x60: {  	s30 =	sadd.s32 $0x6, s0;
	v9 =	vsel vm15, s29, v9;
	v6 =	vsel vm6, v7, v6  }
0x61: {  	s31 =	sadd.s32 $0x7, s0;
	v7 =	vsel vm6, s30, v9;
	vm6 =	vgt.f32 v8, v6  }
0x62: {  	s28 =	simm.s32 $0x0;
	v6 =	vsel vm6, v8, v6;
	v7 =	vsel vm6, s31, v7  }
.LBB2_4:
0x63: {  	v7 =	vshll.u32 v7, $0x4  }
0x64: {  	v7 =	vadd.s32 v1, v7  }
0x65: {  	v8 =	vperm.xlane v6, v2;
	v9 =	vperm.xlane v7, v2;
	_ =	sdelay $0x1  }
0x66: {  	vm6 =	veq.f32 v8, v6;
	vm7 =	vlt.s32 v9, v7  }
0x67: {  	vm8 =	vgt.f32 v8, v6;
	vm6 =	vmand vm6, vm7  }
0x68: {  	vm6 =	vmor vm8, vm6  }
0x69: {  	v6 =	vsel vm6, v8, v6;
	v7 =	vsel vm6, v9, v7  }
0x6a: {  	v8 =	vperm.xlane v6, v3;
	v9 =	vperm.xlane v7, v3;
	_ =	sdelay $0x1  }
0x6b: {  	vm6 =	veq.f32 v8, v6;
	vm7 =	vlt.s32 v9, v7  }
0x6c: {  	vm8 =	vgt.f32 v8, v6;
	vm6 =	vmand vm6, vm7  }
0x6d: {  	vm6 =	vmor vm8, vm6  }
0x6e: {  	v6 =	vsel vm6, v8, v6;
	v7 =	vsel vm6, v9, v7  }
0x6f: {  	v8 =	vperm.xlane v6, v4;
	v9 =	vperm.xlane v7, v4;
	_ =	sdelay $0x1  }
0x70: {  	vm6 =	veq.f32 v8, v6;
	vm7 =	vlt.s32 v9, v7  }
0x71: {  	vm8 =	vgt.f32 v8, v6;
	vm6 =	vmand vm6, vm7  }
0x72: {  	vm6 =	vmor vm8, vm6  }
0x73: {  	v6 =	vsel vm6, v8, v6;
	v7 =	vsel vm6, v9, v7  }
0x74: {  	v8 =	vperm.xlane v6, v5;
	v9 =	vperm.xlane v7, v5;
	_ =	sdelay $0x1  }
0x75: {  	vm6 =	veq.f32 v8, v6;
	vm7 =	vlt.s32 v9, v7  }
0x76: {  	vm8 =	vgt.f32 v8, v6;
	vm6 =	vmand vm6, vm7  }
0x77: {  	vm6 =	vmor vm8, vm6  }
0x78: {  	v7 =	vsel vm6, v9, v7  }
0x79: {  	(v2sf) =	vpush v7, $0x0;
	_ =	sdelay $0xe  }
0x7a: {  	s0 =	spop (v2sf)  }
0x7b: {  	s0 =	ssub.s32 s0, s3  }
0x7c: {  	s1 =	sshra.s32 s0, $0x1F  }
0x7d: {  	s1 =	sshrl.u32 s1, $0x1C  }
0x7e: {  	s1 =	sadd.s32 s1, s0  }
0x7f: {  	s1 =	sand.u32 $0xFFFFFFF0, s1  }
0x80: {  	s0 =	ssub.s32 s0, s1;
	v9 =	vld [tilespmem:s1+$0x5000]  }
0x81: {  	v11 =	vld [tilespmem:s1+$0x3C00];
	v10 =	vmov s0  }
0x82: {  	v12 =	vld [tilespmem:s1+$0x2800];
	v10 =	vand.u32 $0xF, v10  }
0x83: {  	v13 =	vld [tilespmem:s1+$0x1400];
	v10 =	vbroadcast v10, $0x0;
	_ =	sdelay $0x1  }
0x84: {  	v9 =	vperm.xlane v9, v10  }
0x85: {  	v11 =	vperm.xlane v11, v10  }
0x86: {  	v12 =	vperm.xlane v12, v10;
	v9 =	vsel vm0, $0x0, v9  }
0x87: {  	v10 =	vperm.xlane v13, v10;
	v9 =	vsel vm1, v9, v11  }
0x88: {  	v7 =	vcvt.s32.f32 v7;
	v9 =	vsel vm2, v9, v12  }
0x89: {  	v9 =	vsel vm3, v9, v10  }
0x8a: {  	v6 =	vsel vm6, v8, v6;
	v7 =	vsel vm4, v9, v7  }
0x8b: {  	v6 =	vsel vm5, v6, v7  }
0x8c: {  	[tilespmem:$0x7800] =	vst v6  }
0x8d: {  	[spmem:s10] =	stream.linear.scatter [tilespmem:s24], [sflag:$0x1], $0x80, $0x38;
	[tilespmem:$0x7C00] =	vst v63  }
0x8e: {  	_ =	swait.ge [sflag:s18], $0x80  }
0x8f: {  	[sflag:s18] =	ssyncset.done $0x0  }
0x90: {  	[sflag:s18] =	ssyncadd.s32 $0xFFFFFF80  }
0x91: {  	[bflag:$0x0] =	sbarrier.arrive $0xFFFF  }
0x92: {  	[tilespmem:s25], [sflag:$0x1] =	stream.linear.gather [spmem:s11], $0x200, $0x38;
	[tilespmem:$0x7C00] =	vst v63  }
0x93: {  	_ =	swait.ge [sflag:s18], $0x200  }
0x94: {  	[sflag:s18] =	ssyncset.done $0x0  }
0x95: {  	[sflag:s18] =	ssyncadd.s32 $0xFFFFFE00  }
0x96: {  	v6 =	vld [tilespmem:$0x7880];
	_ =	sdelay $0x4  }
0x97: {  	(v2sf) =	vpush v6, $0x0  }
0x98: {  	v7 =	vld [tilespmem:$0x7900];
	(v2sf) =	vpush v6, $0x1  }
0x99: {  	(v2sf) =	vpush v6, $0x2  }
0x9a: {  	(v2sf) =	vpush v6, $0x3  }
0x9b: {  	(v2sf) =	vpush v6, $0x4  }
0x9c: {  	(v2sf) =	vpush v6, $0x5  }
0x9d: {  	(v2sf) =	vpush v7, $0x0  }
0x9e: {  	v6 =	vld [tilespmem:$0x7980];
	(v2sf) =	vpush v7, $0x1  }
0x9f: {  	(v2sf) =	vpush v7, $0x2  }
0xa0: {  	(v2sf) =	vpush v7, $0x3  }
0xa1: {  	(v2sf) =	vpush v7, $0x4  }
0xa2: {  	(v2sf) =	vpush v7, $0x5  }
0xa3: {  	(v2sf) =	vpush v6, $0x0  }
0xa4: {  	(v2sf) =	vpush v6, $0x1  }
0xa5: {  	v7 =	vld [tilespmem:$0x7A00]  }
0xa6: {  	s9 =	spop (v2sf);
	(v2sf) =	vpush v6, $0x2  }
0xa7: {  	s15 =	spop (v2sf);
	(v2sf) =	vpush v6, $0x3  }
0xa8: {  	s2 =	spop (v2sf);
	(v2sf) =	vpush v6, $0x4  }
0xa9: {  	s5 =	spop (v2sf);
	(v2sf) =	vpush v6, $0x5  }
0xaa: {  	s6 =	spop (v2sf);
	(v2sf) =	vpush v7, $0x0  }
0xab: {  	s7 =	spop (v2sf);
	(v2sf) =	vpush v7, $0x1  }
0xac: {  	s21 =	spop (v2sf)  }
0xad: {  	s22 =	spop (v2sf);
	p2 =	seq.f32 s21, s9  }
0xae: {  	s20 =	spop (v2sf);
	p3 =	slt.f32 s22, s15  }
0xaf: {  	s0 =	spop (v2sf)  }
0xb0: {  	p4 =	sgt.f32 s21, s9;
	s1 =	spop (v2sf);
	p2 =	por !p2, !p3  }
0xb1: {  	s19 =	spop (v2sf);
	p2 =	por !p2, !p2  }
0xb2: {  	s29 =	spop (v2sf);
	p2 =	por p4, p2  }
0xb3: {  	s31 =	spop (v2sf);
	s9 =	smov.u32 @p2 s21;
	s15 =	smov.u32 @p2 s22  }
0xb4: {  	p4 =	seq.f32 s29, s9;
	p6 =	slt.f32 s31, s15  }
0xb5: {  	s21 =	spop (v2sf)  }
0xb6: {  	p5 =	sgt.f32 s29, s9;
	s22 =	spop (v2sf);
	p3 =	por !p4, !p6  }
0xb7: {  	p3 =	por !p3, !p3;
	s23 =	spop (v2sf)  }
0xb8: {  	p3 =	por p5, p3;
	s30 =	spop (v2sf)  }
0xb9: {  	s9 =	smov.u32 @p3 s29;
	s29 =	spop (v2sf)  }
0xba: {  	s15 =	smov.u32 @p3 s31;
	s31 =	spop (v2sf)  }
0xbb: {  	p5 =	seq.f32 s29, s9;
	p6 =	slt.f32 s31, s15  }
0xbc: {  	_ = 	snop  }
0xbd: {  	p4 =	por !p5, !p6;
	p6 =	sgt.f32 s29, s9  }
0xbe: {  	v6 =	vld @p0 [tilespmem:$0x7A80];
	p4 =	por !p4, !p4  }
0xbf: {  	v8 =	vld @p0 [tilespmem:$0x7B00];
	p4 =	por p6, p4  }
0xc0: {  	v9 =	vld @p0 [tilespmem:$0x7A90];
	s15 =	smov.u32 @p4 s31  }
0xc1: {  	v11 =	vlaneseq.u32 @p0;
	v10 =	vmov @p0 s28;
	v12 =	vld @p0 [tilespmem:$0x7B10];
	s15 =	scvt.f32.s32 s15  }
0xc2: {  	vm6 =	veq.s32 @p0 v10, v11;
	v13 =	vld @p0 [tilespmem:$0x7AA0];
	p5 =	por !p4, !p0  }
0xc3: {  	v14 =	vor.u32 @p0 $0x10, v11;
	v15 =	vld @p0 [tilespmem:$0x7B20];
	s29 =	smov.u32 @p5 s9;
	v6 =	vsel @p0 vm6, s15, v6  }
0xc4: {  	(v2sf) =	vpush v7, $0x2;
	[tilespmem:$0x7A80] =	vst @p0 v6;
	v6 =	vsel @p0 vm6, s29, v8;
	vm6 =	veq.s32 @p0 v10, v14;
	v8 =	vld @p0 [tilespmem:$0x7AB0]  }
0xc5: {  	(v2sf) =	vpush v7, $0x3;
	v14 =	vld @p0 [tilespmem:$0x7B30];
	[tilespmem:$0x7B00] =	vst @p0 v6;
	v6 =	vsel @p0 vm6, s15, v9;
	v9 =	vor.u32 @p0 $0x20, v11  }
0xc6: {  	(v2sf) =	vpush v7, $0x4;
	[tilespmem:$0x7A90] =	vst @p0 v6;
	v6 =	vsel @p0 vm6, s29, v12;
	vm6 =	veq.s32 @p0 v10, v9;
	v9 =	vld @p0 [tilespmem:$0x7AC0]  }
0xc7: {  	(v2sf) =	vpush v7, $0x5;
	v7 =	vor.u32 @p0 $0x30, v11;
	v12 =	vld @p0 [tilespmem:$0x7B40];
	[tilespmem:$0x7B10] =	vst @p0 v6;
	v6 =	vsel @p0 vm6, s15, v13  }
0xc8: {  	[tilespmem:$0x7AA0] =	vst @p0 v6;
	v6 =	vsel @p0 vm6, s29, v15;
	vm6 =	veq.s32 @p0 v10, v7;
	v7 =	vld @p0 [tilespmem:$0x7AD0]  }
0xc9: {  	v13 =	vld @p0 [tilespmem:$0x7B50];
	[tilespmem:$0x7B20] =	vst @p0 v6;
	v6 =	vsel @p0 vm6, s15, v8;
	v8 =	vor.u32 @p0 $0x40, v11  }
0xca: {  	[tilespmem:$0x7AB0] =	vst @p0 v6;
	v6 =	vsel @p0 vm6, s29, v14;
	vm6 =	veq.s32 @p0 v10, v8;
	v8 =	vld @p0 [tilespmem:$0x7AE0]  }
0xcb: {  	v14 =	vld @p0 [tilespmem:$0x7B60];
	[tilespmem:$0x7B30] =	vst @p0 v6;
	v6 =	vsel @p0 vm6, s15, v9;
	v9 =	vor.u32 @p0 $0x50, v11  }
0xcc: {  	[tilespmem:$0x7AC0] =	vst @p0 v6;
	v6 =	vsel @p0 vm6, s29, v12;
	vm6 =	veq.s32 @p0 v10, v9  }
0xcd: {  	[tilespmem:$0x7B40] =	vst @p0 v6;
	v6 =	vsel @p0 vm6, s15, v7;
	v7 =	vor.u32 @p0 $0x60, v11  }
0xce: {  	[tilespmem:$0x7AD0] =	vst @p0 v6;
	v6 =	vsel @p0 vm6, s29, v13;
	vm6 =	veq.s32 @p0 v10, v7  }
0xcf: {  	[tilespmem:$0x7B50] =	vst @p0 v6;
	v6 =	vsel @p0 vm6, s15, v8  }
0xd0: {  	[tilespmem:$0x7AE0] =	vst @p0 v6;
	v6 =	vsel @p0 vm6, s29, v14  }
0xd1: {  	s2 =	smov.u32 @p2 s20;
	s5 =	smov.u32 @p2 s0;
	s29 =	simm.s32 $0x1440;
	[tilespmem:$0x7B60] =	vst @p0 v6  }
0xd2: {  	s6 =	smov.u32 @p2 s1;
	s7 =	smov.u32 @p2 s19;
	s31 =	simm.s32 $0x5040;
	v10 =	vld [tilespmem:s29+$0xFFFFFFC0]  }
0xd3: {  	s0 =	simm.s32 $0x3C40;
	s1 =	simm.s32 $0x2840;
	s9 =	spop (v2sf);
	v11 =	vld [tilespmem:s31+$0xFFFFFFC0]  }
0xd4: {  	s2 =	smov.u32 @p3 s21;
	s5 =	smov.u32 @p3 s22;
	s20 =	spop (v2sf);
	v12 =	vld [tilespmem:s0+$0xFFFFFFC0]  }
0xd5: {  	s6 =	smov.u32 @p3 s23;
	s7 =	smov.u32 @p3 s30;
	s4 =	spop (v2sf);
	v13 =	vld [tilespmem:s1+$0xFFFFFFC0]  }
0xd6: {  	s2 =	smov.u32 @p4 s9;
	s6 =	smov.u32 @p4 s4;
	s4 =	spop (v2sf)  }
0xd7: {  	s5 =	smov.u32 @p4 s20;
	s7 =	smov.u32 @p4 s4;
	s22 =	ssub.f32 s6, s2  }
0xd8: {  	s23 =	ssub.f32 s7, s5;
	v9 =	vmov s7;
	v6 =	vmov s6  }
0xd9: {  	v7 =	vmov s5;
	v8 =	vmov s2;
	v12 =	vmin.f32 v12, v6  }
0xda: {  	s19 =	simm.s32 $0x6440;
	s5 =	smax.f32 s22, $0.0e+00;
	s6 =	smax.f32 s23, $0.0e+00;
	v10 =	vmax.f32 v10, v8;
	v11 =	vmin.f32 v11, v9;
	v13 =	vmax.f32 v13, v7  }
0xdb: {  	s2 =	smul.f32 s6, s5;
	v10 =	vsub.f32 v12, v10;
	v11 =	vsub.f32 v11, v13;
	v12 =	vld [tilespmem:s19+$0xFFFFFFC0];
	_ =	sdelay $0x1  }
0xdc: {  	s2 =	sadd.f32 $9.999999930e-09, s2;
	v10 =	vmax.f32 v10, $0.0e+00;
	v11 =	vmax.f32 v11, $0.0e+00  }
0xdd: {  	s30 =	simm.s32 $0x40;
	v10 =	vmul.f32 v11, v10  }
0xde: {  	v15 =	vmov @!p0 s15;
	v14 =	vld [tilespmem:s30+$0xFFFFFFC0];
	v11 =	vmov s2  }
0xdf: {  	s7 =	sadd.s32 $0xFFFFFF90, s8;
	v13 =	vmov @p0 s15;
	v12 =	vadd.f32 v12, v11;
	v16 =	vmul.f32 $3.000000000e+00, v10  }
0xe0: {  	v10 =	vpsel p0, v13, v15;
	v13 =	vor.u32 s7, v0  }
0xe1: {  	vm7 =	veq.s32 v13, v10;
	vm6 =	vgt.f32 v16, v12  }
0xe2: {  	vm6 =	vmor vm7, vm6  }
0xe3: {  	v12 =	vsel vm6, $0xCE6E6B28, v14  }
0xe4: {  	[tilespmem:s30+$0xFFFFFFC0] =	vst v12  }
0xe5: {  	v13 =	vld [tilespmem:s31+$0xFFFFFFD0]  }
0xe6: {  	v14 =	vld [tilespmem:s0+$0xFFFFFFD0]  }
0xe7: {  	v15 =	vld [tilespmem:s1+$0xFFFFFFD0]  }
0xe8: {  	v16 =	vld [tilespmem:s29+$0xFFFFFFD0];
	_ =	sdelay $0x3  }
0xe9: {  	v13 =	vmin.f32 v13, v9  }
0xea: {  	v14 =	vmin.f32 v14, v6;
	v15 =	vmax.f32 v15, v7;
	v16 =	vmax.f32 v16, v8  }
0xeb: {  	v13 =	vsub.f32 v13, v15;
	v14 =	vsub.f32 v14, v16;
	v15 =	vld [tilespmem:s19+$0xFFFFFFD0];
	_ =	sdelay $0x1  }
0xec: {  	v13 =	vmax.f32 v13, $0.0e+00;
	v14 =	vmax.f32 v14, $0.0e+00  }
0xed: {  	v13 =	vmul.f32 v13, v14  }
0xee: {  	v14 =	vld [tilespmem:s30+$0xFFFFFFD0]  }
0xef: {  	s9 =	sadd.s32 $0xFFFFFFA0, s8;
	v15 =	vadd.f32 v15, v11;
	v13 =	vmul.f32 $3.000000000e+00, v13  }
0xf0: {  	v16 =	vor.u32 s9, v0  }
0xf1: {  	vm7 =	veq.s32 v16, v10;
	vm6 =	vgt.f32 v13, v15  }
0xf2: {  	vm6 =	vmor vm7, vm6  }
0xf3: {  	v13 =	vsel vm6, $0xCE6E6B28, v14  }
0xf4: {  	[tilespmem:s30+$0xFFFFFFD0] =	vst v13  }
0xf5: {  	v14 =	vld [tilespmem:s29+$0xFFFFFFE0]  }
0xf6: {  	v15 =	vld [tilespmem:s31+$0xFFFFFFE0]  }
0xf7: {  	v16 =	vld [tilespmem:s1+$0xFFFFFFE0]  }
0xf8: {  	v17 =	vld [tilespmem:s0+$0xFFFFFFE0];
	_ =	sdelay $0x3  }
0xf9: {  	v15 =	vmin.f32 v15, v9  }
0xfa: {  	v16 =	vmax.f32 v16, v7;
	v17 =	vmin.f32 v17, v6;
	v14 =	vmax.f32 v14, v8  }
0xfb: {  	v15 =	vsub.f32 v15, v16;
	v14 =	vsub.f32 v17, v14;
	v16 =	vld [tilespmem:s19+$0xFFFFFFE0];
	_ =	sdelay $0x1  }
0xfc: {  	v14 =	vmax.f32 v14, $0.0e+00;
	v15 =	vmax.f32 v15, $0.0e+00  }
0xfd: {  	v14 =	vmul.f32 v15, v14  }
0xfe: {  	v15 =	vld [tilespmem:s30+$0xFFFFFFE0]  }
0xff: {  	s15 =	sadd.s32 $0xFFFFFFB0, s8;
	v16 =	vadd.f32 v16, v11;
	v14 =	vmul.f32 $3.000000000e+00, v14  }
0x100: {  	v17 =	vor.u32 s15, v0  }
0x101: {  	vm7 =	veq.s32 v17, v10;
	vm6 =	vgt.f32 v14, v16  }
0x102: {  	vm6 =	vmor vm7, vm6  }
0x103: {  	v14 =	vsel vm6, $0xCE6E6B28, v15  }
0x104: {  	[tilespmem:s30+$0xFFFFFFE0] =	vst v14  }
0x105: {  	v15 =	vld [tilespmem:s0+$0xFFFFFFF0]  }
0x106: {  	v16 =	vld [tilespmem:s1+$0xFFFFFFF0]  }
0x107: {  	v17 =	vld [tilespmem:s29+$0xFFFFFFF0]  }
0x108: {  	v18 =	vld [tilespmem:s31+$0xFFFFFFF0];
	_ =	sdelay $0x3  }
0x109: {  	v16 =	vmax.f32 v16, v7  }
0x10a: {  	v15 =	vmin.f32 v15, v6;
	v17 =	vmax.f32 v17, v8;
	v18 =	vmin.f32 v18, v9  }
0x10b: {  	v15 =	vsub.f32 v15, v17;
	v16 =	vsub.f32 v18, v16;
	v17 =	vld [tilespmem:s19+$0xFFFFFFF0];
	_ =	sdelay $0x1  }
0x10c: {  	v15 =	vmax.f32 v15, $0.0e+00;
	v16 =	vmax.f32 v16, $0.0e+00  }
0x10d: {  	v15 =	vmul.f32 v16, v15  }
0x10e: {  	v16 =	vld [tilespmem:s30+$0xFFFFFFF0]  }
0x10f: {  	s20 =	sadd.s32 $0xFFFFFFC0, s8;
	v17 =	vadd.f32 v17, v11;
	v15 =	vmul.f32 $3.000000000e+00, v15  }
0x110: {  	v52 =	vor.u32 s20, v0  }
0x111: {  	vm7 =	veq.s32 v52, v10;
	vm6 =	vgt.f32 v15, v17  }
0x112: {  	vm6 =	vmor vm7, vm6  }
0x113: {  	v15 =	vsel vm6, $0xCE6E6B28, v16  }
0x114: {  	[tilespmem:s30+$0xFFFFFFF0] =	vst v15  }
0x115: {  	v16 =	vld [tilespmem:s31+$0x0]  }
0x116: {  	v17 =	vld [tilespmem:s29+$0x0]  }
0x117: {  	v53 =	vld [tilespmem:s1+$0x0]  }
0x118: {  	v19 =	vld [tilespmem:s0+$0x0];
	_ =	sdelay $0x3  }
0x119: {  	v16 =	vmin.f32 v16, v9  }
0x11a: {  	v17 =	vmax.f32 v17, v8;
	v18 =	vmax.f32 v53, v7;
	v19 =	vmin.f32 v19, v6  }
0x11b: {  	v54 =	vld [tilespmem:s19+$0x0];
	v16 =	vsub.f32 v16, v18;
	v17 =	vsub.f32 v19, v17;
	_ =	sdelay $0x1  }
0x11c: {  	v17 =	vmax.f32 v17, $0.0e+00;
	v16 =	vmax.f32 v16, $0.0e+00  }
0x11d: {  	v16 =	vmul.f32 v16, v17  }
0x11e: {  	v17 =	vld [tilespmem:s30+$0x0]  }
0x11f: {  	s21 =	sadd.s32 $0xFFFFFFD0, s8;
	v18 =	vadd.f32 v54, v11;
	v16 =	vmul.f32 $3.000000000e+00, v16  }
0x120: {  	v55 =	vor.u32 s21, v0  }
0x121: {  	vm7 =	veq.s32 v55, v10;
	vm6 =	vgt.f32 v16, v18  }
0x122: {  	vm6 =	vmor vm7, vm6  }
0x123: {  	v16 =	vsel vm6, $0xCE6E6B28, v17  }
0x124: {  	[tilespmem:s30+$0x0] =	vst v16  }
0x125: {  	v17 =	vld [tilespmem:s31+$0x10]  }
0x126: {  	v56 =	vld [tilespmem:s0+$0x10]  }
0x127: {  	v57 =	vld [tilespmem:s1+$0x10]  }
0x128: {  	v20 =	vld [tilespmem:s29+$0x10];
	_ =	sdelay $0x3  }
0x129: {  	v18 =	vmin.f32 v56, v6  }
0x12a: {  	v17 =	vmin.f32 v17, v9;
	v19 =	vmax.f32 v57, v7;
	v20 =	vmax.f32 v20, v8  }
0x12b: {  	v21 =	vld [tilespmem:s19+$0x10];
	v17 =	vsub.f32 v17, v19;
	v18 =	vsub.f32 v18, v20;
	_ =	sdelay $0x1  }
0x12c: {  	v17 =	vmax.f32 v17, $0.0e+00;
	v18 =	vmax.f32 v18, $0.0e+00  }
0x12d: {  	v17 =	vmul.f32 v17, v18  }
0x12e: {  	v58 =	vld [tilespmem:s30+$0x10]  }
0x12f: {  	s22 =	sadd.s32 $0xFFFFFFE0, s8;
	v59 =	vadd.f32 v21, v11;
	v17 =	vmul.f32 $3.000000000e+00, v17  }
0x130: {  	v20 =	vor.u32 s22, v0  }
0x131: {  	vm7 =	veq.s32 v20, v10;
	vm6 =	vgt.f32 v17, v59  }
0x132: {  	vm6 =	vmor vm7, vm6  }
0x133: {  	v17 =	vsel vm6, $0xCE6E6B28, v58  }
0x134: {  	[tilespmem:s30+$0x10] =	vst v17  }
0x135: {  	v60 =	vld [tilespmem:s31+$0x20]  }
0x136: {  	v61 =	vld [tilespmem:s1+$0x20]  }
0x137: {  	v20 =	vld [tilespmem:s29+$0x20]  }
0x138: {  	v21 =	vld [tilespmem:s0+$0x20];
	_ =	sdelay $0x2  }
0x139: {  	vm6 =	vgt.f32 v12, v22  }
0x13a: {  	v12 =	vsel vm6, v12, v22;
	v18 =	vmin.f32 v60, v9  }
0x13b: {  	v19 =	vmax.f32 v61, v7;
	v21 =	vmin.f32 v21, v6;
	v20 =	vmax.f32 v20, v8  }
0x13c: {  	vm7 =	vgt.f32 v13, v12;
	v18 =	vsub.f32 v18, v19;
	v62 =	vsub.f32 v21, v20;
	v20 =	vld [tilespmem:s19+$0x20]  }
0x13d: {  	v12 =	vsel vm7, v13, v12  }
0x13e: {  	vm8 =	vgt.f32 v14, v12;
	v13 =	vmax.f32 v62, $0.0e+00;
	v18 =	vmax.f32 v18, $0.0e+00  }
0x13f: {  	v12 =	vsel vm8, v14, v12;
	v13 =	vmul.f32 v18, v13  }
0x140: {  	v63 =	vld [tilespmem:s30+$0x20];
	vm9 =	vgt.f32 v15, v12  }
0x141: {  	s23 =	sadd.s32 $0xFFFFFFF0, s8;
	v12 =	vsel vm9, v15, v12;
	v14 =	vadd.f32 v20, v11;
	v13 =	vmul.f32 $3.000000000e+00, v13  }
0x142: {  	v15 =	vor.u32 s23, v0;
	vm10 =	vgt.f32 v16, v12  }
0x143: {  	s21 =	simm.s32 $0x8;
	s20 =	simm.s32 $0x0;
	s5 =	simm.s32 $0x64C0;
	vm13 =	veq.s32 v15, v10;
	v16 =	vsel vm10, v16, v12;
	vm12 =	vgt.f32 v13, v14  }
0x144: {  	s6 =	simm.s32 $0x2840;
	s2 =	simm.s32 $0x50C0;
	s7 =	simm.s32 $0x1440;
	v12 =	vor.u32 s8, v0;
	vm11 =	vgt.f32 v17, v16;
	vm12 =	vmor vm13, vm12  }
0x145: {  	s15 =	smov.u32 s8;
	s22 =	simm.s32 $0xC0;
	s23 =	simm.s32 $0x3CC0;
	v13 =	vimm.s32 $0x0;
	v14 =	vsel vm11, v17, v16;
	v15 =	vsel vm12, $0xCE6E6B28, v63  }
.LBB2_5:
0x146: {  	s15 =	sadd.s32 $0x80, s15;
	s29 =	sadd.s32 $0x80, s29;
	s1 =	sadd.s32 $0x80, s1  }
0x147: {  	p2 =	slt.u32 s21, $0x138;
	s9 =	smov.u32 s21;
	s21 =	sadd.s32 $0x8, s21;
	v16 =	vor.u32 s15, v0;
	[tilespmem:s30+$0x20] =	vst v15  }
0x148: {  	v17 =	vld [tilespmem:s7+$0x30];
	s7 =	smov.u32 s29  }
0x149: {  	v18 =	vld [tilespmem:s31+$0x30];
	s31 =	smov.u32 s2  }
0x14a: {  	v19 =	vld [tilespmem:s0+$0x30];
	s0 =	smov.u32 s23  }
0x14b: {  	v20 =	vld [tilespmem:s6+$0x30];
	s6 =	smov.u32 s1  }
0x14c: {  	v21 =	vld [tilespmem:s19+$0x30];
	s19 =	smov.u32 s5  }
0x14d: {  	v17 =	vmax.f32 v17, v8  }
0x14e: {  	v18 =	vmin.f32 v18, v9  }
0x14f: {  	v19 =	vmin.f32 v19, v6  }
0x150: {  	v17 =	vsub.f32 v19, v17;
	v19 =	vmax.f32 v20, v7  }
0x151: {  	v18 =	vsub.f32 v18, v19  }
0x152: {  	v17 =	vmax.f32 v17, $0.0e+00  }
0x153: {  	v18 =	vmax.f32 v18, $0.0e+00  }
0x154: {  	v13 =	vsel vm6, s20, v13;
	s4 =	sadd.s32 $0x1, s20;
	v17 =	vmul.f32 v18, v17;
	v18 =	vld [tilespmem:s30+$0x30]  }
0x155: {  	v13 =	vsel vm7, s4, v13;
	s4 =	sadd.s32 $0x2, s20;
	v19 =	vadd.f32 v21, v11  }
0x156: {  	v13 =	vsel vm8, s4, v13;
	s4 =	sadd.s32 $0x3, s20;
	v17 =	vmul.f32 $3.000000000e+00, v17  }
0x157: {  	vm6 =	veq.s32 v12, v10;
	v12 =	vmov v16;
	v13 =	vsel vm9, s4, v13;
	s4 =	sadd.s32 $0x4, s20  }
0x158: {  	vm7 =	vgt.f32 v15, v14;
	v13 =	vsel vm10, s4, v13;
	s4 =	sadd.s32 $0x5, s20;
	vm8 =	vgt.f32 v17, v19  }
0x159: {  	v14 =	vsel vm7, v15, v14;
	v13 =	vsel vm11, s4, v13;
	s4 =	sadd.s32 $0x6, s20;
	vm6 =	vmor vm6, vm8  }
0x15a: {  	v13 =	vsel vm7, s4, v13;
	s4 =	sadd.s32 $0x7, s20;
	s20 =	smov.u32 s9;
	v15 =	vsel vm6, $0xCE6E6B28, v18  }
0x15b: {  	[tilespmem:s30+$0x30] =	vst v15;
	vm6 =	vgt.f32 v15, v14;
	s30 =	smov.u32 s22  }
0x15c: {  	v16 =	vld [tilespmem:s29+$0xFFFFFFC0];
	v14 =	vsel vm6, v15, v14;
	v13 =	vsel vm6, s4, v13  }
0x15d: {  	v15 =	vld [tilespmem:s2+$0xFFFFFFC0]  }
0x15e: {  	v17 =	vld [tilespmem:s23+$0xFFFFFFC0]  }
0x15f: {  	v18 =	vld [tilespmem:s1+$0xFFFFFFC0];
	_ =	sdelay $0x3  }
0x160: {  	v16 =	vmax.f32 v16, v8;
	v17 =	vmin.f32 v17, v6  }
0x161: {  	v15 =	vmin.f32 v15, v9;
	v16 =	vsub.f32 v17, v16;
	v17 =	vmax.f32 v18, v7  }
0x162: {  	v15 =	vsub.f32 v15, v17;
	v17 =	vld [tilespmem:s5+$0xFFFFFFC0];
	_ =	sdelay $0x1  }
0x163: {  	v16 =	vmax.f32 v16, $0.0e+00;
	v15 =	vmax.f32 v15, $0.0e+00  }
0x164: {  	v15 =	vmul.f32 v15, v16  }
0x165: {  	v16 =	vld [tilespmem:s22+$0xFFFFFFC0]  }
0x166: {  	s4 =	sadd.s32 $0xFFFFFF90, s15;
	v17 =	vadd.f32 v17, v11;
	v15 =	vmul.f32 $3.000000000e+00, v15  }
0x167: {  	v18 =	vor.u32 s4, v0  }
0x168: {  	vm7 =	veq.s32 v18, v10;
	vm6 =	vgt.f32 v15, v17  }
0x169: {  	vm6 =	vmor vm7, vm6  }
0x16a: {  	v15 =	vsel vm6, $0xCE6E6B28, v16  }
0x16b: {  	[tilespmem:s22+$0xFFFFFFC0] =	vst v15;
	vm6 =	vgt.f32 v15, v14  }
0x16c: {  	v16 =	vld [tilespmem:s2+$0xFFFFFFD0]  }
0x16d: {  	v17 =	vld [tilespmem:s23+$0xFFFFFFD0]  }
0x16e: {  	v18 =	vld [tilespmem:s1+$0xFFFFFFD0]  }
0x16f: {  	v19 =	vld [tilespmem:s29+$0xFFFFFFD0];
	_ =	sdelay $0x1  }
0x170: {  	v16 =	vmin.f32 v16, v9  }
0x171: {  	v17 =	vmin.f32 v17, v6  }
0x172: {  	v18 =	vmax.f32 v18, v7  }
0x173: {  	v19 =	vmax.f32 v19, v8;
	v16 =	vsub.f32 v16, v18  }
0x174: {  	v17 =	vsub.f32 v17, v19;
	v18 =	vld [tilespmem:s5+$0xFFFFFFD0]  }
0x175: {  	v16 =	vmax.f32 v16, $0.0e+00  }
0x176: {  	v17 =	vmax.f32 v17, $0.0e+00  }
0x177: {  	v16 =	vmul.f32 v16, v17  }
0x178: {  	v17 =	vld [tilespmem:s22+$0xFFFFFFD0]  }
0x179: {  	s4 =	sadd.s32 $0xFFFFFFA0, s15;
	v18 =	vadd.f32 v18, v11;
	v16 =	vmul.f32 $3.000000000e+00, v16  }
0x17a: {  	v19 =	vor.u32 s4, v0  }
0x17b: {  	vm8 =	veq.s32 v19, v10;
	vm7 =	vgt.f32 v16, v18  }
0x17c: {  	vm7 =	vmor vm8, vm7  }
0x17d: {  	v16 =	vsel vm7, $0xCE6E6B28, v17  }
0x17e: {  	[tilespmem:s22+$0xFFFFFFD0] =	vst v16  }
0x17f: {  	v17 =	vld [tilespmem:s29+$0xFFFFFFE0]  }
0x180: {  	v18 =	vld [tilespmem:s2+$0xFFFFFFE0]  }
0x181: {  	v19 =	vld [tilespmem:s1+$0xFFFFFFE0]  }
0x182: {  	v20 =	vld [tilespmem:s23+$0xFFFFFFE0];
	_ =	sdelay $0x2  }
0x183: {  	v18 =	vmin.f32 v18, v9  }
0x184: {  	v19 =	vmax.f32 v19, v7  }
0x185: {  	v17 =	vmax.f32 v17, v8;
	v20 =	vmin.f32 v20, v6;
	v18 =	vsub.f32 v18, v19  }
0x186: {  	v17 =	vsub.f32 v20, v17;
	v19 =	vld [tilespmem:s5+$0xFFFFFFE0];
	_ =	sdelay $0x1  }
0x187: {  	v18 =	vmax.f32 v18, $0.0e+00;
	v17 =	vmax.f32 v17, $0.0e+00  }
0x188: {  	v17 =	vmul.f32 v18, v17  }
0x189: {  	v18 =	vld [tilespmem:s22+$0xFFFFFFE0]  }
0x18a: {  	s4 =	sadd.s32 $0xFFFFFFB0, s15;
	v19 =	vadd.f32 v19, v11;
	v17 =	vmul.f32 $3.000000000e+00, v17  }
0x18b: {  	v20 =	vor.u32 s4, v0  }
0x18c: {  	v14 =	vsel vm6, v15, v14;
	vm9 =	veq.s32 v20, v10;
	vm8 =	vgt.f32 v17, v19  }
0x18d: {  	vm7 =	vgt.f32 v16, v14;
	vm8 =	vmor vm9, vm8  }
0x18e: {  	v14 =	vsel vm7, v16, v14;
	v15 =	vsel vm8, $0xCE6E6B28, v18  }
0x18f: {  	[tilespmem:s22+$0xFFFFFFE0] =	vst v15;
	vm8 =	vgt.f32 v15, v14  }
0x190: {  	v16 =	vld [tilespmem:s23+$0xFFFFFFF0]  }
0x191: {  	v17 =	vld [tilespmem:s1+$0xFFFFFFF0]  }
0x192: {  	v18 =	vld [tilespmem:s29+$0xFFFFFFF0]  }
0x193: {  	v19 =	vld [tilespmem:s2+$0xFFFFFFF0];
	_ =	sdelay $0x2  }
0x194: {  	v17 =	vmax.f32 v17, v7  }
0x195: {  	v16 =	vmin.f32 v16, v6;
	v18 =	vmax.f32 v18, v8  }
0x196: {  	v16 =	vsub.f32 v16, v18;
	v18 =	vmin.f32 v19, v9  }
0x197: {  	v17 =	vsub.f32 v18, v17;
	v18 =	vld [tilespmem:s5+$0xFFFFFFF0]  }
0x198: {  	v16 =	vmax.f32 v16, $0.0e+00  }
0x199: {  	v17 =	vmax.f32 v17, $0.0e+00  }
0x19a: {  	v16 =	vmul.f32 v17, v16  }
0x19b: {  	v17 =	vld [tilespmem:s22+$0xFFFFFFF0]  }
0x19c: {  	s4 =	sadd.s32 $0xFFFFFFC0, s15;
	v18 =	vadd.f32 v18, v11;
	v16 =	vmul.f32 $3.000000000e+00, v16  }
0x19d: {  	v19 =	vor.u32 s4, v0  }
0x19e: {  	vm10 =	veq.s32 v19, v10;
	vm9 =	vgt.f32 v16, v18  }
0x19f: {  	vm9 =	vmor vm10, vm9  }
0x1a0: {  	v14 =	vsel vm8, v15, v14;
	v15 =	vsel vm9, $0xCE6E6B28, v17  }
0x1a1: {  	[tilespmem:s22+$0xFFFFFFF0] =	vst v15;
	vm9 =	vgt.f32 v15, v14  }
0x1a2: {  	v16 =	vld [tilespmem:s2+$0x0]  }
0x1a3: {  	v17 =	vld [tilespmem:s29+$0x0]  }
0x1a4: {  	v18 =	vld [tilespmem:s1+$0x0]  }
0x1a5: {  	v19 =	vld [tilespmem:s23+$0x0];
	_ =	sdelay $0x2  }
0x1a6: {  	v16 =	vmin.f32 v16, v9  }
0x1a7: {  	v17 =	vmax.f32 v17, v8;
	v18 =	vmax.f32 v18, v7  }
0x1a8: {  	v19 =	vmin.f32 v19, v6;
	v16 =	vsub.f32 v16, v18  }
0x1a9: {  	v17 =	vsub.f32 v19, v17;
	v18 =	vld [tilespmem:s5+$0x0];
	_ =	sdelay $0x1  }
0x1aa: {  	v16 =	vmax.f32 v16, $0.0e+00;
	v17 =	vmax.f32 v17, $0.0e+00  }
0x1ab: {  	v16 =	vmul.f32 v16, v17  }
0x1ac: {  	v17 =	vld [tilespmem:s22+$0x0]  }
0x1ad: {  	s4 =	sadd.s32 $0xFFFFFFD0, s15;
	v18 =	vadd.f32 v18, v11;
	v16 =	vmul.f32 $3.000000000e+00, v16  }
0x1ae: {  	v19 =	vor.u32 s4, v0  }
0x1af: {  	vm11 =	veq.s32 v19, v10;
	vm10 =	vgt.f32 v16, v18  }
0x1b0: {  	vm10 =	vmor vm11, vm10  }
0x1b1: {  	v14 =	vsel vm9, v15, v14;
	v15 =	vsel vm10, $0xCE6E6B28, v17  }
0x1b2: {  	[tilespmem:s22+$0x0] =	vst v15;
	vm10 =	vgt.f32 v15, v14  }
0x1b3: {  	v14 =	vsel vm10, v15, v14;
	v15 =	vld [tilespmem:s2+$0x10]  }
0x1b4: {  	v16 =	vld [tilespmem:s23+$0x10]  }
0x1b5: {  	v17 =	vld [tilespmem:s1+$0x10]  }
0x1b6: {  	v18 =	vld [tilespmem:s29+$0x10]  }
0x1b7: {  	v19 =	vld [tilespmem:s5+$0x10];
	_ =	sdelay $0x1  }
0x1b8: {  	v16 =	vmin.f32 v16, v6  }
0x1b9: {  	v15 =	vmin.f32 v15, v9;
	v17 =	vmax.f32 v17, v7  }
0x1ba: {  	v18 =	vmax.f32 v18, v8;
	v15 =	vsub.f32 v15, v17  }
0x1bb: {  	v16 =	vsub.f32 v16, v18  }
0x1bc: {  	v15 =	vmax.f32 v15, $0.0e+00  }
0x1bd: {  	v16 =	vmax.f32 v16, $0.0e+00  }
0x1be: {  	v15 =	vmul.f32 v15, v16  }
0x1bf: {  	v16 =	vld [tilespmem:s22+$0x10]  }
0x1c0: {  	s4 =	sadd.s32 $0xFFFFFFE0, s15;
	v17 =	vadd.f32 v19, v11;
	v15 =	vmul.f32 $3.000000000e+00, v15  }
0x1c1: {  	v18 =	vor.u32 s4, v0  }
0x1c2: {  	vm12 =	veq.s32 v18, v10;
	vm11 =	vgt.f32 v15, v17  }
0x1c3: {  	vm11 =	vmor vm12, vm11  }
0x1c4: {  	v15 =	vsel vm11, $0xCE6E6B28, v16  }
0x1c5: {  	[tilespmem:s22+$0x10] =	vst v15;
	vm11 =	vgt.f32 v15, v14  }
0x1c6: {  	v14 =	vsel vm11, v15, v14;
	v15 =	vld [tilespmem:s2+$0x20]  }
0x1c7: {  	v16 =	vld [tilespmem:s1+$0x20]  }
0x1c8: {  	v17 =	vld [tilespmem:s29+$0x20]  }
0x1c9: {  	v18 =	vld [tilespmem:s23+$0x20]  }
0x1ca: {  	v19 =	vld [tilespmem:s5+$0x20];
	_ =	sdelay $0x1  }
0x1cb: {  	v15 =	vmin.f32 v15, v9;
	v16 =	vmax.f32 v16, v7  }
0x1cc: {  	v15 =	vsub.f32 v15, v16  }
0x1cd: {  	v17 =	vmax.f32 v17, v8;
	v16 =	vmin.f32 v18, v6  }
0x1ce: {  	v16 =	vsub.f32 v16, v17;
	_ =	sdelay $0x1  }
0x1cf: {  	v15 =	vmax.f32 v15, $0.0e+00;
	v16 =	vmax.f32 v16, $0.0e+00  }
0x1d0: {  	v15 =	vmul.f32 v15, v16  }
0x1d1: {  	v16 =	vld [tilespmem:s22+$0x20]  }
.Ltmp1:
0x1d2: {  	s4 =	sadd.s32 $0xFFFFFFF0, s15;
	v17 =	vadd.f32 v19, v11;
	v15 =	vmul.f32 $3.000000000e+00, v15;
	(pc) =	sbr.rel @p2 .LBB2_5-.Ltmp1, $4  }
0x1d3: {  	v18 =	vor.u32 s4, v0  }
0x1d4: {  	vm13 =	veq.s32 v18, v10;
	vm12 =	vgt.f32 v15, v17  }
0x1d5: {  	s22 =	sadd.s32 $0x80, s22;
	vm12 =	vmor vm13, vm12  }
0x1d6: {  	s2 =	sadd.s32 $0x80, s2;
	s23 =	sadd.s32 $0x80, s23;
	s5 =	sadd.s32 $0x80, s5;
	v15 =	vsel vm12, $0xCE6E6B28, v16  }
0x1d7: {  	[tilespmem:s30+$0x20] =	vst v15  }
0x1d8: {  	v16 =	vld [tilespmem:s7+$0x30]  }
0x1d9: {  	v17 =	vld [tilespmem:s31+$0x30]  }
0x1da: {  	v18 =	vld [tilespmem:s0+$0x30]  }
0x1db: {  	v19 =	vld [tilespmem:s6+$0x30];
	_ =	sdelay $0x3  }
0x1dc: {  	v8 =	vmax.f32 v16, v8  }
0x1dd: {  	v9 =	vmin.f32 v17, v9;
	v6 =	vmin.f32 v18, v6;
	v7 =	vmax.f32 v19, v7  }
0x1de: {  	v61 =	vld [tilespmem:s19+$0x30];
	v6 =	vsub.f32 v6, v8;
	v7 =	vsub.f32 v9, v7;
	_ =	sdelay $0x1  }
0x1df: {  	v6 =	vmax.f32 v6, $0.0e+00;
	v7 =	vmax.f32 v7, $0.0e+00  }
0x1e0: {  	v6 =	vmul.f32 v7, v6  }
0x1e1: {  	v8 =	vld [tilespmem:s30+$0x30]  }
0x1e2: {  	s15 =	sadd.s32 $0x1, s20;
	v62 =	vadd.f32 v61, v11;
	v7 =	vsel vm6, s20, v13;
	v6 =	vmul.f32 $3.000000000e+00, v6  }
0x1e3: {  	s28 =	sadd.s32 $0x1, s28;
	s19 =	sadd.s32 $0x2, s20;
	v7 =	vsel vm7, s15, v7  }
0x1e4: {  	s21 =	sadd.s32 $0x3, s20;
	p2 =	sne.s32 s28, $0x64;
	vm6 =	veq.s32 v12, v10;
	v7 =	vsel vm8, s19, v7;
	vm7 =	vgt.f32 v6, v62  }
.Ltmp2:
0x1e5: {  	s22 =	sadd.s32 $0x4, s20;
	v7 =	vsel vm9, s21, v7;
	vm6 =	vmor vm6, vm7;
	(pc) =	sbr.rel @p2 .LBB2_4-.Ltmp2, $4  }
0x1e6: {  	s23 =	sadd.s32 $0x5, s20;
	vm15 =	vgt.f32 v15, v14;
	v6 =	vsel vm10, s22, v7;
	v8 =	vsel vm6, $0xCE6E6B28, v8  }
0x1e7: {  	s29 =	sadd.s32 $0x6, s20;
	v7 =	vsel vm15, v15, v14;
	v6 =	vsel vm11, s23, v6;
	[tilespmem:s30+$0x30] =	vst v8  }
0x1e8: {  	s31 =	sadd.s32 $0x7, s20;
	v63 =	vsel vm15, s29, v6;
	vm6 =	vgt.f32 v8, v7;
	[bflag:$0x0] =	sbarrier.arrive $0xFFFF  }
0x1e9: {  	v6 =	vsel vm6, v8, v7;
	v7 =	vsel vm6, s31, v63  }
0x1ea: {  	s0 =	simm.s32 @!p1 $0x0;
	s1 =	simm.s32 @!p1 $0x7A80  }
0x1eb: {  	[hbm4b:s12+s0] =	stream.linear.scatter @!p1 [tilespmem:s1], [sflag:$0x1], $0x80, $0x38;
	[tilespmem:$0x7C00] =	vst v63  }
0x1ec: {  	s1 =	simm.s32 @!p1 $0x1  }
0x1ed: {  	s26 =	sadd.s32 $0x1, s26;
	_ =	swait.ge @!p1 [sflag:s1], $0x80  }
0x1ee: {  	p2 =	sne.s32 s26, s14;
	[sflag:s1] =	ssyncset.done @!p1 $0x0  }
.Ltmp3:
0x1ef: {  	s2 =	simm.s32 @!p1 $0x7B00;
	[sflag:s1] =	ssyncadd.s32 @!p1 $0xFFFFFF80;
	(pc) =	sbr.rel @p2 .LBB2_1-.Ltmp3, $4  }
0x1f0: {  	[hbm4b:s13+s0] =	stream.linear.scatter @!p1 [tilespmem:s2], [sflag:$0x1], $0x80, $0x38;
	[tilespmem:$0x7C00] =	vst v63  }
0x1f1: {  	_ =	swait.ge @!p1 [sflag:s1], $0x80  }
0x1f2: {  	[sflag:s1] =	ssyncset.done @!p1 $0x0  }
0x1f3: {  	[sflag:s1] =	ssyncadd.s32 @!p1 $0xFFFFFF80  }
0x1f4: {  	_ =	sfence.sel $0x180000  }
0x1f5: {  	[bflag:$0x0] =	sbarrier.arrive $0xFFFF  }
0x1f6: {  	_ =	strace $0x90000047  }
0x1f7: {  	s0 =	stileid.u32;
	[bflag:$0x2] =	sbarrier.arrive $0xFFFF  }
0x1f8: {  	p0 =	sne.s32 s0, $0x0;
	s0 =	rddreg [dreg:$0x3]  }
0x1f9: {  	s0 =	sadd.s32 @!p0 $0x100000, s0  }
0x1fa: {  	[sflag:s0] =	ssyncadd.tile.s32 @!p0 $0x1;
	_ =	shalt  }
.Lfunc_end2:
_tile_overlayer_lowered:
.L_overlay_start_2:
0x1fb: {  	(tag) =	ssettag $0x2  }
0x1fc: {  	s0 =	rddreg [dreg:$0x0];
	s2 =	stileid.u32  }
0x1fd: {  	s1 =	rddreg [dreg:$0x1];
	p0 =	sne.s32 s2, $0x0  }
0x1fe: {  	s3 =	rddreg [dreg:$0x2];
	[bflag:$0x3] =	sbarrier.arrive $0xFFFF;
	s2 =	simm.s32 @!p0 $0x1C01  }
0x1ff: {  	[timem:s3], [sflag:s2] =	dma.local @!p0 [hbm:s0], s1  }
0x200: {  	s0 =	simm.s32 @!p0 $0x1  }
0x201: {  	_ =	swait.ge @!p0 [sflag:s0], s1  }
0x202: {  	s1 =	ssub.s32 @!p0 $0x0, s1;
	[sflag:s0] =	ssyncset.done @!p0 $0x0  }
0x203: {  	[sflag:s0] =	ssyncadd.s32 @!p0 s1  }
0x204: {  	[bflag:$0x3] =	sbarrier.arrive $0xFFFF  }
0x205: {  	_ =	shalt  }

</sc_bundles>
